<compile_context>
chip_gen: v7x
topology: tpu7x:2x2x1
jax: 0.10.2.dev20260603
libtpu: 0.0.44.dev20260713+nightly
codegen_flags: <defaults>
</compile_context>

<pallas_src>
import functools

import jax
import jax.numpy as jnp
from jax import lax
from jax.experimental import pallas as pl
from jax.experimental.pallas import tpu as pltpu
from jax.experimental.pallas import tpu_sc as plsc

_START_WARM = 5000
_END_WARM = 15000
_TOP_P = 0.15
_CUR_EPOCH_VALUE = 10000

_ROWS, _COLS = 4096, 1024
_N = _ROWS * _COLS

if _CUR_EPOCH_VALUE > _END_WARM:
    _THIS_P = _TOP_P
else:
    _THIS_P = _TOP_P + (1.0 - _TOP_P) * (
        (_END_WARM - _CUR_EPOCH_VALUE) / (_END_WARM - _START_WARM))
_K = int(_N * _THIS_P)

_NC, _NS, _L = 2, 16, 16
_NW = _NC * _NS
_PER_W = _N // _NW
_CHUNK = 16384
_NCHUNK = _PER_W // _CHUNK
_UNROLL = 16

_B1, _B2 = 32768, 65536


def _bce_body(x_ref, t_ref, raw_ref, psum_ref):
    x = x_ref[...]
    t = t_ref[...]
    raw = jnp.maximum(x, 0.0) - x * t + jnp.log1p(jnp.exp(-jnp.abs(x)))
    raw_ref[...] = raw
    psum_ref[pl.program_id(0)] = jnp.sum(raw)


_BCE_GRID = 8
_BCE_BR = _ROWS // _BCE_GRID


def _bce(x2d, t2d):
    return pl.pallas_call(
        _bce_body,
        grid=(_BCE_GRID,),
        in_specs=[pl.BlockSpec((_BCE_BR, _COLS), lambda i: (i, 0)),
                  pl.BlockSpec((_BCE_BR, _COLS), lambda i: (i, 0))],
        out_specs=[pl.BlockSpec((_BCE_BR, _COLS), lambda i: (i, 0)),
                   pl.BlockSpec(memory_space=pltpu.SMEM)],
        out_shape=[jax.ShapeDtypeStruct((_ROWS, _COLS), jnp.float32),
                   jax.ShapeDtypeStruct((_BCE_GRID,), jnp.float32)],
    )(x2d, t2d)


def _zero_hist(hist_v, words):
    zeros16 = jnp.zeros((_L,), jnp.int32)

    def zbody(i, c):
        for j in range(8):
            hist_v[pl.ds(i * 8 * _L + j * _L, _L)] = zeros16
        return c

    lax.fori_loop(0, words // (8 * _L), zbody, 0)


def _mesh():
    return plsc.VectorSubcoreMesh(
        core_axis_name="c", subcore_axis_name="s", num_cores=_NC)


def _wid():
    return lax.axis_index("c") * _NS + lax.axis_index("s")


def _make_pass(level):
    nbins = _B1 if level == 1 else _B2
    words = nbins

    @functools.partial(
        pl.kernel,
        mesh=_mesh(),
        out_type=[jax.ShapeDtypeStruct((_NW * nbins,), jnp.int32),
                  jax.ShapeDtypeStruct((_NW * _L,), jnp.float32)],
        scratch_types=[pltpu.VMEM((words,), jnp.int32),
                       pltpu.VMEM((_CHUNK,), jnp.float32),
                       pltpu.VMEM((_CHUNK,), jnp.float32),
                       pltpu.VMEM((_L,), jnp.float32),
                       pltpu.VMEM((2 * _L,), jnp.int32),
                       pltpu.SemaphoreType.DMA,
                       pltpu.SemaphoreType.DMA],
        compiler_params=pltpu.CompilerParams(needs_layout_passes=False),
    )
    def apass(raw_hbm, sel_hbm, hist_out, acc_out, hist_v, buf_a, buf_b,
              acc_v, sel_v, sem_a, sem_b):
        wid = _wid()
        base = wid * _PER_W
        _zero_hist(hist_v, words)
        pltpu.sync_copy(sel_hbm, sel_v)
        sel_a = sel_v[pl.ds(0, _L)]
        ones = jnp.ones((_L,), jnp.int32)

        def chunk_src(c):
            return raw_hbm.at[pl.ds(base + c * _CHUNK, _CHUNK)]

        def process(buf, acc):
            def vbody(i, acc2):
                for j in range(_UNROLL):
                    v = buf[pl.ds((i * _UNROLL + j) * _L, _L)]
                    key = plsc.bitcast(v, jnp.int32)
                    if level == 1:
                        b = jax.lax.shift_right_logical(key, 16)
                        plsc.addupdate_scatter(hist_v, [b], ones)
                    else:
                        f = jax.lax.shift_right_logical(key, 16)
                        m_eq = f == sel_a
                        m_gt = f > sel_a
                        b = jnp.bitwise_and(key, 0xFFFF)
                        plsc.addupdate_scatter(hist_v, [b], ones,
                                               mask=m_eq)
                        acc2 = acc2 + jnp.where(m_gt, v, 0.0)
                return acc2

            return lax.fori_loop(0, _CHUNK // (_L * _UNROLL), vbody, acc)

        pltpu.async_copy(chunk_src(0), buf_a, sem_a)

        def outer(o, acc):
            c0 = 2 * o
            pltpu.async_copy(chunk_src(c0 + 1), buf_b, sem_b)
            pltpu.make_async_copy(chunk_src(c0), buf_a, sem_a).wait()
            acc = process(buf_a, acc)
            nxt = jnp.where(c0 + 2 < _NCHUNK, c0 + 2, 0)
            pltpu.async_copy(chunk_src(nxt), buf_a, sem_a)
            pltpu.make_async_copy(chunk_src(c0 + 1), buf_b, sem_b).wait()
            return process(buf_b, acc)

        acc = lax.fori_loop(0, _NCHUNK // 2, outer,
                            jnp.zeros((_L,), jnp.float32))
        pltpu.make_async_copy(chunk_src(0), buf_a, sem_a).wait()
        pltpu.sync_copy(hist_v.at[pl.ds(0, nbins)],
                        hist_out.at[pl.ds(wid * nbins, nbins)])
        acc_v[...] = acc
        pltpu.sync_copy(acc_v, acc_out.at[pl.ds(wid * _L, _L)])

    return apass


_pass1 = _make_pass(1)
_pass2 = _make_pass(2)


def _prefix_above(h, rows):
    c = jnp.sum(h.astype(jnp.float32), axis=0)
    iu = lax.broadcasted_iota(jnp.int32, (128, 128), 0)
    ju = lax.broadcasted_iota(jnp.int32, (128, 128), 1)
    upper_incl = (iu <= ju).astype(jnp.float32)
    row_incl = jnp.dot(c, upper_incl,
                       preferred_element_type=jnp.float32,
                       precision=lax.Precision.HIGHEST)
    s_row = row_incl[:, 127:128]
    ir = lax.broadcasted_iota(jnp.int32, (rows, rows), 0)
    jr = lax.broadcasted_iota(jnp.int32, (rows, rows), 1)
    lower_strict = (jr < ir).astype(jnp.float32)
    prev_rows = jnp.dot(lower_strict, s_row,
                        preferred_element_type=jnp.float32,
                        precision=lax.Precision.HIGHEST)
    incl = row_incl + prev_rows
    above = jnp.sum(c) - incl
    return c, above


def _flat_pos(rows, dtype):
    p = (lax.broadcasted_iota(jnp.int32, (rows, 128), 0) * 128
         + lax.broadcasted_iota(jnp.int32, (rows, 128), 1))
    return p.astype(dtype)


_S1R = _B1 // 128


def _sel1_body(h_ref, sel_ref, st_ref):
    c, above = _prefix_above(h_ref[...], _S1R)
    cond = jnp.logical_and(above < _K, above + c >= _K)
    pos = _flat_pos(_S1R, jnp.float32)
    b1 = jnp.sum(jnp.where(cond, pos, 0.0))
    s1 = jnp.sum(jnp.where(cond, above, 0.0))
    b1_i = b1.astype(jnp.int32)
    for j in range(2 * _L):
        sel_ref[j] = b1_i
    st_ref[0] = b1
    st_ref[1] = s1


def _sel1(h1):
    return pl.pallas_call(
        _sel1_body,
        out_shape=[jax.ShapeDtypeStruct((2 * _L,), jnp.int32),
                   jax.ShapeDtypeStruct((2,), jnp.float32)],
        out_specs=[pl.BlockSpec(memory_space=pltpu.SMEM),
                   pl.BlockSpec(memory_space=pltpu.SMEM)],
    )(h1.reshape(_NW, _S1R, 128))


_S2R = _B2 // 128


def _sel2_body(h_ref, a_ref, st_ref, ps_ref, ep_ref, out_ref):
    c, above = _prefix_above(h_ref[...], _S2R)
    b1 = st_ref[0]
    s1 = st_ref[1]
    k1 = _K - s1
    cond = jnp.logical_and(above < k1, above + c >= k1)
    pos_i = _flat_pos(_S2R, jnp.int32)
    pos_f = _flat_pos(_S2R, jnp.float32)
    b2 = jnp.sum(jnp.where(cond, pos_f, 0.0))
    s2 = jnp.sum(jnp.where(cond, above, 0.0))
    base = b1.astype(jnp.int32) * _B2
    vals = lax.bitcast_convert_type(base + pos_i, jnp.float32)
    sum_rec = jnp.sum(jnp.where(pos_f > b2, c * vals, 0.0))
    tau = jnp.sum(jnp.where(pos_f == b2, vals, 0.0))
    sum_hi = jnp.sum(a_ref[...])
    ties = _K - (s1 + s2)
    mean_top = (sum_hi + sum_rec + ties * tau) / _K
    warm = 0.0
    for j in range(_BCE_GRID):
        warm = warm + ps_ref[j]
    warm = warm / _N
    out_ref[0] = jnp.where(ep_ref[0] < _START_WARM, warm, mean_top)


def _sel2(h2, a2, st, psums, epoch):
    return pl.pallas_call(
        _sel2_body,
        in_specs=[pl.BlockSpec(memory_space=pltpu.VMEM),
                  pl.BlockSpec(memory_space=pltpu.VMEM),
                  pl.BlockSpec(memory_space=pltpu.SMEM),
                  pl.BlockSpec(memory_space=pltpu.SMEM),
                  pl.BlockSpec(memory_space=pltpu.SMEM)],
        out_shape=jax.ShapeDtypeStruct((1,), jnp.float32),
        out_specs=pl.BlockSpec(memory_space=pltpu.SMEM),
    )(h2.reshape(_NW, _S2R, 128), a2.reshape(4, 128), st, psums, epoch)


def kernel(input, target, cur_epoch):
    x = input.reshape(_ROWS, _COLS)
    t = target.reshape(_ROWS, _COLS)
    raw2d, psums = _bce(x, t)
    raw = raw2d.reshape(-1)

    sel0 = jnp.zeros((2 * _L,), jnp.int32)
    h1, _ = _pass1(raw, sel0)
    sel2, st = _sel1(h1)
    h2, a2 = _pass2(raw, sel2)
    epoch = jnp.full((1,), cur_epoch, jnp.int32)
    out = _sel2(h2, a2, st, psums, epoch)
    return out.reshape(())

# --- scband reference (transcript-rebuilt; emitter-appended) ---
"""Pipeline reference for scband-bootstrapped-bce-19670950215927 (READ-ONLY COPY).

The authoritative reference and input builder live on the scoring server;
editing this copy changes nothing except your own understanding.
"""

import jax, jax.numpy as jnp
import numpy as np

START_WARM = 5000
END_WARM = 15000
TOP_P = 0.15

CUR_EPOCH_VALUE = 10000


def _bce_with_logits(x, t):
    # numerically stable elementwise binary cross entropy with logits
    return jnp.maximum(x, 0.0) - x * t + jnp.log1p(jnp.exp(-jnp.abs(x)))


def setup_inputs(seed: int = 0) -> dict:
    key = jax.random.key(seed)
    k1, k2 = jax.random.split(key)
    inp = jax.random.normal(k1, (16, 1, 512, 512), dtype=jnp.float32)
    tgt = jax.random.uniform(k2, (16, 1, 512, 512), dtype=jnp.float32)
    return {"input": inp, "target": tgt, "cur_epoch": CUR_EPOCH_VALUE}


def reference(input, target, cur_epoch):
    raw = _bce_with_logits(input, target)
    warm_loss = jnp.mean(raw)
    raw_loss = raw.reshape(-1)
    num_pixels = raw_loss.shape[0]
    if CUR_EPOCH_VALUE > END_WARM:
        this_p = TOP_P
    else:
        this_p = TOP_P + (1.0 - TOP_P) * ((END_WARM - CUR_EPOCH_VALUE) / (END_WARM - START_WARM))
    k = int(num_pixels * this_p)
    loss, _ = jax.lax.top_k(raw_loss, k)
    return jnp.where(cur_epoch < START_WARM, warm_loss, jnp.mean(loss))

if __name__ == "__main__":
    import jax
    _d = setup_inputs()
    print(jax.jit(kernel)(*tuple(_d.values())))

</pallas_src>

<mosaic_0001>
#map = affine_map<(d0, d1) -> (0)>
module attributes {stable_mosaic.version = 14 : i64} {
  func.func @apass(%arg0: i32, %arg1: i32, %arg2: memref<4194304xf32, #tpu.memory_space<hbm>>, %arg3: memref<32xi32, #tpu.memory_space<hbm>>, %arg4: memref<1048576xi32, #tpu.memory_space<hbm>>, %arg5: memref<512xf32, #tpu.memory_space<hbm>>, %arg6: memref<32768xi32, #tpu.memory_space<vmem>>, %arg7: memref<16384xf32, #tpu.memory_space<vmem>>, %arg8: memref<16384xf32, #tpu.memory_space<vmem>>, %arg9: memref<16xf32, #tpu.memory_space<vmem>>, %arg10: memref<32xi32, #tpu.memory_space<vmem>>, %arg11: memref<!tpu.dma_semaphore, #tpu.memory_space<semaphore_mem>>, %arg12: memref<!tpu.dma_semaphore, #tpu.memory_space<semaphore_mem>>) attributes {dimension_semantics = [#tpu.dimension_semantics<core_parallel>, #tpu.dimension_semantics<subcore_parallel>], iteration_bounds = array<i64: 2, 16>, scalar_prefetch = 0 : i64, scratch_operands = 7 : i64, tpu.core_type = #tpu.core_type<sc_vector_subcore>, window_params = [{transform_indices = #map}, {transform_indices = #map}, {transform_indices = #map}, {transform_indices = #map}]} {
    %mul3A = arith.constant 16 : i32
    %mul3A_0 = arith.muli %arg0, %mul3A : i32
    %add3A = arith.addi %mul3A_0, %arg1 : i32
    %mul3A_1 = arith.constant 131072 : i32
    %mul3A_2 = arith.muli %add3A, %mul3A_1 : i32
    %broadcast_in_dim3A = arith.constant 0 : i32
    %broadcast_in_dim3A_3 = vector.broadcast %broadcast_in_dim3A : i32 to vector<16xi32>
    %scan3A = arith.constant 0 : i32
    %scan3A_4 = arith.constant 0 : i32
    %scan3A_5 = arith.constant 256 : i32
    %scan3A_6 = arith.addi %scan3A_4, %scan3A_5 : i32
    %scan3A_7 = arith.constant 1 : i32
    scf.for %scan3A_30 = %scan3A_4 to %scan3A_6 step %scan3A_7  : i32 {
      %mul3A_31 = arith.constant 8 : i32
      %mul3A_32 = arith.muli %scan3A_30, %mul3A_31 : i32
      %mul3A_33 = arith.constant 16 : i32
      %mul3A_34 = arith.muli %mul3A_32, %mul3A_33 : i32
      %add3A_35 = arith.constant 0 : i32
      %add3A_36 = arith.addi %mul3A_34, %add3A_35 : i32
      %swap3A_37 = arith.index_cast %add3A_36 : i32 to index
      %swap3A_38 = tpu.vector_load %arg6[%swap3A_37] {strides = array<i32>} : memref<32768xi32, #tpu.memory_space<vmem>>, vector<16xi32>,
      tpu.vector_store %arg6[%swap3A_37], %broadcast_in_dim3A_3 {strides = array<i32>} : memref<32768xi32, #tpu.memory_space<vmem>>, vector<16xi32>,
      %mul3A_39 = arith.constant 8 : i32
      %mul3A_40 = arith.muli %scan3A_30, %mul3A_39 : i32
      %mul3A_41 = arith.constant 16 : i32
      %mul3A_42 = arith.muli %mul3A_40, %mul3A_41 : i32
      %add3A_43 = arith.constant 16 : i32
      %add3A_44 = arith.addi %mul3A_42, %add3A_43 : i32
      %swap3A_45 = arith.index_cast %add3A_44 : i32 to index
      %swap3A_46 = tpu.vector_load %arg6[%swap3A_45] {strides = array<i32>} : memref<32768xi32, #tpu.memory_space<vmem>>, vector<16xi32>,
      tpu.vector_store %arg6[%swap3A_45], %broadcast_in_dim3A_3 {strides = array<i32>} : memref<32768xi32, #tpu.memory_space<vmem>>, vector<16xi32>,
      %mul3A_47 = arith.constant 8 : i32
      %mul3A_48 = arith.muli %scan3A_30, %mul3A_47 : i32
      %mul3A_49 = arith.constant 16 : i32
      %mul3A_50 = arith.muli %mul3A_48, %mul3A_49 : i32
      %add3A_51 = arith.constant 32 : i32
      %add3A_52 = arith.addi %mul3A_50, %add3A_51 : i32
      %swap3A_53 = arith.index_cast %add3A_52 : i32 to index
      %swap3A_54 = tpu.vector_load %arg6[%swap3A_53] {strides = array<i32>} : memref<32768xi32, #tpu.memory_space<vmem>>, vector<16xi32>,
      tpu.vector_store %arg6[%swap3A_53], %broadcast_in_dim3A_3 {strides = array<i32>} : memref<32768xi32, #tpu.memory_space<vmem>>, vector<16xi32>,
      %mul3A_55 = arith.constant 8 : i32
      %mul3A_56 = arith.muli %scan3A_30, %mul3A_55 : i32
      %mul3A_57 = arith.constant 16 : i32
      %mul3A_58 = arith.muli %mul3A_56, %mul3A_57 : i32
      %add3A_59 = arith.constant 48 : i32
      %add3A_60 = arith.addi %mul3A_58, %add3A_59 : i32
      %swap3A_61 = arith.index_cast %add3A_60 : i32 to index
      %swap3A_62 = tpu.vector_load %arg6[%swap3A_61] {strides = array<i32>} : memref<32768xi32, #tpu.memory_space<vmem>>, vector<16xi32>,
      tpu.vector_store %arg6[%swap3A_61], %broadcast_in_dim3A_3 {strides = array<i32>} : memref<32768xi32, #tpu.memory_space<vmem>>, vector<16xi32>,
      %mul3A_63 = arith.constant 8 : i32
      %mul3A_64 = arith.muli %scan3A_30, %mul3A_63 : i32
      %mul3A_65 = arith.constant 16 : i32
      %mul3A_66 = arith.muli %mul3A_64, %mul3A_65 : i32
      %add3A_67 = arith.constant 64 : i32
      %add3A_68 = arith.addi %mul3A_66, %add3A_67 : i32
      %swap3A_69 = arith.index_cast %add3A_68 : i32 to index
      %swap3A_70 = tpu.vector_load %arg6[%swap3A_69] {strides = array<i32>} : memref<32768xi32, #tpu.memory_space<vmem>>, vector<16xi32>,
      tpu.vector_store %arg6[%swap3A_69], %broadcast_in_dim3A_3 {strides = array<i32>} : memref<32768xi32, #tpu.memory_space<vmem>>, vector<16xi32>,
      %mul3A_71 = arith.constant 8 : i32
      %mul3A_72 = arith.muli %scan3A_30, %mul3A_71 : i32
      %mul3A_73 = arith.constant 16 : i32
      %mul3A_74 = arith.muli %mul3A_72, %mul3A_73 : i32
      %add3A_75 = arith.constant 80 : i32
      %add3A_76 = arith.addi %mul3A_74, %add3A_75 : i32
      %swap3A_77 = arith.index_cast %add3A_76 : i32 to index
      %swap3A_78 = tpu.vector_load %arg6[%swap3A_77] {strides = array<i32>} : memref<32768xi32, #tpu.memory_space<vmem>>, vector<16xi32>,
      tpu.vector_store %arg6[%swap3A_77], %broadcast_in_dim3A_3 {strides = array<i32>} : memref<32768xi32, #tpu.memory_space<vmem>>, vector<16xi32>,
      %mul3A_79 = arith.constant 8 : i32
      %mul3A_80 = arith.muli %scan3A_30, %mul3A_79 : i32
      %mul3A_81 = arith.constant 16 : i32
      %mul3A_82 = arith.muli %mul3A_80, %mul3A_81 : i32
      %add3A_83 = arith.constant 96 : i32
      %add3A_84 = arith.addi %mul3A_82, %add3A_83 : i32
      %swap3A_85 = arith.index_cast %add3A_84 : i32 to index
      %swap3A_86 = tpu.vector_load %arg6[%swap3A_85] {strides = array<i32>} : memref<32768xi32, #tpu.memory_space<vmem>>, vector<16xi32>,
      tpu.vector_store %arg6[%swap3A_85], %broadcast_in_dim3A_3 {strides = array<i32>} : memref<32768xi32, #tpu.memory_space<vmem>>, vector<16xi32>,
      %mul3A_87 = arith.constant 8 : i32
      %mul3A_88 = arith.muli %scan3A_30, %mul3A_87 : i32
      %mul3A_89 = arith.constant 16 : i32
      %mul3A_90 = arith.muli %mul3A_88, %mul3A_89 : i32
      %add3A_91 = arith.constant 112 : i32
      %add3A_92 = arith.addi %mul3A_90, %add3A_91 : i32
      %swap3A_93 = arith.index_cast %add3A_92 : i32 to index
      %swap3A_94 = tpu.vector_load %arg6[%swap3A_93] {strides = array<i32>} : memref<32768xi32, #tpu.memory_space<vmem>>, vector<16xi32>,
      tpu.vector_store %arg6[%swap3A_93], %broadcast_in_dim3A_3 {strides = array<i32>} : memref<32768xi32, #tpu.memory_space<vmem>>, vector<16xi32>,
    }
    %scan3A_8 = arith.constant 256 : i32
    "tpu.region"() ({
      %run_scoped3A = tpu.sem_alloc : memref<!tpu.dma_semaphore, #tpu.memory_space<semaphore_mem>>
      tpu.enqueue_dma source(%arg3 : memref<32xi32, #tpu.memory_space<hbm>>) target(%arg10 : memref<32xi32, #tpu.memory_space<vmem>>) target_semaphore(%run_scoped3A : memref<!tpu.dma_semaphore, #tpu.memory_space<semaphore_mem>>)
      tpu.wait_dma2 semaphore(%run_scoped3A : memref<!tpu.dma_semaphore, #tpu.memory_space<semaphore_mem>>) src(%arg3 : memref<32xi32, #tpu.memory_space<hbm>>) dst(%arg10 : memref<32xi32, #tpu.memory_space<vmem>>)
      tpu.yield
    }) : () -> ()
    %get3A = arith.constant 0 : index
    %get3A_9 = tpu.vector_load %arg10[%get3A] {strides = array<i32>} : memref<32xi32, #tpu.memory_space<vmem>>, vector<16xi32>,
    %broadcast_in_dim3A_10 = arith.constant 1 : i32
    %broadcast_in_dim3A_11 = vector.broadcast %broadcast_in_dim3A_10 : i32 to vector<16xi32>
    %add3A_12 = arith.constant 0 : i32
    %add3A_13 = arith.addi %mul3A_2, %add3A_12 : i32
    %dma_start3A = tpu.memref_slice %arg2[%add3A_13] : memref<4194304xf32, #tpu.memory_space<hbm>> -> memref<16384xf32, #tpu.memory_space<hbm>>
    %dma_start3A_14 = tpu.memref_slice %arg2[%add3A_13] : memref<4194304xf32, #tpu.memory_space<hbm>> -> memref<16384xf32, #tpu.memory_space<hbm>>
    tpu.enqueue_dma source(%dma_start3A_14 : memref<16384xf32, #tpu.memory_space<hbm>>) target(%arg7 : memref<16384xf32, #tpu.memory_space<vmem>>) target_semaphore(%arg11 : memref<!tpu.dma_semaphore, #tpu.memory_space<semaphore_mem>>)
    %broadcast_in_dim3A_15 = arith.constant 0.000000e+00 : f32
    %broadcast_in_dim3A_16 = vector.broadcast %broadcast_in_dim3A_15 : f32 to vector<16xf32>
    %scan3A_17 = arith.constant 0 : i32
    %scan3A_18 = arith.constant 4 : i32
    %scan3A_19 = arith.addi %scan3A_17, %scan3A_18 : i32
    %scan3A_20 = arith.constant 1 : i32
    scf.for %scan3A_30 = %scan3A_17 to %scan3A_19 step %scan3A_20  : i32 {
      %mul3A_31 = arith.constant 2 : i32
      %mul3A_32 = arith.muli %mul3A_31, %scan3A_30 : i32
      %add3A_33 = arith.constant 1 : i32
      %add3A_34 = arith.addi %mul3A_32, %add3A_33 : i32
      %mul3A_35 = arith.constant 16384 : i32
      %mul3A_36 = arith.muli %add3A_34, %mul3A_35 : i32
      %add3A_37 = arith.addi %mul3A_2, %mul3A_36 : i32
      %dma_start3A_38 = tpu.memref_slice %arg2[%add3A_37] : memref<4194304xf32, #tpu.memory_space<hbm>> -> memref<16384xf32, #tpu.memory_space<hbm>>
      %dma_start3A_39 = tpu.memref_slice %arg2[%add3A_37] : memref<4194304xf32, #tpu.memory_space<hbm>> -> memref<16384xf32, #tpu.memory_space<hbm>>
      tpu.enqueue_dma source(%dma_start3A_39 : memref<16384xf32, #tpu.memory_space<hbm>>) target(%arg8 : memref<16384xf32, #tpu.memory_space<vmem>>) target_semaphore(%arg12 : memref<!tpu.dma_semaphore, #tpu.memory_space<semaphore_mem>>)
      %mul3A_40 = arith.constant 16384 : i32
      %mul3A_41 = arith.muli %mul3A_32, %mul3A_40 : i32
      %add3A_42 = arith.addi %mul3A_2, %mul3A_41 : i32
      %dma_wait3A_43 = tpu.memref_slice %arg2[%add3A_42] : memref<4194304xf32, #tpu.memory_space<hbm>> -> memref<16384xf32, #tpu.memory_space<hbm>>
      %dma_wait3A_44 = tpu.memref_slice %arg2[%add3A_42] : memref<4194304xf32, #tpu.memory_space<hbm>> -> memref<16384xf32, #tpu.memory_space<hbm>>
      tpu.wait_dma2 semaphore(%arg11 : memref<!tpu.dma_semaphore, #tpu.memory_space<semaphore_mem>>) src(%dma_wait3A_44 : memref<16384xf32, #tpu.memory_space<hbm>>) dst(%arg7 : memref<16384xf32, #tpu.memory_space<vmem>>)
      %scan3A_45 = arith.constant 0 : i32
      %scan3A_46 = arith.constant 64 : i32
      %scan3A_47 = arith.addi %scan3A_45, %scan3A_46 : i32
      %scan3A_48 = arith.constant 1 : i32
      scf.for %scan3A_72 = %scan3A_45 to %scan3A_47 step %scan3A_48  : i32 {
        %mul3A_73 = arith.constant 16 : i32
        %mul3A_74 = arith.muli %scan3A_72, %mul3A_73 : i32
        %add3A_75 = arith.constant 0 : i32
        %add3A_76 = arith.addi %mul3A_74, %add3A_75 : i32
        %mul3A_77 = arith.constant 16 : i32
        %mul3A_78 = arith.muli %add3A_76, %mul3A_77 : i32
        %get3A_79 = arith.index_cast %mul3A_78 : i32 to index
        %get3A_80 = tpu.vector_load %arg7[%get3A_79] {strides = array<i32>} : memref<16384xf32, #tpu.memory_space<vmem>>, vector<16xf32>,
        %bitcast3A = vector.bitcast %get3A_80 : vector<16xf32> to vector<16xi32>
        %shift_right_logical3A = arith.constant 16 : i32
        %shift_right_logical3A_81 = vector.broadcast %shift_right_logical3A : i32 to vector<16xi32>
        %shift_right_logical3A_82 = arith.shrui %bitcast3A, %shift_right_logical3A_81 : vector<16xi32>
        tpu.vector_store_idx %arg6[%shift_right_logical3A_82], %broadcast_in_dim3A_11 {add = true} : memref<32768xi32, #tpu.memory_space<vmem>>[vector<16xi32>], vector<16xi32>,
        %mul3A_83 = arith.constant 16 : i32
        %mul3A_84 = arith.muli %scan3A_72, %mul3A_83 : i32
        %add3A_85 = arith.constant 1 : i32
        %add3A_86 = arith.addi %mul3A_84, %add3A_85 : i32
        %mul3A_87 = arith.constant 16 : i32
        %mul3A_88 = arith.muli %add3A_86, %mul3A_87 : i32
        %get3A_89 = arith.index_cast %mul3A_88 : i32 to index
        %get3A_90 = tpu.vector_load %arg7[%get3A_89] {strides = array<i32>} : memref<16384xf32, #tpu.memory_space<vmem>>, vector<16xf32>,
        %bitcast3A_91 = vector.bitcast %get3A_90 : vector<16xf32> to vector<16xi32>
        %shift_right_logical3A_92 = arith.constant 16 : i32
        %shift_right_logical3A_93 = vector.broadcast %shift_right_logical3A_92 : i32 to vector<16xi32>
        %shift_right_logical3A_94 = arith.shrui %bitcast3A_91, %shift_right_logical3A_93 : vector<16xi32>
        tpu.vector_store_idx %arg6[%shift_right_logical3A_94], %broadcast_in_dim3A_11 {add = true} : memref<32768xi32, #tpu.memory_space<vmem>>[vector<16xi32>], vector<16xi32>,
        %mul3A_95 = arith.constant 16 : i32
        %mul3A_96 = arith.muli %scan3A_72, %mul3A_95 : i32
        %add3A_97 = arith.constant 2 : i32
        %add3A_98 = arith.addi %mul3A_96, %add3A_97 : i32
        %mul3A_99 = arith.constant 16 : i32
        %mul3A_100 = arith.muli %add3A_98, %mul3A_99 : i32
        %get3A_101 = arith.index_cast %mul3A_100 : i32 to index
        %get3A_102 = tpu.vector_load %arg7[%get3A_101] {strides = array<i32>} : memref<16384xf32, #tpu.memory_space<vmem>>, vector<16xf32>,
        %bitcast3A_103 = vector.bitcast %get3A_102 : vector<16xf32> to vector<16xi32>
        %shift_right_logical3A_104 = arith.constant 16 : i32
        %shift_right_logical3A_105 = vector.broadcast %shift_right_logical3A_104 : i32 to vector<16xi32>
        %shift_right_logical3A_106 = arith.shrui %bitcast3A_103, %shift_right_logical3A_105 : vector<16xi32>
        tpu.vector_store_idx %arg6[%shift_right_logical3A_106], %broadcast_in_dim3A_11 {add = true} : memref<32768xi32, #tpu.memory_space<vmem>>[vector<16xi32>], vector<16xi32>,
        %mul3A_107 = arith.constant 16 : i32
        %mul3A_108 = arith.muli %scan3A_72, %mul3A_107 : i32
        %add3A_109 = arith.constant 3 : i32
        %add3A_110 = arith.addi %mul3A_108, %add3A_109 : i32
        %mul3A_111 = arith.constant 16 : i32
        %mul3A_112 = arith.muli %add3A_110, %mul3A_111 : i32
        %get3A_113 = arith.index_cast %mul3A_112 : i32 to index
        %get3A_114 = tpu.vector_load %arg7[%get3A_113] {strides = array<i32>} : memref<16384xf32, #tpu.memory_space<vmem>>, vector<16xf32>,
        %bitcast3A_115 = vector.bitcast %get3A_114 : vector<16xf32> to vector<16xi32>
        %shift_right_logical3A_116 = arith.constant 16 : i32
        %shift_right_logical3A_117 = vector.broadcast %shift_right_logical3A_116 : i32 to vector<16xi32>
        %shift_right_logical3A_118 = arith.shrui %bitcast3A_115, %shift_right_logical3A_117 : vector<16xi32>
        tpu.vector_store_idx %arg6[%shift_right_logical3A_118], %broadcast_in_dim3A_11 {add = true} : memref<32768xi32, #tpu.memory_space<vmem>>[vector<16xi32>], vector<16xi32>,
        %mul3A_119 = arith.constant 16 : i32
        %mul3A_120 = arith.muli %scan3A_72, %mul3A_119 : i32
        %add3A_121 = arith.constant 4 : i32
        %add3A_122 = arith.addi %mul3A_120, %add3A_121 : i32
        %mul3A_123 = arith.constant 16 : i32
        %mul3A_124 = arith.muli %add3A_122, %mul3A_123 : i32
        %get3A_125 = arith.index_cast %mul3A_124 : i32 to index
        %get3A_126 = tpu.vector_load %arg7[%get3A_125] {strides = array<i32>} : memref<16384xf32, #tpu.memory_space<vmem>>, vector<16xf32>,
        %bitcast3A_127 = vector.bitcast %get3A_126 : vector<16xf32> to vector<16xi32>
        %shift_right_logical3A_128 = arith.constant 16 : i32
        %shift_right_logical3A_129 = vector.broadcast %shift_right_logical3A_128 : i32 to vector<16xi32>
        %shift_right_logical3A_130 = arith.shrui %bitcast3A_127, %shift_right_logical3A_129 : vector<16xi32>
        tpu.vector_store_idx %arg6[%shift_right_logical3A_130], %broadcast_in_dim3A_11 {add = true} : memref<32768xi32, #tpu.memory_space<vmem>>[vector<16xi32>], vector<16xi32>,
        %mul3A_131 = arith.constant 16 : i32
        %mul3A_132 = arith.muli %scan3A_72, %mul3A_131 : i32
        %add3A_133 = arith.constant 5 : i32
        %add3A_134 = arith.addi %mul3A_132, %add3A_133 : i32
        %mul3A_135 = arith.constant 16 : i32
        %mul3A_136 = arith.muli %add3A_134, %mul3A_135 : i32
        %get3A_137 = arith.index_cast %mul3A_136 : i32 to index
        %get3A_138 = tpu.vector_load %arg7[%get3A_137] {strides = array<i32>} : memref<16384xf32, #tpu.memory_space<vmem>>, vector<16xf32>,
        %bitcast3A_139 = vector.bitcast %get3A_138 : vector<16xf32> to vector<16xi32>
        %shift_right_logical3A_140 = arith.constant 16 : i32
        %shift_right_logical3A_141 = vector.broadcast %shift_right_logical3A_140 : i32 to vector<16xi32>
        %shift_right_logical3A_142 = arith.shrui %bitcast3A_139, %shift_right_logical3A_141 : vector<16xi32>
        tpu.vector_store_idx %arg6[%shift_right_logical3A_142], %broadcast_in_dim3A_11 {add = true} : memref<32768xi32, #tpu.memory_space<vmem>>[vector<16xi32>], vector<16xi32>,
        %mul3A_143 = arith.constant 16 : i32
        %mul3A_144 = arith.muli %scan3A_72, %mul3A_143 : i32
        %add3A_145 = arith.constant 6 : i32
        %add3A_146 = arith.addi %mul3A_144, %add3A_145 : i32
        %mul3A_147 = arith.constant 16 : i32
        %mul3A_148 = arith.muli %add3A_146, %mul3A_147 : i32
        %get3A_149 = arith.index_cast %mul3A_148 : i32 to index
        %get3A_150 = tpu.vector_load %arg7[%get3A_149] {strides = array<i32>} : memref<16384xf32, #tpu.memory_space<vmem>>, vector<16xf32>,
        %bitcast3A_151 = vector.bitcast %get3A_150 : vector<16xf32> to vector<16xi32>
        %shift_right_logical3A_152 = arith.constant 16 : i32
        %shift_right_logical3A_153 = vector.broadcast %shift_right_logical3A_152 : i32 to vector<16xi32>
        %shift_right_logical3A_154 = arith.shrui %bitcast3A_151, %shift_right_logical3A_153 : vector<16xi32>
        tpu.vector_store_idx %arg6[%shift_right_logical3A_154], %broadcast_in_dim3A_11 {add = true} : memref<32768xi32, #tpu.memory_space<vmem>>[vector<16xi32>], vector<16xi32>,
        %mul3A_155 = arith.constant 16 : i32
        %mul3A_156 = arith.muli %scan3A_72, %mul3A_155 : i32
        %add3A_157 = arith.constant 7 : i32
        %add3A_158 = arith.addi %mul3A_156, %add3A_157 : i32
        %mul3A_159 = arith.constant 16 : i32
        %mul3A_160 = arith.muli %add3A_158, %mul3A_159 : i32
        %get3A_161 = arith.index_cast %mul3A_160 : i32 to index
        %get3A_162 = tpu.vector_load %arg7[%get3A_161] {strides = array<i32>} : memref<16384xf32, #tpu.memory_space<vmem>>, vector<16xf32>,
        %bitcast3A_163 = vector.bitcast %get3A_162 : vector<16xf32> to vector<16xi32>
        %shift_right_logical3A_164 = arith.constant 16 : i32
        %shift_right_logical3A_165 = vector.broadcast %shift_right_logical3A_164 : i32 to vector<16xi32>
        %shift_right_logical3A_166 = arith.shrui %bitcast3A_163, %shift_right_logical3A_165 : vector<16xi32>
        tpu.vector_store_idx %arg6[%shift_right_logical3A_166], %broadcast_in_dim3A_11 {add = true} : memref<32768xi32, #tpu.memory_space<vmem>>[vector<16xi32>], vector<16xi32>,
        %mul3A_167 = arith.constant 16 : i32
        %mul3A_168 = arith.muli %scan3A_72, %mul3A_167 : i32
        %add3A_169 = arith.constant 8 : i32
        %add3A_170 = arith.addi %mul3A_168, %add3A_169 : i32
        %mul3A_171 = arith.constant 16 : i32
        %mul3A_172 = arith.muli %add3A_170, %mul3A_171 : i32
        %get3A_173 = arith.index_cast %mul3A_172 : i32 to index
        %get3A_174 = tpu.vector_load %arg7[%get3A_173] {strides = array<i32>} : memref<16384xf32, #tpu.memory_space<vmem>>, vector<16xf32>,
        %bitcast3A_175 = vector.bitcast %get3A_174 : vector<16xf32> to vector<16xi32>
        %shift_right_logical3A_176 = arith.constant 16 : i32
        %shift_right_logical3A_177 = vector.broadcast %shift_right_logical3A_176 : i32 to vector<16xi32>
        %shift_right_logical3A_178 = arith.shrui %bitcast3A_175, %shift_right_logical3A_177 : vector<16xi32>
        tpu.vector_store_idx %arg6[%shift_right_logical3A_178], %broadcast_in_dim3A_11 {add = true} : memref<32768xi32, #tpu.memory_space<vmem>>[vector<16xi32>], vector<16xi32>,
        %mul3A_179 = arith.constant 16 : i32
        %mul3A_180 = arith.muli %scan3A_72, %mul3A_179 : i32
        %add3A_181 = arith.constant 9 : i32
        %add3A_182 = arith.addi %mul3A_180, %add3A_181 : i32
        %mul3A_183 = arith.constant 16 : i32
        %mul3A_184 = arith.muli %add3A_182, %mul3A_183 : i32
        %get3A_185 = arith.index_cast %mul3A_184 : i32 to index
        %get3A_186 = tpu.vector_load %arg7[%get3A_185] {strides = array<i32>} : memref<16384xf32, #tpu.memory_space<vmem>>, vector<16xf32>,
        %bitcast3A_187 = vector.bitcast %get3A_186 : vector<16xf32> to vector<16xi32>
        %shift_right_logical3A_188 = arith.constant 16 : i32
        %shift_right_logical3A_189 = vector.broadcast %shift_right_logical3A_188 : i32 to vector<16xi32>
        %shift_right_logical3A_190 = arith.shrui %bitcast3A_187, %shift_right_logical3A_189 : vector<16xi32>
        tpu.vector_store_idx %arg6[%shift_right_logical3A_190], %broadcast_in_dim3A_11 {add = true} : memref<32768xi32, #tpu.memory_space<vmem>>[vector<16xi32>], vector<16xi32>,
        %mul3A_191 = arith.constant 16 : i32
        %mul3A_192 = arith.muli %scan3A_72, %mul3A_191 : i32
        %add3A_193 = arith.constant 10 : i32
        %add3A_194 = arith.addi %mul3A_192, %add3A_193 : i32
        %mul3A_195 = arith.constant 16 : i32
        %mul3A_196 = arith.muli %add3A_194, %mul3A_195 : i32
        %get3A_197 = arith.index_cast %mul3A_196 : i32 to index
        %get3A_198 = tpu.vector_load %arg7[%get3A_197] {strides = array<i32>} : memref<16384xf32, #tpu.memory_space<vmem>>, vector<16xf32>,
        %bitcast3A_199 = vector.bitcast %get3A_198 : vector<16xf32> to vector<16xi32>
        %shift_right_logical3A_200 = arith.constant 16 : i32
        %shift_right_logical3A_201 = vector.broadcast %shift_right_logical3A_200 : i32 to vector<16xi32>
        %shift_right_logical3A_202 = arith.shrui %bitcast3A_199, %shift_right_logical3A_201 : vector<16xi32>
        tpu.vector_store_idx %arg6[%shift_right_logical3A_202], %broadcast_in_dim3A_11 {add = true} : memref<32768xi32, #tpu.memory_space<vmem>>[vector<16xi32>], vector<16xi32>,
        %mul3A_203 = arith.constant 16 : i32
        %mul3A_204 = arith.muli %scan3A_72, %mul3A_203 : i32
        %add3A_205 = arith.constant 11 : i32
        %add3A_206 = arith.addi %mul3A_204, %add3A_205 : i32
        %mul3A_207 = arith.constant 16 : i32
        %mul3A_208 = arith.muli %add3A_206, %mul3A_207 : i32
        %get3A_209 = arith.index_cast %mul3A_208 : i32 to index
        %get3A_210 = tpu.vector_load %arg7[%get3A_209] {strides = array<i32>} : memref<16384xf32, #tpu.memory_space<vmem>>, vector<16xf32>,
        %bitcast3A_211 = vector.bitcast %get3A_210 : vector<16xf32> to vector<16xi32>
        %shift_right_logical3A_212 = arith.constant 16 : i32
        %shift_right_logical3A_213 = vector.broadcast %shift_right_logical3A_212 : i32 to vector<16xi32>
        %shift_right_logical3A_214 = arith.shrui %bitcast3A_211, %shift_right_logical3A_213 : vector<16xi32>
        tpu.vector_store_idx %arg6[%shift_right_logical3A_214], %broadcast_in_dim3A_11 {add = true} : memref<32768xi32, #tpu.memory_space<vmem>>[vector<16xi32>], vector<16xi32>,
        %mul3A_215 = arith.constant 16 : i32
        %mul3A_216 = arith.muli %scan3A_72, %mul3A_215 : i32
        %add3A_217 = arith.constant 12 : i32
        %add3A_218 = arith.addi %mul3A_216, %add3A_217 : i32
        %mul3A_219 = arith.constant 16 : i32
        %mul3A_220 = arith.muli %add3A_218, %mul3A_219 : i32
        %get3A_221 = arith.index_cast %mul3A_220 : i32 to index
        %get3A_222 = tpu.vector_load %arg7[%get3A_221] {strides = array<i32>} : memref<16384xf32, #tpu.memory_space<vmem>>, vector<16xf32>,
        %bitcast3A_223 = vector.bitcast %get3A_222 : vector<16xf32> to vector<16xi32>
        %shift_right_logical3A_224 = arith.constant 16 : i32
        %shift_right_logical3A_225 = vector.broadcast %shift_right_logical3A_224 : i32 to vector<16xi32>
        %shift_right_logical3A_226 = arith.shrui %bitcast3A_223, %shift_right_logical3A_225 : vector<16xi32>
        tpu.vector_store_idx %arg6[%shift_right_logical3A_226], %broadcast_in_dim3A_11 {add = true} : memref<32768xi32, #tpu.memory_space<vmem>>[vector<16xi32>], vector<16xi32>,
        %mul3A_227 = arith.constant 16 : i32
        %mul3A_228 = arith.muli %scan3A_72, %mul3A_227 : i32
        %add3A_229 = arith.constant 13 : i32
        %add3A_230 = arith.addi %mul3A_228, %add3A_229 : i32
        %mul3A_231 = arith.constant 16 : i32
        %mul3A_232 = arith.muli %add3A_230, %mul3A_231 : i32
        %get3A_233 = arith.index_cast %mul3A_232 : i32 to index
        %get3A_234 = tpu.vector_load %arg7[%get3A_233] {strides = array<i32>} : memref<16384xf32, #tpu.memory_space<vmem>>, vector<16xf32>,
        %bitcast3A_235 = vector.bitcast %get3A_234 : vector<16xf32> to vector<16xi32>
        %shift_right_logical3A_236 = arith.constant 16 : i32
        %shift_right_logical3A_237 = vector.broadcast %shift_right_logical3A_236 : i32 to vector<16xi32>
        %shift_right_logical3A_238 = arith.shrui %bitcast3A_235, %shift_right_logical3A_237 : vector<16xi32>
        tpu.vector_store_idx %arg6[%shift_right_logical3A_238], %broadcast_in_dim3A_11 {add = true} : memref<32768xi32, #tpu.memory_space<vmem>>[vector<16xi32>], vector<16xi32>,
        %mul3A_239 = arith.constant 16 : i32
        %mul3A_240 = arith.muli %scan3A_72, %mul3A_239 : i32
        %add3A_241 = arith.constant 14 : i32
        %add3A_242 = arith.addi %mul3A_240, %add3A_241 : i32
        %mul3A_243 = arith.constant 16 : i32
        %mul3A_244 = arith.muli %add3A_242, %mul3A_243 : i32
        %get3A_245 = arith.index_cast %mul3A_244 : i32 to index
        %get3A_246 = tpu.vector_load %arg7[%get3A_245] {strides = array<i32>} : memref<16384xf32, #tpu.memory_space<vmem>>, vector<16xf32>,
        %bitcast3A_247 = vector.bitcast %get3A_246 : vector<16xf32> to vector<16xi32>
        %shift_right_logical3A_248 = arith.constant 16 : i32
        %shift_right_logical3A_249 = vector.broadcast %shift_right_logical3A_248 : i32 to vector<16xi32>
        %shift_right_logical3A_250 = arith.shrui %bitcast3A_247, %shift_right_logical3A_249 : vector<16xi32>
        tpu.vector_store_idx %arg6[%shift_right_logical3A_250], %broadcast_in_dim3A_11 {add = true} : memref<32768xi32, #tpu.memory_space<vmem>>[vector<16xi32>], vector<16xi32>,
        %mul3A_251 = arith.constant 16 : i32
        %mul3A_252 = arith.muli %scan3A_72, %mul3A_251 : i32
        %add3A_253 = arith.constant 15 : i32
        %add3A_254 = arith.addi %mul3A_252, %add3A_253 : i32
        %mul3A_255 = arith.constant 16 : i32
        %mul3A_256 = arith.muli %add3A_254, %mul3A_255 : i32
        %get3A_257 = arith.index_cast %mul3A_256 : i32 to index
        %get3A_258 = tpu.vector_load %arg7[%get3A_257] {strides = array<i32>} : memref<16384xf32, #tpu.memory_space<vmem>>, vector<16xf32>,
        %bitcast3A_259 = vector.bitcast %get3A_258 : vector<16xf32> to vector<16xi32>
        %shift_right_logical3A_260 = arith.constant 16 : i32
        %shift_right_logical3A_261 = vector.broadcast %shift_right_logical3A_260 : i32 to vector<16xi32>
        %shift_right_logical3A_262 = arith.shrui %bitcast3A_259, %shift_right_logical3A_261 : vector<16xi32>
        tpu.vector_store_idx %arg6[%shift_right_logical3A_262], %broadcast_in_dim3A_11 {add = true} : memref<32768xi32, #tpu.memory_space<vmem>>[vector<16xi32>], vector<16xi32>,
      }
      %scan3A_49 = arith.constant 64 : i32
      %add3A_50 = arith.constant 2 : i32
      %add3A_51 = arith.addi %mul3A_32, %add3A_50 : i32
      %lt3A = arith.constant 8 : i32
      %lt3A_52 = arith.cmpi slt, %add3A_51, %lt3A : i32
      %add3A_53 = arith.constant 2 : i32
      %add3A_54 = arith.addi %mul3A_32, %add3A_53 : i32
      %jit3A = arith.constant 0 : i32
      %select_n3A = arith.select %lt3A_52, %add3A_54, %jit3A : i32
      %mul3A_55 = arith.constant 16384 : i32
      %mul3A_56 = arith.muli %select_n3A, %mul3A_55 : i32
      %add3A_57 = arith.addi %mul3A_2, %mul3A_56 : i32
      %dma_start3A_58 = tpu.memref_slice %arg2[%add3A_57] : memref<4194304xf32, #tpu.memory_space<hbm>> -> memref<16384xf32, #tpu.memory_space<hbm>>
      %dma_start3A_59 = tpu.memref_slice %arg2[%add3A_57] : memref<4194304xf32, #tpu.memory_space<hbm>> -> memref<16384xf32, #tpu.memory_space<hbm>>
      tpu.enqueue_dma source(%dma_start3A_59 : memref<16384xf32, #tpu.memory_space<hbm>>) target(%arg7 : memref<16384xf32, #tpu.memory_space<vmem>>) target_semaphore(%arg11 : memref<!tpu.dma_semaphore, #tpu.memory_space<semaphore_mem>>)
      %add3A_60 = arith.constant 1 : i32
      %add3A_61 = arith.addi %mul3A_32, %add3A_60 : i32
      %mul3A_62 = arith.constant 16384 : i32
      %mul3A_63 = arith.muli %add3A_61, %mul3A_62 : i32
      %add3A_64 = arith.addi %mul3A_2, %mul3A_63 : i32
      %dma_wait3A_65 = tpu.memref_slice %arg2[%add3A_64] : memref<4194304xf32, #tpu.memory_space<hbm>> -> memref<16384xf32, #tpu.memory_space<hbm>>
      %dma_wait3A_66 = tpu.memref_slice %arg2[%add3A_64] : memref<4194304xf32, #tpu.memory_space<hbm>> -> memref<16384xf32, #tpu.memory_space<hbm>>
      tpu.wait_dma2 semaphore(%arg12 : memref<!tpu.dma_semaphore, #tpu.memory_space<semaphore_mem>>) src(%dma_wait3A_66 : memref<16384xf32, #tpu.memory_space<hbm>>) dst(%arg8 : memref<16384xf32, #tpu.memory_space<vmem>>)
      %scan3A_67 = arith.constant 0 : i32
      %scan3A_68 = arith.constant 64 : i32
      %scan3A_69 = arith.addi %scan3A_67, %scan3A_68 : i32
      %scan3A_70 = arith.constant 1 : i32
      scf.for %scan3A_72 = %scan3A_67 to %scan3A_69 step %scan3A_70  : i32 {
        %mul3A_73 = arith.constant 16 : i32
        %mul3A_74 = arith.muli %scan3A_72, %mul3A_73 : i32
        %add3A_75 = arith.constant 0 : i32
        %add3A_76 = arith.addi %mul3A_74, %add3A_75 : i32
        %mul3A_77 = arith.constant 16 : i32
        %mul3A_78 = arith.muli %add3A_76, %mul3A_77 : i32
        %get3A_79 = arith.index_cast %mul3A_78 : i32 to index
        %get3A_80 = tpu.vector_load %arg8[%get3A_79] {strides = array<i32>} : memref<16384xf32, #tpu.memory_space<vmem>>, vector<16xf32>,
        %bitcast3A = vector.bitcast %get3A_80 : vector<16xf32> to vector<16xi32>
        %shift_right_logical3A = arith.constant 16 : i32
        %shift_right_logical3A_81 = vector.broadcast %shift_right_logical3A : i32 to vector<16xi32>
        %shift_right_logical3A_82 = arith.shrui %bitcast3A, %shift_right_logical3A_81 : vector<16xi32>
        tpu.vector_store_idx %arg6[%shift_right_logical3A_82], %broadcast_in_dim3A_11 {add = true} : memref<32768xi32, #tpu.memory_space<vmem>>[vector<16xi32>], vector<16xi32>,
        %mul3A_83 = arith.constant 16 : i32
        %mul3A_84 = arith.muli %scan3A_72, %mul3A_83 : i32
        %add3A_85 = arith.constant 1 : i32
        %add3A_86 = arith.addi %mul3A_84, %add3A_85 : i32
        %mul3A_87 = arith.constant 16 : i32
        %mul3A_88 = arith.muli %add3A_86, %mul3A_87 : i32
        %get3A_89 = arith.index_cast %mul3A_88 : i32 to index
        %get3A_90 = tpu.vector_load %arg8[%get3A_89] {strides = array<i32>} : memref<16384xf32, #tpu.memory_space<vmem>>, vector<16xf32>,
        %bitcast3A_91 = vector.bitcast %get3A_90 : vector<16xf32> to vector<16xi32>
        %shift_right_logical3A_92 = arith.constant 16 : i32
        %shift_right_logical3A_93 = vector.broadcast %shift_right_logical3A_92 : i32 to vector<16xi32>
        %shift_right_logical3A_94 = arith.shrui %bitcast3A_91, %shift_right_logical3A_93 : vector<16xi32>
        tpu.vector_store_idx %arg6[%shift_right_logical3A_94], %broadcast_in_dim3A_11 {add = true} : memref<32768xi32, #tpu.memory_space<vmem>>[vector<16xi32>], vector<16xi32>,
        %mul3A_95 = arith.constant 16 : i32
        %mul3A_96 = arith.muli %scan3A_72, %mul3A_95 : i32
        %add3A_97 = arith.constant 2 : i32
        %add3A_98 = arith.addi %mul3A_96, %add3A_97 : i32
        %mul3A_99 = arith.constant 16 : i32
        %mul3A_100 = arith.muli %add3A_98, %mul3A_99 : i32
        %get3A_101 = arith.index_cast %mul3A_100 : i32 to index
        %get3A_102 = tpu.vector_load %arg8[%get3A_101] {strides = array<i32>} : memref<16384xf32, #tpu.memory_space<vmem>>, vector<16xf32>,
        %bitcast3A_103 = vector.bitcast %get3A_102 : vector<16xf32> to vector<16xi32>
        %shift_right_logical3A_104 = arith.constant 16 : i32
        %shift_right_logical3A_105 = vector.broadcast %shift_right_logical3A_104 : i32 to vector<16xi32>
        %shift_right_logical3A_106 = arith.shrui %bitcast3A_103, %shift_right_logical3A_105 : vector<16xi32>
        tpu.vector_store_idx %arg6[%shift_right_logical3A_106], %broadcast_in_dim3A_11 {add = true} : memref<32768xi32, #tpu.memory_space<vmem>>[vector<16xi32>], vector<16xi32>,
        %mul3A_107 = arith.constant 16 : i32
        %mul3A_108 = arith.muli %scan3A_72, %mul3A_107 : i32
        %add3A_109 = arith.constant 3 : i32
        %add3A_110 = arith.addi %mul3A_108, %add3A_109 : i32
        %mul3A_111 = arith.constant 16 : i32
        %mul3A_112 = arith.muli %add3A_110, %mul3A_111 : i32
        %get3A_113 = arith.index_cast %mul3A_112 : i32 to index
        %get3A_114 = tpu.vector_load %arg8[%get3A_113] {strides = array<i32>} : memref<16384xf32, #tpu.memory_space<vmem>>, vector<16xf32>,
        %bitcast3A_115 = vector.bitcast %get3A_114 : vector<16xf32> to vector<16xi32>
        %shift_right_logical3A_116 = arith.constant 16 : i32
        %shift_right_logical3A_117 = vector.broadcast %shift_right_logical3A_116 : i32 to vector<16xi32>
        %shift_right_logical3A_118 = arith.shrui %bitcast3A_115, %shift_right_logical3A_117 : vector<16xi32>
        tpu.vector_store_idx %arg6[%shift_right_logical3A_118], %broadcast_in_dim3A_11 {add = true} : memref<32768xi32, #tpu.memory_space<vmem>>[vector<16xi32>], vector<16xi32>,
        %mul3A_119 = arith.constant 16 : i32
        %mul3A_120 = arith.muli %scan3A_72, %mul3A_119 : i32
        %add3A_121 = arith.constant 4 : i32
        %add3A_122 = arith.addi %mul3A_120, %add3A_121 : i32
        %mul3A_123 = arith.constant 16 : i32
        %mul3A_124 = arith.muli %add3A_122, %mul3A_123 : i32
        %get3A_125 = arith.index_cast %mul3A_124 : i32 to index
        %get3A_126 = tpu.vector_load %arg8[%get3A_125] {strides = array<i32>} : memref<16384xf32, #tpu.memory_space<vmem>>, vector<16xf32>,
        %bitcast3A_127 = vector.bitcast %get3A_126 : vector<16xf32> to vector<16xi32>
        %shift_right_logical3A_128 = arith.constant 16 : i32
        %shift_right_logical3A_129 = vector.broadcast %shift_right_logical3A_128 : i32 to vector<16xi32>
        %shift_right_logical3A_130 = arith.shrui %bitcast3A_127, %shift_right_logical3A_129 : vector<16xi32>
        tpu.vector_store_idx %arg6[%shift_right_logical3A_130], %broadcast_in_dim3A_11 {add = true} : memref<32768xi32, #tpu.memory_space<vmem>>[vector<16xi32>], vector<16xi32>,
        %mul3A_131 = arith.constant 16 : i32
        %mul3A_132 = arith.muli %scan3A_72, %mul3A_131 : i32
        %add3A_133 = arith.constant 5 : i32
        %add3A_134 = arith.addi %mul3A_132, %add3A_133 : i32
        %mul3A_135 = arith.constant 16 : i32
        %mul3A_136 = arith.muli %add3A_134, %mul3A_135 : i32
        %get3A_137 = arith.index_cast %mul3A_136 : i32 to index
        %get3A_138 = tpu.vector_load %arg8[%get3A_137] {strides = array<i32>} : memref<16384xf32, #tpu.memory_space<vmem>>, vector<16xf32>,
        %bitcast3A_139 = vector.bitcast %get3A_138 : vector<16xf32> to vector<16xi32>
        %shift_right_logical3A_140 = arith.constant 16 : i32
        %shift_right_logical3A_141 = vector.broadcast %shift_right_logical3A_140 : i32 to vector<16xi32>
        %shift_right_logical3A_142 = arith.shrui %bitcast3A_139, %shift_right_logical3A_141 : vector<16xi32>
        tpu.vector_store_idx %arg6[%shift_right_logical3A_142], %broadcast_in_dim3A_11 {add = true} : memref<32768xi32, #tpu.memory_space<vmem>>[vector<16xi32>], vector<16xi32>,
        %mul3A_143 = arith.constant 16 : i32
        %mul3A_144 = arith.muli %scan3A_72, %mul3A_143 : i32
        %add3A_145 = arith.constant 6 : i32
        %add3A_146 = arith.addi %mul3A_144, %add3A_145 : i32
        %mul3A_147 = arith.constant 16 : i32
        %mul3A_148 = arith.muli %add3A_146, %mul3A_147 : i32
        %get3A_149 = arith.index_cast %mul3A_148 : i32 to index
        %get3A_150 = tpu.vector_load %arg8[%get3A_149] {strides = array<i32>} : memref<16384xf32, #tpu.memory_space<vmem>>, vector<16xf32>,
        %bitcast3A_151 = vector.bitcast %get3A_150 : vector<16xf32> to vector<16xi32>
        %shift_right_logical3A_152 = arith.constant 16 : i32
        %shift_right_logical3A_153 = vector.broadcast %shift_right_logical3A_152 : i32 to vector<16xi32>
        %shift_right_logical3A_154 = arith.shrui %bitcast3A_151, %shift_right_logical3A_153 : vector<16xi32>
        tpu.vector_store_idx %arg6[%shift_right_logical3A_154], %broadcast_in_dim3A_11 {add = true} : memref<32768xi32, #tpu.memory_space<vmem>>[vector<16xi32>], vector<16xi32>,
        %mul3A_155 = arith.constant 16 : i32
        %mul3A_156 = arith.muli %scan3A_72, %mul3A_155 : i32
        %add3A_157 = arith.constant 7 : i32
        %add3A_158 = arith.addi %mul3A_156, %add3A_157 : i32
        %mul3A_159 = arith.constant 16 : i32
        %mul3A_160 = arith.muli %add3A_158, %mul3A_159 : i32
        %get3A_161 = arith.index_cast %mul3A_160 : i32 to index
        %get3A_162 = tpu.vector_load %arg8[%get3A_161] {strides = array<i32>} : memref<16384xf32, #tpu.memory_space<vmem>>, vector<16xf32>,
        %bitcast3A_163 = vector.bitcast %get3A_162 : vector<16xf32> to vector<16xi32>
        %shift_right_logical3A_164 = arith.constant 16 : i32
        %shift_right_logical3A_165 = vector.broadcast %shift_right_logical3A_164 : i32 to vector<16xi32>
        %shift_right_logical3A_166 = arith.shrui %bitcast3A_163, %shift_right_logical3A_165 : vector<16xi32>
        tpu.vector_store_idx %arg6[%shift_right_logical3A_166], %broadcast_in_dim3A_11 {add = true} : memref<32768xi32, #tpu.memory_space<vmem>>[vector<16xi32>], vector<16xi32>,
        %mul3A_167 = arith.constant 16 : i32
        %mul3A_168 = arith.muli %scan3A_72, %mul3A_167 : i32
        %add3A_169 = arith.constant 8 : i32
        %add3A_170 = arith.addi %mul3A_168, %add3A_169 : i32
        %mul3A_171 = arith.constant 16 : i32
        %mul3A_172 = arith.muli %add3A_170, %mul3A_171 : i32
        %get3A_173 = arith.index_cast %mul3A_172 : i32 to index
        %get3A_174 = tpu.vector_load %arg8[%get3A_173] {strides = array<i32>} : memref<16384xf32, #tpu.memory_space<vmem>>, vector<16xf32>,
        %bitcast3A_175 = vector.bitcast %get3A_174 : vector<16xf32> to vector<16xi32>
        %shift_right_logical3A_176 = arith.constant 16 : i32
        %shift_right_logical3A_177 = vector.broadcast %shift_right_logical3A_176 : i32 to vector<16xi32>
        %shift_right_logical3A_178 = arith.shrui %bitcast3A_175, %shift_right_logical3A_177 : vector<16xi32>
        tpu.vector_store_idx %arg6[%shift_right_logical3A_178], %broadcast_in_dim3A_11 {add = true} : memref<32768xi32, #tpu.memory_space<vmem>>[vector<16xi32>], vector<16xi32>,
        %mul3A_179 = arith.constant 16 : i32
        %mul3A_180 = arith.muli %scan3A_72, %mul3A_179 : i32
        %add3A_181 = arith.constant 9 : i32
        %add3A_182 = arith.addi %mul3A_180, %add3A_181 : i32
        %mul3A_183 = arith.constant 16 : i32
        %mul3A_184 = arith.muli %add3A_182, %mul3A_183 : i32
        %get3A_185 = arith.index_cast %mul3A_184 : i32 to index
        %get3A_186 = tpu.vector_load %arg8[%get3A_185] {strides = array<i32>} : memref<16384xf32, #tpu.memory_space<vmem>>, vector<16xf32>,
        %bitcast3A_187 = vector.bitcast %get3A_186 : vector<16xf32> to vector<16xi32>
        %shift_right_logical3A_188 = arith.constant 16 : i32
        %shift_right_logical3A_189 = vector.broadcast %shift_right_logical3A_188 : i32 to vector<16xi32>
        %shift_right_logical3A_190 = arith.shrui %bitcast3A_187, %shift_right_logical3A_189 : vector<16xi32>
        tpu.vector_store_idx %arg6[%shift_right_logical3A_190], %broadcast_in_dim3A_11 {add = true} : memref<32768xi32, #tpu.memory_space<vmem>>[vector<16xi32>], vector<16xi32>,
        %mul3A_191 = arith.constant 16 : i32
        %mul3A_192 = arith.muli %scan3A_72, %mul3A_191 : i32
        %add3A_193 = arith.constant 10 : i32
        %add3A_194 = arith.addi %mul3A_192, %add3A_193 : i32
        %mul3A_195 = arith.constant 16 : i32
        %mul3A_196 = arith.muli %add3A_194, %mul3A_195 : i32
        %get3A_197 = arith.index_cast %mul3A_196 : i32 to index
        %get3A_198 = tpu.vector_load %arg8[%get3A_197] {strides = array<i32>} : memref<16384xf32, #tpu.memory_space<vmem>>, vector<16xf32>,
        %bitcast3A_199 = vector.bitcast %get3A_198 : vector<16xf32> to vector<16xi32>
        %shift_right_logical3A_200 = arith.constant 16 : i32
        %shift_right_logical3A_201 = vector.broadcast %shift_right_logical3A_200 : i32 to vector<16xi32>
        %shift_right_logical3A_202 = arith.shrui %bitcast3A_199, %shift_right_logical3A_201 : vector<16xi32>
        tpu.vector_store_idx %arg6[%shift_right_logical3A_202], %broadcast_in_dim3A_11 {add = true} : memref<32768xi32, #tpu.memory_space<vmem>>[vector<16xi32>], vector<16xi32>,
        %mul3A_203 = arith.constant 16 : i32
        %mul3A_204 = arith.muli %scan3A_72, %mul3A_203 : i32
        %add3A_205 = arith.constant 11 : i32
        %add3A_206 = arith.addi %mul3A_204, %add3A_205 : i32
        %mul3A_207 = arith.constant 16 : i32
        %mul3A_208 = arith.muli %add3A_206, %mul3A_207 : i32
        %get3A_209 = arith.index_cast %mul3A_208 : i32 to index
        %get3A_210 = tpu.vector_load %arg8[%get3A_209] {strides = array<i32>} : memref<16384xf32, #tpu.memory_space<vmem>>, vector<16xf32>,
        %bitcast3A_211 = vector.bitcast %get3A_210 : vector<16xf32> to vector<16xi32>
        %shift_right_logical3A_212 = arith.constant 16 : i32
        %shift_right_logical3A_213 = vector.broadcast %shift_right_logical3A_212 : i32 to vector<16xi32>
        %shift_right_logical3A_214 = arith.shrui %bitcast3A_211, %shift_right_logical3A_213 : vector<16xi32>
        tpu.vector_store_idx %arg6[%shift_right_logical3A_214], %broadcast_in_dim3A_11 {add = true} : memref<32768xi32, #tpu.memory_space<vmem>>[vector<16xi32>], vector<16xi32>,
        %mul3A_215 = arith.constant 16 : i32
        %mul3A_216 = arith.muli %scan3A_72, %mul3A_215 : i32
        %add3A_217 = arith.constant 12 : i32
        %add3A_218 = arith.addi %mul3A_216, %add3A_217 : i32
        %mul3A_219 = arith.constant 16 : i32
        %mul3A_220 = arith.muli %add3A_218, %mul3A_219 : i32
        %get3A_221 = arith.index_cast %mul3A_220 : i32 to index
        %get3A_222 = tpu.vector_load %arg8[%get3A_221] {strides = array<i32>} : memref<16384xf32, #tpu.memory_space<vmem>>, vector<16xf32>,
        %bitcast3A_223 = vector.bitcast %get3A_222 : vector<16xf32> to vector<16xi32>
        %shift_right_logical3A_224 = arith.constant 16 : i32
        %shift_right_logical3A_225 = vector.broadcast %shift_right_logical3A_224 : i32 to vector<16xi32>
        %shift_right_logical3A_226 = arith.shrui %bitcast3A_223, %shift_right_logical3A_225 : vector<16xi32>
        tpu.vector_store_idx %arg6[%shift_right_logical3A_226], %broadcast_in_dim3A_11 {add = true} : memref<32768xi32, #tpu.memory_space<vmem>>[vector<16xi32>], vector<16xi32>,
        %mul3A_227 = arith.constant 16 : i32
        %mul3A_228 = arith.muli %scan3A_72, %mul3A_227 : i32
        %add3A_229 = arith.constant 13 : i32
        %add3A_230 = arith.addi %mul3A_228, %add3A_229 : i32
        %mul3A_231 = arith.constant 16 : i32
        %mul3A_232 = arith.muli %add3A_230, %mul3A_231 : i32
        %get3A_233 = arith.index_cast %mul3A_232 : i32 to index
        %get3A_234 = tpu.vector_load %arg8[%get3A_233] {strides = array<i32>} : memref<16384xf32, #tpu.memory_space<vmem>>, vector<16xf32>,
        %bitcast3A_235 = vector.bitcast %get3A_234 : vector<16xf32> to vector<16xi32>
        %shift_right_logical3A_236 = arith.constant 16 : i32
        %shift_right_logical3A_237 = vector.broadcast %shift_right_logical3A_236 : i32 to vector<16xi32>
        %shift_right_logical3A_238 = arith.shrui %bitcast3A_235, %shift_right_logical3A_237 : vector<16xi32>
        tpu.vector_store_idx %arg6[%shift_right_logical3A_238], %broadcast_in_dim3A_11 {add = true} : memref<32768xi32, #tpu.memory_space<vmem>>[vector<16xi32>], vector<16xi32>,
        %mul3A_239 = arith.constant 16 : i32
        %mul3A_240 = arith.muli %scan3A_72, %mul3A_239 : i32
        %add3A_241 = arith.constant 14 : i32
        %add3A_242 = arith.addi %mul3A_240, %add3A_241 : i32
        %mul3A_243 = arith.constant 16 : i32
        %mul3A_244 = arith.muli %add3A_242, %mul3A_243 : i32
        %get3A_245 = arith.index_cast %mul3A_244 : i32 to index
        %get3A_246 = tpu.vector_load %arg8[%get3A_245] {strides = array<i32>} : memref<16384xf32, #tpu.memory_space<vmem>>, vector<16xf32>,
        %bitcast3A_247 = vector.bitcast %get3A_246 : vector<16xf32> to vector<16xi32>
        %shift_right_logical3A_248 = arith.constant 16 : i32
        %shift_right_logical3A_249 = vector.broadcast %shift_right_logical3A_248 : i32 to vector<16xi32>
        %shift_right_logical3A_250 = arith.shrui %bitcast3A_247, %shift_right_logical3A_249 : vector<16xi32>
        tpu.vector_store_idx %arg6[%shift_right_logical3A_250], %broadcast_in_dim3A_11 {add = true} : memref<32768xi32, #tpu.memory_space<vmem>>[vector<16xi32>], vector<16xi32>,
        %mul3A_251 = arith.constant 16 : i32
        %mul3A_252 = arith.muli %scan3A_72, %mul3A_251 : i32
        %add3A_253 = arith.constant 15 : i32
        %add3A_254 = arith.addi %mul3A_252, %add3A_253 : i32
        %mul3A_255 = arith.constant 16 : i32
        %mul3A_256 = arith.muli %add3A_254, %mul3A_255 : i32
        %get3A_257 = arith.index_cast %mul3A_256 : i32 to index
        %get3A_258 = tpu.vector_load %arg8[%get3A_257] {strides = array<i32>} : memref<16384xf32, #tpu.memory_space<vmem>>, vector<16xf32>,
        %bitcast3A_259 = vector.bitcast %get3A_258 : vector<16xf32> to vector<16xi32>
        %shift_right_logical3A_260 = arith.constant 16 : i32
        %shift_right_logical3A_261 = vector.broadcast %shift_right_logical3A_260 : i32 to vector<16xi32>
        %shift_right_logical3A_262 = arith.shrui %bitcast3A_259, %shift_right_logical3A_261 : vector<16xi32>
        tpu.vector_store_idx %arg6[%shift_right_logical3A_262], %broadcast_in_dim3A_11 {add = true} : memref<32768xi32, #tpu.memory_space<vmem>>[vector<16xi32>], vector<16xi32>,
      }
      %scan3A_71 = arith.constant 64 : i32
    }
    %scan3A_21 = arith.constant 4 : i32
    %add3A_22 = arith.constant 0 : i32
    %add3A_23 = arith.addi %mul3A_2, %add3A_22 : i32
    %dma_wait3A = tpu.memref_slice %arg2[%add3A_23] : memref<4194304xf32, #tpu.memory_space<hbm>> -> memref<16384xf32, #tpu.memory_space<hbm>>
    %dma_wait3A_24 = tpu.memref_slice %arg2[%add3A_23] : memref<4194304xf32, #tpu.memory_space<hbm>> -> memref<16384xf32, #tpu.memory_space<hbm>>
    tpu.wait_dma2 semaphore(%arg11 : memref<!tpu.dma_semaphore, #tpu.memory_space<semaphore_mem>>) src(%dma_wait3A_24 : memref<16384xf32, #tpu.memory_space<hbm>>) dst(%arg7 : memref<16384xf32, #tpu.memory_space<vmem>>)
    %mul3A_25 = arith.constant 32768 : i32
    %mul3A_26 = arith.muli %add3A, %mul3A_25 : i32
    "tpu.region"() ({
      %run_scoped3A = tpu.sem_alloc : memref<!tpu.dma_semaphore, #tpu.memory_space<semaphore_mem>>
      %dma_start3A_30 = arith.constant 0 : i32
      %dma_start3A_31 = tpu.memref_slice %arg6[%dma_start3A_30] : memref<32768xi32, #tpu.memory_space<vmem>> -> memref<32768xi32, #tpu.memory_space<vmem>>
      %dma_start3A_32 = tpu.memref_slice %arg4[%mul3A_26] : memref<1048576xi32, #tpu.memory_space<hbm>> -> memref<32768xi32, #tpu.memory_space<hbm>>
      %dma_start3A_33 = tpu.memref_slice %arg4[%mul3A_26] : memref<1048576xi32, #tpu.memory_space<hbm>> -> memref<32768xi32, #tpu.memory_space<hbm>>
      %dma_start3A_34 = arith.constant 0 : i32
      %dma_start3A_35 = tpu.memref_slice %arg6[%dma_start3A_34] : memref<32768xi32, #tpu.memory_space<vmem>> -> memref<32768xi32, #tpu.memory_space<vmem>>
      tpu.enqueue_dma source(%dma_start3A_35 : memref<32768xi32, #tpu.memory_space<vmem>>) target(%dma_start3A_33 : memref<32768xi32, #tpu.memory_space<hbm>>) target_semaphore(%run_scoped3A : memref<!tpu.dma_semaphore, #tpu.memory_space<semaphore_mem>>)
      %dma_wait3A_36 = arith.constant 0 : i32
      %dma_wait3A_37 = tpu.memref_slice %arg6[%dma_wait3A_36] : memref<32768xi32, #tpu.memory_space<vmem>> -> memref<32768xi32, #tpu.memory_space<vmem>>
      %dma_wait3A_38 = tpu.memref_slice %arg4[%mul3A_26] : memref<1048576xi32, #tpu.memory_space<hbm>> -> memref<32768xi32, #tpu.memory_space<hbm>>
      %dma_wait3A_39 = tpu.memref_slice %arg4[%mul3A_26] : memref<1048576xi32, #tpu.memory_space<hbm>> -> memref<32768xi32, #tpu.memory_space<hbm>>
      %dma_wait3A_40 = arith.constant 0 : i32
      %dma_wait3A_41 = tpu.memref_slice %arg6[%dma_wait3A_40] : memref<32768xi32, #tpu.memory_space<vmem>> -> memref<32768xi32, #tpu.memory_space<vmem>>
      tpu.wait_dma2 semaphore(%run_scoped3A : memref<!tpu.dma_semaphore, #tpu.memory_space<semaphore_mem>>) src(%dma_wait3A_41 : memref<32768xi32, #tpu.memory_space<vmem>>) dst(%dma_wait3A_39 : memref<32768xi32, #tpu.memory_space<hbm>>)
      tpu.yield
    }) : () -> ()
    %swap3A = arith.constant 0 : index
    %swap3A_27 = tpu.vector_load %arg9[%swap3A] {strides = array<i32>} : memref<16xf32, #tpu.memory_space<vmem>>, vector<16xf32>,
    tpu.vector_store %arg9[%swap3A], %broadcast_in_dim3A_16 {strides = array<i32>} : memref<16xf32, #tpu.memory_space<vmem>>, vector<16xf32>,
    %mul3A_28 = arith.constant 16 : i32
    %mul3A_29 = arith.muli %add3A, %mul3A_28 : i32
    "tpu.region"() ({
      %run_scoped3A = tpu.sem_alloc : memref<!tpu.dma_semaphore, #tpu.memory_space<semaphore_mem>>
      %dma_start3A_30 = tpu.memref_slice %arg5[%mul3A_29] : memref<512xf32, #tpu.memory_space<hbm>> -> memref<16xf32, #tpu.memory_space<hbm>>
      %dma_start3A_31 = tpu.memref_slice %arg5[%mul3A_29] : memref<512xf32, #tpu.memory_space<hbm>> -> memref<16xf32, #tpu.memory_space<hbm>>
      tpu.enqueue_dma source(%arg9 : memref<16xf32, #tpu.memory_space<vmem>>) target(%dma_start3A_31 : memref<16xf32, #tpu.memory_space<hbm>>) target_semaphore(%run_scoped3A : memref<!tpu.dma_semaphore, #tpu.memory_space<semaphore_mem>>)
      %dma_wait3A_32 = tpu.memref_slice %arg5[%mul3A_29] : memref<512xf32, #tpu.memory_space<hbm>> -> memref<16xf32, #tpu.memory_space<hbm>>
      %dma_wait3A_33 = tpu.memref_slice %arg5[%mul3A_29] : memref<512xf32, #tpu.memory_space<hbm>> -> memref<16xf32, #tpu.memory_space<hbm>>
      tpu.wait_dma2 semaphore(%run_scoped3A : memref<!tpu.dma_semaphore, #tpu.memory_space<semaphore_mem>>) src(%arg9 : memref<16xf32, #tpu.memory_space<vmem>>) dst(%dma_wait3A_33 : memref<16xf32, #tpu.memory_space<hbm>>)
      tpu.yield
    }) : () -> ()
    return
  }
}

#map = affine_map<(d0, d1) -> (0)>
module attributes {stable_mosaic.version = 14 : i64} {
  func.func @apass(%arg0: i32, %arg1: i32, %arg2: memref<4194304xf32, #tpu.memory_space<hbm>>, %arg3: memref<32xi32, #tpu.memory_space<hbm>>, %arg4: memref<2097152xi32, #tpu.memory_space<hbm>>, %arg5: memref<512xf32, #tpu.memory_space<hbm>>, %arg6: memref<65536xi32, #tpu.memory_space<vmem>>, %arg7: memref<16384xf32, #tpu.memory_space<vmem>>, %arg8: memref<16384xf32, #tpu.memory_space<vmem>>, %arg9: memref<16xf32, #tpu.memory_space<vmem>>, %arg10: memref<32xi32, #tpu.memory_space<vmem>>, %arg11: memref<!tpu.dma_semaphore, #tpu.memory_space<semaphore_mem>>, %arg12: memref<!tpu.dma_semaphore, #tpu.memory_space<semaphore_mem>>) attributes {dimension_semantics = [#tpu.dimension_semantics<core_parallel>, #tpu.dimension_semantics<subcore_parallel>], iteration_bounds = array<i64: 2, 16>, scalar_prefetch = 0 : i64, scratch_operands = 7 : i64, tpu.core_type = #tpu.core_type<sc_vector_subcore>, window_params = [{transform_indices = #map}, {transform_indices = #map}, {transform_indices = #map}, {transform_indices = #map}]} {
    %mul3A = arith.constant 16 : i32
    %mul3A_0 = arith.muli %arg0, %mul3A : i32
    %add3A = arith.addi %mul3A_0, %arg1 : i32
    %mul3A_1 = arith.constant 131072 : i32
    %mul3A_2 = arith.muli %add3A, %mul3A_1 : i32
    %broadcast_in_dim3A = arith.constant 0 : i32
    %broadcast_in_dim3A_3 = vector.broadcast %broadcast_in_dim3A : i32 to vector<16xi32>
    %scan3A = arith.constant 0 : i32
    %scan3A_4 = arith.constant 0 : i32
    %scan3A_5 = arith.constant 512 : i32
    %scan3A_6 = arith.addi %scan3A_4, %scan3A_5 : i32
    %scan3A_7 = arith.constant 1 : i32
    scf.for %scan3A_31 = %scan3A_4 to %scan3A_6 step %scan3A_7  : i32 {
      %mul3A_32 = arith.constant 8 : i32
      %mul3A_33 = arith.muli %scan3A_31, %mul3A_32 : i32
      %mul3A_34 = arith.constant 16 : i32
      %mul3A_35 = arith.muli %mul3A_33, %mul3A_34 : i32
      %add3A_36 = arith.constant 0 : i32
      %add3A_37 = arith.addi %mul3A_35, %add3A_36 : i32
      %swap3A_38 = arith.index_cast %add3A_37 : i32 to index
      %swap3A_39 = tpu.vector_load %arg6[%swap3A_38] {strides = array<i32>} : memref<65536xi32, #tpu.memory_space<vmem>>, vector<16xi32>,
      tpu.vector_store %arg6[%swap3A_38], %broadcast_in_dim3A_3 {strides = array<i32>} : memref<65536xi32, #tpu.memory_space<vmem>>, vector<16xi32>,
      %mul3A_40 = arith.constant 8 : i32
      %mul3A_41 = arith.muli %scan3A_31, %mul3A_40 : i32
      %mul3A_42 = arith.constant 16 : i32
      %mul3A_43 = arith.muli %mul3A_41, %mul3A_42 : i32
      %add3A_44 = arith.constant 16 : i32
      %add3A_45 = arith.addi %mul3A_43, %add3A_44 : i32
      %swap3A_46 = arith.index_cast %add3A_45 : i32 to index
      %swap3A_47 = tpu.vector_load %arg6[%swap3A_46] {strides = array<i32>} : memref<65536xi32, #tpu.memory_space<vmem>>, vector<16xi32>,
      tpu.vector_store %arg6[%swap3A_46], %broadcast_in_dim3A_3 {strides = array<i32>} : memref<65536xi32, #tpu.memory_space<vmem>>, vector<16xi32>,
      %mul3A_48 = arith.constant 8 : i32
      %mul3A_49 = arith.muli %scan3A_31, %mul3A_48 : i32
      %mul3A_50 = arith.constant 16 : i32
      %mul3A_51 = arith.muli %mul3A_49, %mul3A_50 : i32
      %add3A_52 = arith.constant 32 : i32
      %add3A_53 = arith.addi %mul3A_51, %add3A_52 : i32
      %swap3A_54 = arith.index_cast %add3A_53 : i32 to index
      %swap3A_55 = tpu.vector_load %arg6[%swap3A_54] {strides = array<i32>} : memref<65536xi32, #tpu.memory_space<vmem>>, vector<16xi32>,
      tpu.vector_store %arg6[%swap3A_54], %broadcast_in_dim3A_3 {strides = array<i32>} : memref<65536xi32, #tpu.memory_space<vmem>>, vector<16xi32>,
      %mul3A_56 = arith.constant 8 : i32
      %mul3A_57 = arith.muli %scan3A_31, %mul3A_56 : i32
      %mul3A_58 = arith.constant 16 : i32
      %mul3A_59 = arith.muli %mul3A_57, %mul3A_58 : i32
      %add3A_60 = arith.constant 48 : i32
      %add3A_61 = arith.addi %mul3A_59, %add3A_60 : i32
      %swap3A_62 = arith.index_cast %add3A_61 : i32 to index
      %swap3A_63 = tpu.vector_load %arg6[%swap3A_62] {strides = array<i32>} : memref<65536xi32, #tpu.memory_space<vmem>>, vector<16xi32>,
      tpu.vector_store %arg6[%swap3A_62], %broadcast_in_dim3A_3 {strides = array<i32>} : memref<65536xi32, #tpu.memory_space<vmem>>, vector<16xi32>,
      %mul3A_64 = arith.constant 8 : i32
      %mul3A_65 = arith.muli %scan3A_31, %mul3A_64 : i32
      %mul3A_66 = arith.constant 16 : i32
      %mul3A_67 = arith.muli %mul3A_65, %mul3A_66 : i32
      %add3A_68 = arith.constant 64 : i32
      %add3A_69 = arith.addi %mul3A_67, %add3A_68 : i32
      %swap3A_70 = arith.index_cast %add3A_69 : i32 to index
      %swap3A_71 = tpu.vector_load %arg6[%swap3A_70] {strides = array<i32>} : memref<65536xi32, #tpu.memory_space<vmem>>, vector<16xi32>,
      tpu.vector_store %arg6[%swap3A_70], %broadcast_in_dim3A_3 {strides = array<i32>} : memref<65536xi32, #tpu.memory_space<vmem>>, vector<16xi32>,
      %mul3A_72 = arith.constant 8 : i32
      %mul3A_73 = arith.muli %scan3A_31, %mul3A_72 : i32
      %mul3A_74 = arith.constant 16 : i32
      %mul3A_75 = arith.muli %mul3A_73, %mul3A_74 : i32
      %add3A_76 = arith.constant 80 : i32
      %add3A_77 = arith.addi %mul3A_75, %add3A_76 : i32
      %swap3A_78 = arith.index_cast %add3A_77 : i32 to index
      %swap3A_79 = tpu.vector_load %arg6[%swap3A_78] {strides = array<i32>} : memref<65536xi32, #tpu.memory_space<vmem>>, vector<16xi32>,
      tpu.vector_store %arg6[%swap3A_78], %broadcast_in_dim3A_3 {strides = array<i32>} : memref<65536xi32, #tpu.memory_space<vmem>>, vector<16xi32>,
      %mul3A_80 = arith.constant 8 : i32
      %mul3A_81 = arith.muli %scan3A_31, %mul3A_80 : i32
      %mul3A_82 = arith.constant 16 : i32
      %mul3A_83 = arith.muli %mul3A_81, %mul3A_82 : i32
      %add3A_84 = arith.constant 96 : i32
      %add3A_85 = arith.addi %mul3A_83, %add3A_84 : i32
      %swap3A_86 = arith.index_cast %add3A_85 : i32 to index
      %swap3A_87 = tpu.vector_load %arg6[%swap3A_86] {strides = array<i32>} : memref<65536xi32, #tpu.memory_space<vmem>>, vector<16xi32>,
      tpu.vector_store %arg6[%swap3A_86], %broadcast_in_dim3A_3 {strides = array<i32>} : memref<65536xi32, #tpu.memory_space<vmem>>, vector<16xi32>,
      %mul3A_88 = arith.constant 8 : i32
      %mul3A_89 = arith.muli %scan3A_31, %mul3A_88 : i32
      %mul3A_90 = arith.constant 16 : i32
      %mul3A_91 = arith.muli %mul3A_89, %mul3A_90 : i32
      %add3A_92 = arith.constant 112 : i32
      %add3A_93 = arith.addi %mul3A_91, %add3A_92 : i32
      %swap3A_94 = arith.index_cast %add3A_93 : i32 to index
      %swap3A_95 = tpu.vector_load %arg6[%swap3A_94] {strides = array<i32>} : memref<65536xi32, #tpu.memory_space<vmem>>, vector<16xi32>,
      tpu.vector_store %arg6[%swap3A_94], %broadcast_in_dim3A_3 {strides = array<i32>} : memref<65536xi32, #tpu.memory_space<vmem>>, vector<16xi32>,
    }
    %scan3A_8 = arith.constant 512 : i32
    "tpu.region"() ({
      %run_scoped3A = tpu.sem_alloc : memref<!tpu.dma_semaphore, #tpu.memory_space<semaphore_mem>>
      tpu.enqueue_dma source(%arg3 : memref<32xi32, #tpu.memory_space<hbm>>) target(%arg10 : memref<32xi32, #tpu.memory_space<vmem>>) target_semaphore(%run_scoped3A : memref<!tpu.dma_semaphore, #tpu.memory_space<semaphore_mem>>)
      tpu.wait_dma2 semaphore(%run_scoped3A : memref<!tpu.dma_semaphore, #tpu.memory_space<semaphore_mem>>) src(%arg3 : memref<32xi32, #tpu.memory_space<hbm>>) dst(%arg10 : memref<32xi32, #tpu.memory_space<vmem>>)
      tpu.yield
    }) : () -> ()
    %get3A = arith.constant 0 : index
    %get3A_9 = tpu.vector_load %arg10[%get3A] {strides = array<i32>} : memref<32xi32, #tpu.memory_space<vmem>>, vector<16xi32>,
    %broadcast_in_dim3A_10 = arith.constant 1 : i32
    %broadcast_in_dim3A_11 = vector.broadcast %broadcast_in_dim3A_10 : i32 to vector<16xi32>
    %add3A_12 = arith.constant 0 : i32
    %add3A_13 = arith.addi %mul3A_2, %add3A_12 : i32
    %dma_start3A = tpu.memref_slice %arg2[%add3A_13] : memref<4194304xf32, #tpu.memory_space<hbm>> -> memref<16384xf32, #tpu.memory_space<hbm>>
    %dma_start3A_14 = tpu.memref_slice %arg2[%add3A_13] : memref<4194304xf32, #tpu.memory_space<hbm>> -> memref<16384xf32, #tpu.memory_space<hbm>>
    tpu.enqueue_dma source(%dma_start3A_14 : memref<16384xf32, #tpu.memory_space<hbm>>) target(%arg7 : memref<16384xf32, #tpu.memory_space<vmem>>) target_semaphore(%arg11 : memref<!tpu.dma_semaphore, #tpu.memory_space<semaphore_mem>>)
    %broadcast_in_dim3A_15 = arith.constant 0.000000e+00 : f32
    %broadcast_in_dim3A_16 = vector.broadcast %broadcast_in_dim3A_15 : f32 to vector<16xf32>
    %scan3A_17 = arith.constant 0 : i32
    %scan3A_18 = arith.constant 4 : i32
    %scan3A_19 = arith.addi %scan3A_17, %scan3A_18 : i32
    %scan3A_20 = arith.constant 1 : i32
    %scan3A_21 = scf.for %scan3A_31 = %scan3A_17 to %scan3A_19 step %scan3A_20 iter_args(%scan3A_32 = %broadcast_in_dim3A_16) -> (vector<16xf32>)  : i32 {
      %mul3A_33 = arith.constant 2 : i32
      %mul3A_34 = arith.muli %mul3A_33, %scan3A_31 : i32
      %add3A_35 = arith.constant 1 : i32
      %add3A_36 = arith.addi %mul3A_34, %add3A_35 : i32
      %mul3A_37 = arith.constant 16384 : i32
      %mul3A_38 = arith.muli %add3A_36, %mul3A_37 : i32
      %add3A_39 = arith.addi %mul3A_2, %mul3A_38 : i32
      %dma_start3A_40 = tpu.memref_slice %arg2[%add3A_39] : memref<4194304xf32, #tpu.memory_space<hbm>> -> memref<16384xf32, #tpu.memory_space<hbm>>
      %dma_start3A_41 = tpu.memref_slice %arg2[%add3A_39] : memref<4194304xf32, #tpu.memory_space<hbm>> -> memref<16384xf32, #tpu.memory_space<hbm>>
      tpu.enqueue_dma source(%dma_start3A_41 : memref<16384xf32, #tpu.memory_space<hbm>>) target(%arg8 : memref<16384xf32, #tpu.memory_space<vmem>>) target_semaphore(%arg12 : memref<!tpu.dma_semaphore, #tpu.memory_space<semaphore_mem>>)
      %mul3A_42 = arith.constant 16384 : i32
      %mul3A_43 = arith.muli %mul3A_34, %mul3A_42 : i32
      %add3A_44 = arith.addi %mul3A_2, %mul3A_43 : i32
      %dma_wait3A_45 = tpu.memref_slice %arg2[%add3A_44] : memref<4194304xf32, #tpu.memory_space<hbm>> -> memref<16384xf32, #tpu.memory_space<hbm>>
      %dma_wait3A_46 = tpu.memref_slice %arg2[%add3A_44] : memref<4194304xf32, #tpu.memory_space<hbm>> -> memref<16384xf32, #tpu.memory_space<hbm>>
      tpu.wait_dma2 semaphore(%arg11 : memref<!tpu.dma_semaphore, #tpu.memory_space<semaphore_mem>>) src(%dma_wait3A_46 : memref<16384xf32, #tpu.memory_space<hbm>>) dst(%arg7 : memref<16384xf32, #tpu.memory_space<vmem>>)
      %scan3A_47 = arith.constant 0 : i32
      %scan3A_48 = arith.constant 64 : i32
      %scan3A_49 = arith.addi %scan3A_47, %scan3A_48 : i32
      %scan3A_50 = arith.constant 1 : i32
      %scan3A_51 = scf.for %scan3A_76 = %scan3A_47 to %scan3A_49 step %scan3A_50 iter_args(%scan3A_77 = %scan3A_32) -> (vector<16xf32>)  : i32 {
        %mul3A_78 = arith.constant 16 : i32
        %mul3A_79 = arith.muli %scan3A_76, %mul3A_78 : i32
        %add3A_80 = arith.constant 0 : i32
        %add3A_81 = arith.addi %mul3A_79, %add3A_80 : i32
        %mul3A_82 = arith.constant 16 : i32
        %mul3A_83 = arith.muli %add3A_81, %mul3A_82 : i32
        %get3A_84 = arith.index_cast %mul3A_83 : i32 to index
        %get3A_85 = tpu.vector_load %arg7[%get3A_84] {strides = array<i32>} : memref<16384xf32, #tpu.memory_space<vmem>>, vector<16xf32>,
        %bitcast3A = vector.bitcast %get3A_85 : vector<16xf32> to vector<16xi32>
        %shift_right_logical3A = arith.constant 16 : i32
        %shift_right_logical3A_86 = vector.broadcast %shift_right_logical3A : i32 to vector<16xi32>
        %shift_right_logical3A_87 = arith.shrui %bitcast3A, %shift_right_logical3A_86 : vector<16xi32>
        %eq3A = arith.cmpi eq, %shift_right_logical3A_87, %get3A_9 : vector<16xi32>
        %gt3A = arith.cmpi sgt, %shift_right_logical3A_87, %get3A_9 : vector<16xi32>
        %and3A = arith.constant 65535 : i32
        %and3A_88 = vector.broadcast %and3A : i32 to vector<16xi32>
        %and3A_89 = arith.andi %bitcast3A, %and3A_88 : vector<16xi32>
        tpu.vector_store_idx %arg6[%and3A_89], %broadcast_in_dim3A_11 masked %eq3A {add = true} : memref<65536xi32, #tpu.memory_space<vmem>>[vector<16xi32>], vector<16xi32>, vector<16xi1>
        %jit3A_90 = arith.constant 0.000000e+00 : f32
        %broadcast_in_dim3A_91 = vector.broadcast %jit3A_90 : f32 to vector<16xf32>
        %select_n3A_92 = arith.select %gt3A, %get3A_85, %broadcast_in_dim3A_91 : vector<16xi1>, vector<16xf32>
        %add3A_93 = arith.addf %scan3A_77, %select_n3A_92 : vector<16xf32>
        %mul3A_94 = arith.constant 16 : i32
        %mul3A_95 = arith.muli %scan3A_76, %mul3A_94 : i32
        %add3A_96 = arith.constant 1 : i32
        %add3A_97 = arith.addi %mul3A_95, %add3A_96 : i32
        %mul3A_98 = arith.constant 16 : i32
        %mul3A_99 = arith.muli %add3A_97, %mul3A_98 : i32
        %get3A_100 = arith.index_cast %mul3A_99 : i32 to index
        %get3A_101 = tpu.vector_load %arg7[%get3A_100] {strides = array<i32>} : memref<16384xf32, #tpu.memory_space<vmem>>, vector<16xf32>,
        %bitcast3A_102 = vector.bitcast %get3A_101 : vector<16xf32> to vector<16xi32>
        %shift_right_logical3A_103 = arith.constant 16 : i32
        %shift_right_logical3A_104 = vector.broadcast %shift_right_logical3A_103 : i32 to vector<16xi32>
        %shift_right_logical3A_105 = arith.shrui %bitcast3A_102, %shift_right_logical3A_104 : vector<16xi32>
        %eq3A_106 = arith.cmpi eq, %shift_right_logical3A_105, %get3A_9 : vector<16xi32>
        %gt3A_107 = arith.cmpi sgt, %shift_right_logical3A_105, %get3A_9 : vector<16xi32>
        %and3A_108 = arith.constant 65535 : i32
        %and3A_109 = vector.broadcast %and3A_108 : i32 to vector<16xi32>
        %and3A_110 = arith.andi %bitcast3A_102, %and3A_109 : vector<16xi32>
        tpu.vector_store_idx %arg6[%and3A_110], %broadcast_in_dim3A_11 masked %eq3A_106 {add = true} : memref<65536xi32, #tpu.memory_space<vmem>>[vector<16xi32>], vector<16xi32>, vector<16xi1>
        %jit3A_111 = arith.constant 0.000000e+00 : f32
        %broadcast_in_dim3A_112 = vector.broadcast %jit3A_111 : f32 to vector<16xf32>
        %select_n3A_113 = arith.select %gt3A_107, %get3A_101, %broadcast_in_dim3A_112 : vector<16xi1>, vector<16xf32>
        %add3A_114 = arith.addf %add3A_93, %select_n3A_113 : vector<16xf32>
        %mul3A_115 = arith.constant 16 : i32
        %mul3A_116 = arith.muli %scan3A_76, %mul3A_115 : i32
        %add3A_117 = arith.constant 2 : i32
        %add3A_118 = arith.addi %mul3A_116, %add3A_117 : i32
        %mul3A_119 = arith.constant 16 : i32
        %mul3A_120 = arith.muli %add3A_118, %mul3A_119 : i32
        %get3A_121 = arith.index_cast %mul3A_120 : i32 to index
        %get3A_122 = tpu.vector_load %arg7[%get3A_121] {strides = array<i32>} : memref<16384xf32, #tpu.memory_space<vmem>>, vector<16xf32>,
        %bitcast3A_123 = vector.bitcast %get3A_122 : vector<16xf32> to vector<16xi32>
        %shift_right_logical3A_124 = arith.constant 16 : i32
        %shift_right_logical3A_125 = vector.broadcast %shift_right_logical3A_124 : i32 to vector<16xi32>
        %shift_right_logical3A_126 = arith.shrui %bitcast3A_123, %shift_right_logical3A_125 : vector<16xi32>
        %eq3A_127 = arith.cmpi eq, %shift_right_logical3A_126, %get3A_9 : vector<16xi32>
        %gt3A_128 = arith.cmpi sgt, %shift_right_logical3A_126, %get3A_9 : vector<16xi32>
        %and3A_129 = arith.constant 65535 : i32
        %and3A_130 = vector.broadcast %and3A_129 : i32 to vector<16xi32>
        %and3A_131 = arith.andi %bitcast3A_123, %and3A_130 : vector<16xi32>
        tpu.vector_store_idx %arg6[%and3A_131], %broadcast_in_dim3A_11 masked %eq3A_127 {add = true} : memref<65536xi32, #tpu.memory_space<vmem>>[vector<16xi32>], vector<16xi32>, vector<16xi1>
        %jit3A_132 = arith.constant 0.000000e+00 : f32
        %broadcast_in_dim3A_133 = vector.broadcast %jit3A_132 : f32 to vector<16xf32>
        %select_n3A_134 = arith.select %gt3A_128, %get3A_122, %broadcast_in_dim3A_133 : vector<16xi1>, vector<16xf32>
        %add3A_135 = arith.addf %add3A_114, %select_n3A_134 : vector<16xf32>
        %mul3A_136 = arith.constant 16 : i32
        %mul3A_137 = arith.muli %scan3A_76, %mul3A_136 : i32
        %add3A_138 = arith.constant 3 : i32
        %add3A_139 = arith.addi %mul3A_137, %add3A_138 : i32
        %mul3A_140 = arith.constant 16 : i32
        %mul3A_141 = arith.muli %add3A_139, %mul3A_140 : i32
        %get3A_142 = arith.index_cast %mul3A_141 : i32 to index
        %get3A_143 = tpu.vector_load %arg7[%get3A_142] {strides = array<i32>} : memref<16384xf32, #tpu.memory_space<vmem>>, vector<16xf32>,
        %bitcast3A_144 = vector.bitcast %get3A_143 : vector<16xf32> to vector<16xi32>
        %shift_right_logical3A_145 = arith.constant 16 : i32
        %shift_right_logical3A_146 = vector.broadcast %shift_right_logical3A_145 : i32 to vector<16xi32>
        %shift_right_logical3A_147 = arith.shrui %bitcast3A_144, %shift_right_logical3A_146 : vector<16xi32>
        %eq3A_148 = arith.cmpi eq, %shift_right_logical3A_147, %get3A_9 : vector<16xi32>
        %gt3A_149 = arith.cmpi sgt, %shift_right_logical3A_147, %get3A_9 : vector<16xi32>
        %and3A_150 = arith.constant 65535 : i32
        %and3A_151 = vector.broadcast %and3A_150 : i32 to vector<16xi32>
        %and3A_152 = arith.andi %bitcast3A_144, %and3A_151 : vector<16xi32>
        tpu.vector_store_idx %arg6[%and3A_152], %broadcast_in_dim3A_11 masked %eq3A_148 {add = true} : memref<65536xi32, #tpu.memory_space<vmem>>[vector<16xi32>], vector<16xi32>, vector<16xi1>
        %jit3A_153 = arith.constant 0.000000e+00 : f32
        %broadcast_in_dim3A_154 = vector.broadcast %jit3A_153 : f32 to vector<16xf32>
        %select_n3A_155 = arith.select %gt3A_149, %get3A_143, %broadcast_in_dim3A_154 : vector<16xi1>, vector<16xf32>
        %add3A_156 = arith.addf %add3A_135, %select_n3A_155 : vector<16xf32>
        %mul3A_157 = arith.constant 16 : i32
        %mul3A_158 = arith.muli %scan3A_76, %mul3A_157 : i32
        %add3A_159 = arith.constant 4 : i32
        %add3A_160 = arith.addi %mul3A_158, %add3A_159 : i32
        %mul3A_161 = arith.constant 16 : i32
        %mul3A_162 = arith.muli %add3A_160, %mul3A_161 : i32
        %get3A_163 = arith.index_cast %mul3A_162 : i32 to index
        %get3A_164 = tpu.vector_load %arg7[%get3A_163] {strides = array<i32>} : memref<16384xf32, #tpu.memory_space<vmem>>, vector<16xf32>,
        %bitcast3A_165 = vector.bitcast %get3A_164 : vector<16xf32> to vector<16xi32>
        %shift_right_logical3A_166 = arith.constant 16 : i32
        %shift_right_logical3A_167 = vector.broadcast %shift_right_logical3A_166 : i32 to vector<16xi32>
        %shift_right_logical3A_168 = arith.shrui %bitcast3A_165, %shift_right_logical3A_167 : vector<16xi32>
        %eq3A_169 = arith.cmpi eq, %shift_right_logical3A_168, %get3A_9 : vector<16xi32>
        %gt3A_170 = arith.cmpi sgt, %shift_right_logical3A_168, %get3A_9 : vector<16xi32>
        %and3A_171 = arith.constant 65535 : i32
        %and3A_172 = vector.broadcast %and3A_171 : i32 to vector<16xi32>
        %and3A_173 = arith.andi %bitcast3A_165, %and3A_172 : vector<16xi32>
        tpu.vector_store_idx %arg6[%and3A_173], %broadcast_in_dim3A_11 masked %eq3A_169 {add = true} : memref<65536xi32, #tpu.memory_space<vmem>>[vector<16xi32>], vector<16xi32>, vector<16xi1>
        %jit3A_174 = arith.constant 0.000000e+00 : f32
        %broadcast_in_dim3A_175 = vector.broadcast %jit3A_174 : f32 to vector<16xf32>
        %select_n3A_176 = arith.select %gt3A_170, %get3A_164, %broadcast_in_dim3A_175 : vector<16xi1>, vector<16xf32>
        %add3A_177 = arith.addf %add3A_156, %select_n3A_176 : vector<16xf32>
        %mul3A_178 = arith.constant 16 : i32
        %mul3A_179 = arith.muli %scan3A_76, %mul3A_178 : i32
        %add3A_180 = arith.constant 5 : i32
        %add3A_181 = arith.addi %mul3A_179, %add3A_180 : i32
        %mul3A_182 = arith.constant 16 : i32
        %mul3A_183 = arith.muli %add3A_181, %mul3A_182 : i32
        %get3A_184 = arith.index_cast %mul3A_183 : i32 to index
        %get3A_185 = tpu.vector_load %arg7[%get3A_184] {strides = array<i32>} : memref<16384xf32, #tpu.memory_space<vmem>>, vector<16xf32>,
        %bitcast3A_186 = vector.bitcast %get3A_185 : vector<16xf32> to vector<16xi32>
        %shift_right_logical3A_187 = arith.constant 16 : i32
        %shift_right_logical3A_188 = vector.broadcast %shift_right_logical3A_187 : i32 to vector<16xi32>
        %shift_right_logical3A_189 = arith.shrui %bitcast3A_186, %shift_right_logical3A_188 : vector<16xi32>
        %eq3A_190 = arith.cmpi eq, %shift_right_logical3A_189, %get3A_9 : vector<16xi32>
        %gt3A_191 = arith.cmpi sgt, %shift_right_logical3A_189, %get3A_9 : vector<16xi32>
        %and3A_192 = arith.constant 65535 : i32
        %and3A_193 = vector.broadcast %and3A_192 : i32 to vector<16xi32>
        %and3A_194 = arith.andi %bitcast3A_186, %and3A_193 : vector<16xi32>
        tpu.vector_store_idx %arg6[%and3A_194], %broadcast_in_dim3A_11 masked %eq3A_190 {add = true} : memref<65536xi32, #tpu.memory_space<vmem>>[vector<16xi32>], vector<16xi32>, vector<16xi1>
        %jit3A_195 = arith.constant 0.000000e+00 : f32
        %broadcast_in_dim3A_196 = vector.broadcast %jit3A_195 : f32 to vector<16xf32>
        %select_n3A_197 = arith.select %gt3A_191, %get3A_185, %broadcast_in_dim3A_196 : vector<16xi1>, vector<16xf32>
        %add3A_198 = arith.addf %add3A_177, %select_n3A_197 : vector<16xf32>
        %mul3A_199 = arith.constant 16 : i32
        %mul3A_200 = arith.muli %scan3A_76, %mul3A_199 : i32
        %add3A_201 = arith.constant 6 : i32
        %add3A_202 = arith.addi %mul3A_200, %add3A_201 : i32
        %mul3A_203 = arith.constant 16 : i32
        %mul3A_204 = arith.muli %add3A_202, %mul3A_203 : i32
        %get3A_205 = arith.index_cast %mul3A_204 : i32 to index
        %get3A_206 = tpu.vector_load %arg7[%get3A_205] {strides = array<i32>} : memref<16384xf32, #tpu.memory_space<vmem>>, vector<16xf32>,
        %bitcast3A_207 = vector.bitcast %get3A_206 : vector<16xf32> to vector<16xi32>
        %shift_right_logical3A_208 = arith.constant 16 : i32
        %shift_right_logical3A_209 = vector.broadcast %shift_right_logical3A_208 : i32 to vector<16xi32>
        %shift_right_logical3A_210 = arith.shrui %bitcast3A_207, %shift_right_logical3A_209 : vector<16xi32>
        %eq3A_211 = arith.cmpi eq, %shift_right_logical3A_210, %get3A_9 : vector<16xi32>
        %gt3A_212 = arith.cmpi sgt, %shift_right_logical3A_210, %get3A_9 : vector<16xi32>
        %and3A_213 = arith.constant 65535 : i32
        %and3A_214 = vector.broadcast %and3A_213 : i32 to vector<16xi32>
        %and3A_215 = arith.andi %bitcast3A_207, %and3A_214 : vector<16xi32>
        tpu.vector_store_idx %arg6[%and3A_215], %broadcast_in_dim3A_11 masked %eq3A_211 {add = true} : memref<65536xi32, #tpu.memory_space<vmem>>[vector<16xi32>], vector<16xi32>, vector<16xi1>
        %jit3A_216 = arith.constant 0.000000e+00 : f32
        %broadcast_in_dim3A_217 = vector.broadcast %jit3A_216 : f32 to vector<16xf32>
        %select_n3A_218 = arith.select %gt3A_212, %get3A_206, %broadcast_in_dim3A_217 : vector<16xi1>, vector<16xf32>
        %add3A_219 = arith.addf %add3A_198, %select_n3A_218 : vector<16xf32>
        %mul3A_220 = arith.constant 16 : i32
        %mul3A_221 = arith.muli %scan3A_76, %mul3A_220 : i32
        %add3A_222 = arith.constant 7 : i32
        %add3A_223 = arith.addi %mul3A_221, %add3A_222 : i32
        %mul3A_224 = arith.constant 16 : i32
        %mul3A_225 = arith.muli %add3A_223, %mul3A_224 : i32
        %get3A_226 = arith.index_cast %mul3A_225 : i32 to index
        %get3A_227 = tpu.vector_load %arg7[%get3A_226] {strides = array<i32>} : memref<16384xf32, #tpu.memory_space<vmem>>, vector<16xf32>,
        %bitcast3A_228 = vector.bitcast %get3A_227 : vector<16xf32> to vector<16xi32>
        %shift_right_logical3A_229 = arith.constant 16 : i32
        %shift_right_logical3A_230 = vector.broadcast %shift_right_logical3A_229 : i32 to vector<16xi32>
        %shift_right_logical3A_231 = arith.shrui %bitcast3A_228, %shift_right_logical3A_230 : vector<16xi32>
        %eq3A_232 = arith.cmpi eq, %shift_right_logical3A_231, %get3A_9 : vector<16xi32>
        %gt3A_233 = arith.cmpi sgt, %shift_right_logical3A_231, %get3A_9 : vector<16xi32>
        %and3A_234 = arith.constant 65535 : i32
        %and3A_235 = vector.broadcast %and3A_234 : i32 to vector<16xi32>
        %and3A_236 = arith.andi %bitcast3A_228, %and3A_235 : vector<16xi32>
        tpu.vector_store_idx %arg6[%and3A_236], %broadcast_in_dim3A_11 masked %eq3A_232 {add = true} : memref<65536xi32, #tpu.memory_space<vmem>>[vector<16xi32>], vector<16xi32>, vector<16xi1>
        %jit3A_237 = arith.constant 0.000000e+00 : f32
        %broadcast_in_dim3A_238 = vector.broadcast %jit3A_237 : f32 to vector<16xf32>
        %select_n3A_239 = arith.select %gt3A_233, %get3A_227, %broadcast_in_dim3A_238 : vector<16xi1>, vector<16xf32>
        %add3A_240 = arith.addf %add3A_219, %select_n3A_239 : vector<16xf32>
        %mul3A_241 = arith.constant 16 : i32
        %mul3A_242 = arith.muli %scan3A_76, %mul3A_241 : i32
        %add3A_243 = arith.constant 8 : i32
        %add3A_244 = arith.addi %mul3A_242, %add3A_243 : i32
        %mul3A_245 = arith.constant 16 : i32
        %mul3A_246 = arith.muli %add3A_244, %mul3A_245 : i32
        %get3A_247 = arith.index_cast %mul3A_246 : i32 to index
        %get3A_248 = tpu.vector_load %arg7[%get3A_247] {strides = array<i32>} : memref<16384xf32, #tpu.memory_space<vmem>>, vector<16xf32>,
        %bitcast3A_249 = vector.bitcast %get3A_248 : vector<16xf32> to vector<16xi32>
        %shift_right_logical3A_250 = arith.constant 16 : i32
        %shift_right_logical3A_251 = vector.broadcast %shift_right_logical3A_250 : i32 to vector<16xi32>
        %shift_right_logical3A_252 = arith.shrui %bitcast3A_249, %shift_right_logical3A_251 : vector<16xi32>
        %eq3A_253 = arith.cmpi eq, %shift_right_logical3A_252, %get3A_9 : vector<16xi32>
        %gt3A_254 = arith.cmpi sgt, %shift_right_logical3A_252, %get3A_9 : vector<16xi32>
        %and3A_255 = arith.constant 65535 : i32
        %and3A_256 = vector.broadcast %and3A_255 : i32 to vector<16xi32>
        %and3A_257 = arith.andi %bitcast3A_249, %and3A_256 : vector<16xi32>
        tpu.vector_store_idx %arg6[%and3A_257], %broadcast_in_dim3A_11 masked %eq3A_253 {add = true} : memref<65536xi32, #tpu.memory_space<vmem>>[vector<16xi32>], vector<16xi32>, vector<16xi1>
        %jit3A_258 = arith.constant 0.000000e+00 : f32
        %broadcast_in_dim3A_259 = vector.broadcast %jit3A_258 : f32 to vector<16xf32>
        %select_n3A_260 = arith.select %gt3A_254, %get3A_248, %broadcast_in_dim3A_259 : vector<16xi1>, vector<16xf32>
        %add3A_261 = arith.addf %add3A_240, %select_n3A_260 : vector<16xf32>
        %mul3A_262 = arith.constant 16 : i32
        %mul3A_263 = arith.muli %scan3A_76, %mul3A_262 : i32
        %add3A_264 = arith.constant 9 : i32
        %add3A_265 = arith.addi %mul3A_263, %add3A_264 : i32
        %mul3A_266 = arith.constant 16 : i32
        %mul3A_267 = arith.muli %add3A_265, %mul3A_266 : i32
        %get3A_268 = arith.index_cast %mul3A_267 : i32 to index
        %get3A_269 = tpu.vector_load %arg7[%get3A_268] {strides = array<i32>} : memref<16384xf32, #tpu.memory_space<vmem>>, vector<16xf32>,
        %bitcast3A_270 = vector.bitcast %get3A_269 : vector<16xf32> to vector<16xi32>
        %shift_right_logical3A_271 = arith.constant 16 : i32
        %shift_right_logical3A_272 = vector.broadcast %shift_right_logical3A_271 : i32 to vector<16xi32>
        %shift_right_logical3A_273 = arith.shrui %bitcast3A_270, %shift_right_logical3A_272 : vector<16xi32>
        %eq3A_274 = arith.cmpi eq, %shift_right_logical3A_273, %get3A_9 : vector<16xi32>
        %gt3A_275 = arith.cmpi sgt, %shift_right_logical3A_273, %get3A_9 : vector<16xi32>
        %and3A_276 = arith.constant 65535 : i32
        %and3A_277 = vector.broadcast %and3A_276 : i32 to vector<16xi32>
        %and3A_278 = arith.andi %bitcast3A_270, %and3A_277 : vector<16xi32>
        tpu.vector_store_idx %arg6[%and3A_278], %broadcast_in_dim3A_11 masked %eq3A_274 {add = true} : memref<65536xi32, #tpu.memory_space<vmem>>[vector<16xi32>], vector<16xi32>, vector<16xi1>
        %jit3A_279 = arith.constant 0.000000e+00 : f32
        %broadcast_in_dim3A_280 = vector.broadcast %jit3A_279 : f32 to vector<16xf32>
        %select_n3A_281 = arith.select %gt3A_275, %get3A_269, %broadcast_in_dim3A_280 : vector<16xi1>, vector<16xf32>
        %add3A_282 = arith.addf %add3A_261, %select_n3A_281 : vector<16xf32>
        %mul3A_283 = arith.constant 16 : i32
        %mul3A_284 = arith.muli %scan3A_76, %mul3A_283 : i32
        %add3A_285 = arith.constant 10 : i32
        %add3A_286 = arith.addi %mul3A_284, %add3A_285 : i32
        %mul3A_287 = arith.constant 16 : i32
        %mul3A_288 = arith.muli %add3A_286, %mul3A_287 : i32
        %get3A_289 = arith.index_cast %mul3A_288 : i32 to index
        %get3A_290 = tpu.vector_load %arg7[%get3A_289] {strides = array<i32>} : memref<16384xf32, #tpu.memory_space<vmem>>, vector<16xf32>,
        %bitcast3A_291 = vector.bitcast %get3A_290 : vector<16xf32> to vector<16xi32>
        %shift_right_logical3A_292 = arith.constant 16 : i32
        %shift_right_logical3A_293 = vector.broadcast %shift_right_logical3A_292 : i32 to vector<16xi32>
        %shift_right_logical3A_294 = arith.shrui %bitcast3A_291, %shift_right_logical3A_293 : vector<16xi32>
        %eq3A_295 = arith.cmpi eq, %shift_right_logical3A_294, %get3A_9 : vector<16xi32>
        %gt3A_296 = arith.cmpi sgt, %shift_right_logical3A_294, %get3A_9 : vector<16xi32>
        %and3A_297 = arith.constant 65535 : i32
        %and3A_298 = vector.broadcast %and3A_297 : i32 to vector<16xi32>
        %and3A_299 = arith.andi %bitcast3A_291, %and3A_298 : vector<16xi32>
        tpu.vector_store_idx %arg6[%and3A_299], %broadcast_in_dim3A_11 masked %eq3A_295 {add = true} : memref<65536xi32, #tpu.memory_space<vmem>>[vector<16xi32>], vector<16xi32>, vector<16xi1>
        %jit3A_300 = arith.constant 0.000000e+00 : f32
        %broadcast_in_dim3A_301 = vector.broadcast %jit3A_300 : f32 to vector<16xf32>
        %select_n3A_302 = arith.select %gt3A_296, %get3A_290, %broadcast_in_dim3A_301 : vector<16xi1>, vector<16xf32>
        %add3A_303 = arith.addf %add3A_282, %select_n3A_302 : vector<16xf32>
        %mul3A_304 = arith.constant 16 : i32
        %mul3A_305 = arith.muli %scan3A_76, %mul3A_304 : i32
        %add3A_306 = arith.constant 11 : i32
        %add3A_307 = arith.addi %mul3A_305, %add3A_306 : i32
        %mul3A_308 = arith.constant 16 : i32
        %mul3A_309 = arith.muli %add3A_307, %mul3A_308 : i32
        %get3A_310 = arith.index_cast %mul3A_309 : i32 to index
        %get3A_311 = tpu.vector_load %arg7[%get3A_310] {strides = array<i32>} : memref<16384xf32, #tpu.memory_space<vmem>>, vector<16xf32>,
        %bitcast3A_312 = vector.bitcast %get3A_311 : vector<16xf32> to vector<16xi32>
        %shift_right_logical3A_313 = arith.constant 16 : i32
        %shift_right_logical3A_314 = vector.broadcast %shift_right_logical3A_313 : i32 to vector<16xi32>
        %shift_right_logical3A_315 = arith.shrui %bitcast3A_312, %shift_right_logical3A_314 : vector<16xi32>
        %eq3A_316 = arith.cmpi eq, %shift_right_logical3A_315, %get3A_9 : vector<16xi32>
        %gt3A_317 = arith.cmpi sgt, %shift_right_logical3A_315, %get3A_9 : vector<16xi32>
        %and3A_318 = arith.constant 65535 : i32
        %and3A_319 = vector.broadcast %and3A_318 : i32 to vector<16xi32>
        %and3A_320 = arith.andi %bitcast3A_312, %and3A_319 : vector<16xi32>
        tpu.vector_store_idx %arg6[%and3A_320], %broadcast_in_dim3A_11 masked %eq3A_316 {add = true} : memref<65536xi32, #tpu.memory_space<vmem>>[vector<16xi32>], vector<16xi32>, vector<16xi1>
        %jit3A_321 = arith.constant 0.000000e+00 : f32
        %broadcast_in_dim3A_322 = vector.broadcast %jit3A_321 : f32 to vector<16xf32>
        %select_n3A_323 = arith.select %gt3A_317, %get3A_311, %broadcast_in_dim3A_322 : vector<16xi1>, vector<16xf32>
        %add3A_324 = arith.addf %add3A_303, %select_n3A_323 : vector<16xf32>
        %mul3A_325 = arith.constant 16 : i32
        %mul3A_326 = arith.muli %scan3A_76, %mul3A_325 : i32
        %add3A_327 = arith.constant 12 : i32
        %add3A_328 = arith.addi %mul3A_326, %add3A_327 : i32
        %mul3A_329 = arith.constant 16 : i32
        %mul3A_330 = arith.muli %add3A_328, %mul3A_329 : i32
        %get3A_331 = arith.index_cast %mul3A_330 : i32 to index
        %get3A_332 = tpu.vector_load %arg7[%get3A_331] {strides = array<i32>} : memref<16384xf32, #tpu.memory_space<vmem>>, vector<16xf32>,
        %bitcast3A_333 = vector.bitcast %get3A_332 : vector<16xf32> to vector<16xi32>
        %shift_right_logical3A_334 = arith.constant 16 : i32
        %shift_right_logical3A_335 = vector.broadcast %shift_right_logical3A_334 : i32 to vector<16xi32>
        %shift_right_logical3A_336 = arith.shrui %bitcast3A_333, %shift_right_logical3A_335 : vector<16xi32>
        %eq3A_337 = arith.cmpi eq, %shift_right_logical3A_336, %get3A_9 : vector<16xi32>
        %gt3A_338 = arith.cmpi sgt, %shift_right_logical3A_336, %get3A_9 : vector<16xi32>
        %and3A_339 = arith.constant 65535 : i32
        %and3A_340 = vector.broadcast %and3A_339 : i32 to vector<16xi32>
        %and3A_341 = arith.andi %bitcast3A_333, %and3A_340 : vector<16xi32>
        tpu.vector_store_idx %arg6[%and3A_341], %broadcast_in_dim3A_11 masked %eq3A_337 {add = true} : memref<65536xi32, #tpu.memory_space<vmem>>[vector<16xi32>], vector<16xi32>, vector<16xi1>
        %jit3A_342 = arith.constant 0.000000e+00 : f32
        %broadcast_in_dim3A_343 = vector.broadcast %jit3A_342 : f32 to vector<16xf32>
        %select_n3A_344 = arith.select %gt3A_338, %get3A_332, %broadcast_in_dim3A_343 : vector<16xi1>, vector<16xf32>
        %add3A_345 = arith.addf %add3A_324, %select_n3A_344 : vector<16xf32>
        %mul3A_346 = arith.constant 16 : i32
        %mul3A_347 = arith.muli %scan3A_76, %mul3A_346 : i32
        %add3A_348 = arith.constant 13 : i32
        %add3A_349 = arith.addi %mul3A_347, %add3A_348 : i32
        %mul3A_350 = arith.constant 16 : i32
        %mul3A_351 = arith.muli %add3A_349, %mul3A_350 : i32
        %get3A_352 = arith.index_cast %mul3A_351 : i32 to index
        %get3A_353 = tpu.vector_load %arg7[%get3A_352] {strides = array<i32>} : memref<16384xf32, #tpu.memory_space<vmem>>, vector<16xf32>,
        %bitcast3A_354 = vector.bitcast %get3A_353 : vector<16xf32> to vector<16xi32>
        %shift_right_logical3A_355 = arith.constant 16 : i32
        %shift_right_logical3A_356 = vector.broadcast %shift_right_logical3A_355 : i32 to vector<16xi32>
        %shift_right_logical3A_357 = arith.shrui %bitcast3A_354, %shift_right_logical3A_356 : vector<16xi32>
        %eq3A_358 = arith.cmpi eq, %shift_right_logical3A_357, %get3A_9 : vector<16xi32>
        %gt3A_359 = arith.cmpi sgt, %shift_right_logical3A_357, %get3A_9 : vector<16xi32>
        %and3A_360 = arith.constant 65535 : i32
        %and3A_361 = vector.broadcast %and3A_360 : i32 to vector<16xi32>
        %and3A_362 = arith.andi %bitcast3A_354, %and3A_361 : vector<16xi32>
        tpu.vector_store_idx %arg6[%and3A_362], %broadcast_in_dim3A_11 masked %eq3A_358 {add = true} : memref<65536xi32, #tpu.memory_space<vmem>>[vector<16xi32>], vector<16xi32>, vector<16xi1>
        %jit3A_363 = arith.constant 0.000000e+00 : f32
        %broadcast_in_dim3A_364 = vector.broadcast %jit3A_363 : f32 to vector<16xf32>
        %select_n3A_365 = arith.select %gt3A_359, %get3A_353, %broadcast_in_dim3A_364 : vector<16xi1>, vector<16xf32>
        %add3A_366 = arith.addf %add3A_345, %select_n3A_365 : vector<16xf32>
        %mul3A_367 = arith.constant 16 : i32
        %mul3A_368 = arith.muli %scan3A_76, %mul3A_367 : i32
        %add3A_369 = arith.constant 14 : i32
        %add3A_370 = arith.addi %mul3A_368, %add3A_369 : i32
        %mul3A_371 = arith.constant 16 : i32
        %mul3A_372 = arith.muli %add3A_370, %mul3A_371 : i32
        %get3A_373 = arith.index_cast %mul3A_372 : i32 to index
        %get3A_374 = tpu.vector_load %arg7[%get3A_373] {strides = array<i32>} : memref<16384xf32, #tpu.memory_space<vmem>>, vector<16xf32>,
        %bitcast3A_375 = vector.bitcast %get3A_374 : vector<16xf32> to vector<16xi32>
        %shift_right_logical3A_376 = arith.constant 16 : i32
        %shift_right_logical3A_377 = vector.broadcast %shift_right_logical3A_376 : i32 to vector<16xi32>
        %shift_right_logical3A_378 = arith.shrui %bitcast3A_375, %shift_right_logical3A_377 : vector<16xi32>
        %eq3A_379 = arith.cmpi eq, %shift_right_logical3A_378, %get3A_9 : vector<16xi32>
        %gt3A_380 = arith.cmpi sgt, %shift_right_logical3A_378, %get3A_9 : vector<16xi32>
        %and3A_381 = arith.constant 65535 : i32
        %and3A_382 = vector.broadcast %and3A_381 : i32 to vector<16xi32>
        %and3A_383 = arith.andi %bitcast3A_375, %and3A_382 : vector<16xi32>
        tpu.vector_store_idx %arg6[%and3A_383], %broadcast_in_dim3A_11 masked %eq3A_379 {add = true} : memref<65536xi32, #tpu.memory_space<vmem>>[vector<16xi32>], vector<16xi32>, vector<16xi1>
        %jit3A_384 = arith.constant 0.000000e+00 : f32
        %broadcast_in_dim3A_385 = vector.broadcast %jit3A_384 : f32 to vector<16xf32>
        %select_n3A_386 = arith.select %gt3A_380, %get3A_374, %broadcast_in_dim3A_385 : vector<16xi1>, vector<16xf32>
        %add3A_387 = arith.addf %add3A_366, %select_n3A_386 : vector<16xf32>
        %mul3A_388 = arith.constant 16 : i32
        %mul3A_389 = arith.muli %scan3A_76, %mul3A_388 : i32
        %add3A_390 = arith.constant 15 : i32
        %add3A_391 = arith.addi %mul3A_389, %add3A_390 : i32
        %mul3A_392 = arith.constant 16 : i32
        %mul3A_393 = arith.muli %add3A_391, %mul3A_392 : i32
        %get3A_394 = arith.index_cast %mul3A_393 : i32 to index
        %get3A_395 = tpu.vector_load %arg7[%get3A_394] {strides = array<i32>} : memref<16384xf32, #tpu.memory_space<vmem>>, vector<16xf32>,
        %bitcast3A_396 = vector.bitcast %get3A_395 : vector<16xf32> to vector<16xi32>
        %shift_right_logical3A_397 = arith.constant 16 : i32
        %shift_right_logical3A_398 = vector.broadcast %shift_right_logical3A_397 : i32 to vector<16xi32>
        %shift_right_logical3A_399 = arith.shrui %bitcast3A_396, %shift_right_logical3A_398 : vector<16xi32>
        %eq3A_400 = arith.cmpi eq, %shift_right_logical3A_399, %get3A_9 : vector<16xi32>
        %gt3A_401 = arith.cmpi sgt, %shift_right_logical3A_399, %get3A_9 : vector<16xi32>
        %and3A_402 = arith.constant 65535 : i32
        %and3A_403 = vector.broadcast %and3A_402 : i32 to vector<16xi32>
        %and3A_404 = arith.andi %bitcast3A_396, %and3A_403 : vector<16xi32>
        tpu.vector_store_idx %arg6[%and3A_404], %broadcast_in_dim3A_11 masked %eq3A_400 {add = true} : memref<65536xi32, #tpu.memory_space<vmem>>[vector<16xi32>], vector<16xi32>, vector<16xi1>
        %jit3A_405 = arith.constant 0.000000e+00 : f32
        %broadcast_in_dim3A_406 = vector.broadcast %jit3A_405 : f32 to vector<16xf32>
        %select_n3A_407 = arith.select %gt3A_401, %get3A_395, %broadcast_in_dim3A_406 : vector<16xi1>, vector<16xf32>
        %add3A_408 = arith.addf %add3A_387, %select_n3A_407 : vector<16xf32>
        scf.yield %add3A_408 : vector<16xf32>
      }
      %scan3A_52 = arith.constant 64 : i32
      %add3A_53 = arith.constant 2 : i32
      %add3A_54 = arith.addi %mul3A_34, %add3A_53 : i32
      %lt3A = arith.constant 8 : i32
      %lt3A_55 = arith.cmpi slt, %add3A_54, %lt3A : i32
      %add3A_56 = arith.constant 2 : i32
      %add3A_57 = arith.addi %mul3A_34, %add3A_56 : i32
      %jit3A = arith.constant 0 : i32
      %select_n3A = arith.select %lt3A_55, %add3A_57, %jit3A : i32
      %mul3A_58 = arith.constant 16384 : i32
      %mul3A_59 = arith.muli %select_n3A, %mul3A_58 : i32
      %add3A_60 = arith.addi %mul3A_2, %mul3A_59 : i32
      %dma_start3A_61 = tpu.memref_slice %arg2[%add3A_60] : memref<4194304xf32, #tpu.memory_space<hbm>> -> memref<16384xf32, #tpu.memory_space<hbm>>
      %dma_start3A_62 = tpu.memref_slice %arg2[%add3A_60] : memref<4194304xf32, #tpu.memory_space<hbm>> -> memref<16384xf32, #tpu.memory_space<hbm>>
      tpu.enqueue_dma source(%dma_start3A_62 : memref<16384xf32, #tpu.memory_space<hbm>>) target(%arg7 : memref<16384xf32, #tpu.memory_space<vmem>>) target_semaphore(%arg11 : memref<!tpu.dma_semaphore, #tpu.memory_space<semaphore_mem>>)
      %add3A_63 = arith.constant 1 : i32
      %add3A_64 = arith.addi %mul3A_34, %add3A_63 : i32
      %mul3A_65 = arith.constant 16384 : i32
      %mul3A_66 = arith.muli %add3A_64, %mul3A_65 : i32
      %add3A_67 = arith.addi %mul3A_2, %mul3A_66 : i32
      %dma_wait3A_68 = tpu.memref_slice %arg2[%add3A_67] : memref<4194304xf32, #tpu.memory_space<hbm>> -> memref<16384xf32, #tpu.memory_space<hbm>>
      %dma_wait3A_69 = tpu.memref_slice %arg2[%add3A_67] : memref<4194304xf32, #tpu.memory_space<hbm>> -> memref<16384xf32, #tpu.memory_space<hbm>>
      tpu.wait_dma2 semaphore(%arg12 : memref<!tpu.dma_semaphore, #tpu.memory_space<semaphore_mem>>) src(%dma_wait3A_69 : memref<16384xf32, #tpu.memory_space<hbm>>) dst(%arg8 : memref<16384xf32, #tpu.memory_space<vmem>>)
      %scan3A_70 = arith.constant 0 : i32
      %scan3A_71 = arith.constant 64 : i32
      %scan3A_72 = arith.addi %scan3A_70, %scan3A_71 : i32
      %scan3A_73 = arith.constant 1 : i32
      %scan3A_74 = scf.for %scan3A_76 = %scan3A_70 to %scan3A_72 step %scan3A_73 iter_args(%scan3A_77 = %scan3A_51) -> (vector<16xf32>)  : i32 {
        %mul3A_78 = arith.constant 16 : i32
        %mul3A_79 = arith.muli %scan3A_76, %mul3A_78 : i32
        %add3A_80 = arith.constant 0 : i32
        %add3A_81 = arith.addi %mul3A_79, %add3A_80 : i32
        %mul3A_82 = arith.constant 16 : i32
        %mul3A_83 = arith.muli %add3A_81, %mul3A_82 : i32
        %get3A_84 = arith.index_cast %mul3A_83 : i32 to index
        %get3A_85 = tpu.vector_load %arg8[%get3A_84] {strides = array<i32>} : memref<16384xf32, #tpu.memory_space<vmem>>, vector<16xf32>,
        %bitcast3A = vector.bitcast %get3A_85 : vector<16xf32> to vector<16xi32>
        %shift_right_logical3A = arith.constant 16 : i32
        %shift_right_logical3A_86 = vector.broadcast %shift_right_logical3A : i32 to vector<16xi32>
        %shift_right_logical3A_87 = arith.shrui %bitcast3A, %shift_right_logical3A_86 : vector<16xi32>
        %eq3A = arith.cmpi eq, %shift_right_logical3A_87, %get3A_9 : vector<16xi32>
        %gt3A = arith.cmpi sgt, %shift_right_logical3A_87, %get3A_9 : vector<16xi32>
        %and3A = arith.constant 65535 : i32
        %and3A_88 = vector.broadcast %and3A : i32 to vector<16xi32>
        %and3A_89 = arith.andi %bitcast3A, %and3A_88 : vector<16xi32>
        tpu.vector_store_idx %arg6[%and3A_89], %broadcast_in_dim3A_11 masked %eq3A {add = true} : memref<65536xi32, #tpu.memory_space<vmem>>[vector<16xi32>], vector<16xi32>, vector<16xi1>
        %jit3A_90 = arith.constant 0.000000e+00 : f32
        %broadcast_in_dim3A_91 = vector.broadcast %jit3A_90 : f32 to vector<16xf32>
        %select_n3A_92 = arith.select %gt3A, %get3A_85, %broadcast_in_dim3A_91 : vector<16xi1>, vector<16xf32>
        %add3A_93 = arith.addf %scan3A_77, %select_n3A_92 : vector<16xf32>
        %mul3A_94 = arith.constant 16 : i32
        %mul3A_95 = arith.muli %scan3A_76, %mul3A_94 : i32
        %add3A_96 = arith.constant 1 : i32
        %add3A_97 = arith.addi %mul3A_95, %add3A_96 : i32
        %mul3A_98 = arith.constant 16 : i32
        %mul3A_99 = arith.muli %add3A_97, %mul3A_98 : i32
        %get3A_100 = arith.index_cast %mul3A_99 : i32 to index
        %get3A_101 = tpu.vector_load %arg8[%get3A_100] {strides = array<i32>} : memref<16384xf32, #tpu.memory_space<vmem>>, vector<16xf32>,
        %bitcast3A_102 = vector.bitcast %get3A_101 : vector<16xf32> to vector<16xi32>
        %shift_right_logical3A_103 = arith.constant 16 : i32
        %shift_right_logical3A_104 = vector.broadcast %shift_right_logical3A_103 : i32 to vector<16xi32>
        %shift_right_logical3A_105 = arith.shrui %bitcast3A_102, %shift_right_logical3A_104 : vector<16xi32>
        %eq3A_106 = arith.cmpi eq, %shift_right_logical3A_105, %get3A_9 : vector<16xi32>
        %gt3A_107 = arith.cmpi sgt, %shift_right_logical3A_105, %get3A_9 : vector<16xi32>
        %and3A_108 = arith.constant 65535 : i32
        %and3A_109 = vector.broadcast %and3A_108 : i32 to vector<16xi32>
        %and3A_110 = arith.andi %bitcast3A_102, %and3A_109 : vector<16xi32>
        tpu.vector_store_idx %arg6[%and3A_110], %broadcast_in_dim3A_11 masked %eq3A_106 {add = true} : memref<65536xi32, #tpu.memory_space<vmem>>[vector<16xi32>], vector<16xi32>, vector<16xi1>
        %jit3A_111 = arith.constant 0.000000e+00 : f32
        %broadcast_in_dim3A_112 = vector.broadcast %jit3A_111 : f32 to vector<16xf32>
        %select_n3A_113 = arith.select %gt3A_107, %get3A_101, %broadcast_in_dim3A_112 : vector<16xi1>, vector<16xf32>
        %add3A_114 = arith.addf %add3A_93, %select_n3A_113 : vector<16xf32>
        %mul3A_115 = arith.constant 16 : i32
        %mul3A_116 = arith.muli %scan3A_76, %mul3A_115 : i32
        %add3A_117 = arith.constant 2 : i32
        %add3A_118 = arith.addi %mul3A_116, %add3A_117 : i32
        %mul3A_119 = arith.constant 16 : i32
        %mul3A_120 = arith.muli %add3A_118, %mul3A_119 : i32
        %get3A_121 = arith.index_cast %mul3A_120 : i32 to index
        %get3A_122 = tpu.vector_load %arg8[%get3A_121] {strides = array<i32>} : memref<16384xf32, #tpu.memory_space<vmem>>, vector<16xf32>,
        %bitcast3A_123 = vector.bitcast %get3A_122 : vector<16xf32> to vector<16xi32>
        %shift_right_logical3A_124 = arith.constant 16 : i32
        %shift_right_logical3A_125 = vector.broadcast %shift_right_logical3A_124 : i32 to vector<16xi32>
        %shift_right_logical3A_126 = arith.shrui %bitcast3A_123, %shift_right_logical3A_125 : vector<16xi32>
        %eq3A_127 = arith.cmpi eq, %shift_right_logical3A_126, %get3A_9 : vector<16xi32>
        %gt3A_128 = arith.cmpi sgt, %shift_right_logical3A_126, %get3A_9 : vector<16xi32>
        %and3A_129 = arith.constant 65535 : i32
        %and3A_130 = vector.broadcast %and3A_129 : i32 to vector<16xi32>
        %and3A_131 = arith.andi %bitcast3A_123, %and3A_130 : vector<16xi32>
        tpu.vector_store_idx %arg6[%and3A_131], %broadcast_in_dim3A_11 masked %eq3A_127 {add = true} : memref<65536xi32, #tpu.memory_space<vmem>>[vector<16xi32>], vector<16xi32>, vector<16xi1>
        %jit3A_132 = arith.constant 0.000000e+00 : f32
        %broadcast_in_dim3A_133 = vector.broadcast %jit3A_132 : f32 to vector<16xf32>
        %select_n3A_134 = arith.select %gt3A_128, %get3A_122, %broadcast_in_dim3A_133 : vector<16xi1>, vector<16xf32>
        %add3A_135 = arith.addf %add3A_114, %select_n3A_134 : vector<16xf32>
        %mul3A_136 = arith.constant 16 : i32
        %mul3A_137 = arith.muli %scan3A_76, %mul3A_136 : i32
        %add3A_138 = arith.constant 3 : i32
        %add3A_139 = arith.addi %mul3A_137, %add3A_138 : i32
        %mul3A_140 = arith.constant 16 : i32
        %mul3A_141 = arith.muli %add3A_139, %mul3A_140 : i32
        %get3A_142 = arith.index_cast %mul3A_141 : i32 to index
        %get3A_143 = tpu.vector_load %arg8[%get3A_142] {strides = array<i32>} : memref<16384xf32, #tpu.memory_space<vmem>>, vector<16xf32>,
        %bitcast3A_144 = vector.bitcast %get3A_143 : vector<16xf32> to vector<16xi32>
        %shift_right_logical3A_145 = arith.constant 16 : i32
        %shift_right_logical3A_146 = vector.broadcast %shift_right_logical3A_145 : i32 to vector<16xi32>
        %shift_right_logical3A_147 = arith.shrui %bitcast3A_144, %shift_right_logical3A_146 : vector<16xi32>
        %eq3A_148 = arith.cmpi eq, %shift_right_logical3A_147, %get3A_9 : vector<16xi32>
        %gt3A_149 = arith.cmpi sgt, %shift_right_logical3A_147, %get3A_9 : vector<16xi32>
        %and3A_150 = arith.constant 65535 : i32
        %and3A_151 = vector.broadcast %and3A_150 : i32 to vector<16xi32>
        %and3A_152 = arith.andi %bitcast3A_144, %and3A_151 : vector<16xi32>
        tpu.vector_store_idx %arg6[%and3A_152], %broadcast_in_dim3A_11 masked %eq3A_148 {add = true} : memref<65536xi32, #tpu.memory_space<vmem>>[vector<16xi32>], vector<16xi32>, vector<16xi1>
        %jit3A_153 = arith.constant 0.000000e+00 : f32
        %broadcast_in_dim3A_154 = vector.broadcast %jit3A_153 : f32 to vector<16xf32>
        %select_n3A_155 = arith.select %gt3A_149, %get3A_143, %broadcast_in_dim3A_154 : vector<16xi1>, vector<16xf32>
        %add3A_156 = arith.addf %add3A_135, %select_n3A_155 : vector<16xf32>
        %mul3A_157 = arith.constant 16 : i32
        %mul3A_158 = arith.muli %scan3A_76, %mul3A_157 : i32
        %add3A_159 = arith.constant 4 : i32
        %add3A_160 = arith.addi %mul3A_158, %add3A_159 : i32
        %mul3A_161 = arith.constant 16 : i32
        %mul3A_162 = arith.muli %add3A_160, %mul3A_161 : i32
        %get3A_163 = arith.index_cast %mul3A_162 : i32 to index
        %get3A_164 = tpu.vector_load %arg8[%get3A_163] {strides = array<i32>} : memref<16384xf32, #tpu.memory_space<vmem>>, vector<16xf32>,
        %bitcast3A_165 = vector.bitcast %get3A_164 : vector<16xf32> to vector<16xi32>
        %shift_right_logical3A_166 = arith.constant 16 : i32
        %shift_right_logical3A_167 = vector.broadcast %shift_right_logical3A_166 : i32 to vector<16xi32>
        %shift_right_logical3A_168 = arith.shrui %bitcast3A_165, %shift_right_logical3A_167 : vector<16xi32>
        %eq3A_169 = arith.cmpi eq, %shift_right_logical3A_168, %get3A_9 : vector<16xi32>
        %gt3A_170 = arith.cmpi sgt, %shift_right_logical3A_168, %get3A_9 : vector<16xi32>
        %and3A_171 = arith.constant 65535 : i32
        %and3A_172 = vector.broadcast %and3A_171 : i32 to vector<16xi32>
        %and3A_173 = arith.andi %bitcast3A_165, %and3A_172 : vector<16xi32>
        tpu.vector_store_idx %arg6[%and3A_173], %broadcast_in_dim3A_11 masked %eq3A_169 {add = true} : memref<65536xi32, #tpu.memory_space<vmem>>[vector<16xi32>], vector<16xi32>, vector<16xi1>
        %jit3A_174 = arith.constant 0.000000e+00 : f32
        %broadcast_in_dim3A_175 = vector.broadcast %jit3A_174 : f32 to vector<16xf32>
        %select_n3A_176 = arith.select %gt3A_170, %get3A_164, %broadcast_in_dim3A_175 : vector<16xi1>, vector<16xf32>
        %add3A_177 = arith.addf %add3A_156, %select_n3A_176 : vector<16xf32>
        %mul3A_178 = arith.constant 16 : i32
        %mul3A_179 = arith.muli %scan3A_76, %mul3A_178 : i32
        %add3A_180 = arith.constant 5 : i32
        %add3A_181 = arith.addi %mul3A_179, %add3A_180 : i32
        %mul3A_182 = arith.constant 16 : i32
        %mul3A_183 = arith.muli %add3A_181, %mul3A_182 : i32
        %get3A_184 = arith.index_cast %mul3A_183 : i32 to index
        %get3A_185 = tpu.vector_load %arg8[%get3A_184] {strides = array<i32>} : memref<16384xf32, #tpu.memory_space<vmem>>, vector<16xf32>,
        %bitcast3A_186 = vector.bitcast %get3A_185 : vector<16xf32> to vector<16xi32>
        %shift_right_logical3A_187 = arith.constant 16 : i32
        %shift_right_logical3A_188 = vector.broadcast %shift_right_logical3A_187 : i32 to vector<16xi32>
        %shift_right_logical3A_189 = arith.shrui %bitcast3A_186, %shift_right_logical3A_188 : vector<16xi32>
        %eq3A_190 = arith.cmpi eq, %shift_right_logical3A_189, %get3A_9 : vector<16xi32>
        %gt3A_191 = arith.cmpi sgt, %shift_right_logical3A_189, %get3A_9 : vector<16xi32>
        %and3A_192 = arith.constant 65535 : i32
        %and3A_193 = vector.broadcast %and3A_192 : i32 to vector<16xi32>
        %and3A_194 = arith.andi %bitcast3A_186, %and3A_193 : vector<16xi32>
        tpu.vector_store_idx %arg6[%and3A_194], %broadcast_in_dim3A_11 masked %eq3A_190 {add = true} : memref<65536xi32, #tpu.memory_space<vmem>>[vector<16xi32>], vector<16xi32>, vector<16xi1>
        %jit3A_195 = arith.constant 0.000000e+00 : f32
        %broadcast_in_dim3A_196 = vector.broadcast %jit3A_195 : f32 to vector<16xf32>
        %select_n3A_197 = arith.select %gt3A_191, %get3A_185, %broadcast_in_dim3A_196 : vector<16xi1>, vector<16xf32>
        %add3A_198 = arith.addf %add3A_177, %select_n3A_197 : vector<16xf32>
        %mul3A_199 = arith.constant 16 : i32
        %mul3A_200 = arith.muli %scan3A_76, %mul3A_199 : i32
        %add3A_201 = arith.constant 6 : i32
        %add3A_202 = arith.addi %mul3A_200, %add3A_201 : i32
        %mul3A_203 = arith.constant 16 : i32
        %mul3A_204 = arith.muli %add3A_202, %mul3A_203 : i32
        %get3A_205 = arith.index_cast %mul3A_204 : i32 to index
        %get3A_206 = tpu.vector_load %arg8[%get3A_205] {strides = array<i32>} : memref<16384xf32, #tpu.memory_space<vmem>>, vector<16xf32>,
        %bitcast3A_207 = vector.bitcast %get3A_206 : vector<16xf32> to vector<16xi32>
        %shift_right_logical3A_208 = arith.constant 16 : i32
        %shift_right_logical3A_209 = vector.broadcast %shift_right_logical3A_208 : i32 to vector<16xi32>
        %shift_right_logical3A_210 = arith.shrui %bitcast3A_207, %shift_right_logical3A_209 : vector<16xi32>
        %eq3A_211 = arith.cmpi eq, %shift_right_logical3A_210, %get3A_9 : vector<16xi32>
        %gt3A_212 = arith.cmpi sgt, %shift_right_logical3A_210, %get3A_9 : vector<16xi32>
        %and3A_213 = arith.constant 65535 : i32
        %and3A_214 = vector.broadcast %and3A_213 : i32 to vector<16xi32>
        %and3A_215 = arith.andi %bitcast3A_207, %and3A_214 : vector<16xi32>
        tpu.vector_store_idx %arg6[%and3A_215], %broadcast_in_dim3A_11 masked %eq3A_211 {add = true} : memref<65536xi32, #tpu.memory_space<vmem>>[vector<16xi32>], vector<16xi32>, vector<16xi1>
        %jit3A_216 = arith.constant 0.000000e+00 : f32
        %broadcast_in_dim3A_217 = vector.broadcast %jit3A_216 : f32 to vector<16xf32>
        %select_n3A_218 = arith.select %gt3A_212, %get3A_206, %broadcast_in_dim3A_217 : vector<16xi1>, vector<16xf32>
        %add3A_219 = arith.addf %add3A_198, %select_n3A_218 : vector<16xf32>
        %mul3A_220 = arith.constant 16 : i32
        %mul3A_221 = arith.muli %scan3A_76, %mul3A_220 : i32
        %add3A_222 = arith.constant 7 : i32
        %add3A_223 = arith.addi %mul3A_221, %add3A_222 : i32
        %mul3A_224 = arith.constant 16 : i32
        %mul3A_225 = arith.muli %add3A_223, %mul3A_224 : i32
        %get3A_226 = arith.index_cast %mul3A_225 : i32 to index
        %get3A_227 = tpu.vector_load %arg8[%get3A_226] {strides = array<i32>} : memref<16384xf32, #tpu.memory_space<vmem>>, vector<16xf32>,
        %bitcast3A_228 = vector.bitcast %get3A_227 : vector<16xf32> to vector<16xi32>
        %shift_right_logical3A_229 = arith.constant 16 : i32
        %shift_right_logical3A_230 = vector.broadcast %shift_right_logical3A_229 : i32 to vector<16xi32>
        %shift_right_logical3A_231 = arith.shrui %bitcast3A_228, %shift_right_logical3A_230 : vector<16xi32>
        %eq3A_232 = arith.cmpi eq, %shift_right_logical3A_231, %get3A_9 : vector<16xi32>
        %gt3A_233 = arith.cmpi sgt, %shift_right_logical3A_231, %get3A_9 : vector<16xi32>
        %and3A_234 = arith.constant 65535 : i32
        %and3A_235 = vector.broadcast %and3A_234 : i32 to vector<16xi32>
        %and3A_236 = arith.andi %bitcast3A_228, %and3A_235 : vector<16xi32>
        tpu.vector_store_idx %arg6[%and3A_236], %broadcast_in_dim3A_11 masked %eq3A_232 {add = true} : memref<65536xi32, #tpu.memory_space<vmem>>[vector<16xi32>], vector<16xi32>, vector<16xi1>
        %jit3A_237 = arith.constant 0.000000e+00 : f32
        %broadcast_in_dim3A_238 = vector.broadcast %jit3A_237 : f32 to vector<16xf32>
        %select_n3A_239 = arith.select %gt3A_233, %get3A_227, %broadcast_in_dim3A_238 : vector<16xi1>, vector<16xf32>
        %add3A_240 = arith.addf %add3A_219, %select_n3A_239 : vector<16xf32>
        %mul3A_241 = arith.constant 16 : i32
        %mul3A_242 = arith.muli %scan3A_76, %mul3A_241 : i32
        %add3A_243 = arith.constant 8 : i32
        %add3A_244 = arith.addi %mul3A_242, %add3A_243 : i32
        %mul3A_245 = arith.constant 16 : i32
        %mul3A_246 = arith.muli %add3A_244, %mul3A_245 : i32
        %get3A_247 = arith.index_cast %mul3A_246 : i32 to index
        %get3A_248 = tpu.vector_load %arg8[%get3A_247] {strides = array<i32>} : memref<16384xf32, #tpu.memory_space<vmem>>, vector<16xf32>,
        %bitcast3A_249 = vector.bitcast %get3A_248 : vector<16xf32> to vector<16xi32>
        %shift_right_logical3A_250 = arith.constant 16 : i32
        %shift_right_logical3A_251 = vector.broadcast %shift_right_logical3A_250 : i32 to vector<16xi32>
        %shift_right_logical3A_252 = arith.shrui %bitcast3A_249, %shift_right_logical3A_251 : vector<16xi32>
        %eq3A_253 = arith.cmpi eq, %shift_right_logical3A_252, %get3A_9 : vector<16xi32>
        %gt3A_254 = arith.cmpi sgt, %shift_right_logical3A_252, %get3A_9 : vector<16xi32>
        %and3A_255 = arith.constant 65535 : i32
        %and3A_256 = vector.broadcast %and3A_255 : i32 to vector<16xi32>
        %and3A_257 = arith.andi %bitcast3A_249, %and3A_256 : vector<16xi32>
        tpu.vector_store_idx %arg6[%and3A_257], %broadcast_in_dim3A_11 masked %eq3A_253 {add = true} : memref<65536xi32, #tpu.memory_space<vmem>>[vector<16xi32>], vector<16xi32>, vector<16xi1>
        %jit3A_258 = arith.constant 0.000000e+00 : f32
        %broadcast_in_dim3A_259 = vector.broadcast %jit3A_258 : f32 to vector<16xf32>
        %select_n3A_260 = arith.select %gt3A_254, %get3A_248, %broadcast_in_dim3A_259 : vector<16xi1>, vector<16xf32>
        %add3A_261 = arith.addf %add3A_240, %select_n3A_260 : vector<16xf32>
        %mul3A_262 = arith.constant 16 : i32
        %mul3A_263 = arith.muli %scan3A_76, %mul3A_262 : i32
        %add3A_264 = arith.constant 9 : i32
        %add3A_265 = arith.addi %mul3A_263, %add3A_264 : i32
        %mul3A_266 = arith.constant 16 : i32
        %mul3A_267 = arith.muli %add3A_265, %mul3A_266 : i32
        %get3A_268 = arith.index_cast %mul3A_267 : i32 to index
        %get3A_269 = tpu.vector_load %arg8[%get3A_268] {strides = array<i32>} : memref<16384xf32, #tpu.memory_space<vmem>>, vector<16xf32>,
        %bitcast3A_270 = vector.bitcast %get3A_269 : vector<16xf32> to vector<16xi32>
        %shift_right_logical3A_271 = arith.constant 16 : i32
        %shift_right_logical3A_272 = vector.broadcast %shift_right_logical3A_271 : i32 to vector<16xi32>
        %shift_right_logical3A_273 = arith.shrui %bitcast3A_270, %shift_right_logical3A_272 : vector<16xi32>
        %eq3A_274 = arith.cmpi eq, %shift_right_logical3A_273, %get3A_9 : vector<16xi32>
        %gt3A_275 = arith.cmpi sgt, %shift_right_logical3A_273, %get3A_9 : vector<16xi32>
        %and3A_276 = arith.constant 65535 : i32
        %and3A_277 = vector.broadcast %and3A_276 : i32 to vector<16xi32>
        %and3A_278 = arith.andi %bitcast3A_270, %and3A_277 : vector<16xi32>
        tpu.vector_store_idx %arg6[%and3A_278], %broadcast_in_dim3A_11 masked %eq3A_274 {add = true} : memref<65536xi32, #tpu.memory_space<vmem>>[vector<16xi32>], vector<16xi32>, vector<16xi1>
        %jit3A_279 = arith.constant 0.000000e+00 : f32
        %broadcast_in_dim3A_280 = vector.broadcast %jit3A_279 : f32 to vector<16xf32>
        %select_n3A_281 = arith.select %gt3A_275, %get3A_269, %broadcast_in_dim3A_280 : vector<16xi1>, vector<16xf32>
        %add3A_282 = arith.addf %add3A_261, %select_n3A_281 : vector<16xf32>
        %mul3A_283 = arith.constant 16 : i32
        %mul3A_284 = arith.muli %scan3A_76, %mul3A_283 : i32
        %add3A_285 = arith.constant 10 : i32
        %add3A_286 = arith.addi %mul3A_284, %add3A_285 : i32
        %mul3A_287 = arith.constant 16 : i32
        %mul3A_288 = arith.muli %add3A_286, %mul3A_287 : i32
        %get3A_289 = arith.index_cast %mul3A_288 : i32 to index
        %get3A_290 = tpu.vector_load %arg8[%get3A_289] {strides = array<i32>} : memref<16384xf32, #tpu.memory_space<vmem>>, vector<16xf32>,
        %bitcast3A_291 = vector.bitcast %get3A_290 : vector<16xf32> to vector<16xi32>
        %shift_right_logical3A_292 = arith.constant 16 : i32
        %shift_right_logical3A_293 = vector.broadcast %shift_right_logical3A_292 : i32 to vector<16xi32>
        %shift_right_logical3A_294 = arith.shrui %bitcast3A_291, %shift_right_logical3A_293 : vector<16xi32>
        %eq3A_295 = arith.cmpi eq, %shift_right_logical3A_294, %get3A_9 : vector<16xi32>
        %gt3A_296 = arith.cmpi sgt, %shift_right_logical3A_294, %get3A_9 : vector<16xi32>
        %and3A_297 = arith.constant 65535 : i32
        %and3A_298 = vector.broadcast %and3A_297 : i32 to vector<16xi32>
        %and3A_299 = arith.andi %bitcast3A_291, %and3A_298 : vector<16xi32>
        tpu.vector_store_idx %arg6[%and3A_299], %broadcast_in_dim3A_11 masked %eq3A_295 {add = true} : memref<65536xi32, #tpu.memory_space<vmem>>[vector<16xi32>], vector<16xi32>, vector<16xi1>
        %jit3A_300 = arith.constant 0.000000e+00 : f32
        %broadcast_in_dim3A_301 = vector.broadcast %jit3A_300 : f32 to vector<16xf32>
        %select_n3A_302 = arith.select %gt3A_296, %get3A_290, %broadcast_in_dim3A_301 : vector<16xi1>, vector<16xf32>
        %add3A_303 = arith.addf %add3A_282, %select_n3A_302 : vector<16xf32>
        %mul3A_304 = arith.constant 16 : i32
        %mul3A_305 = arith.muli %scan3A_76, %mul3A_304 : i32
        %add3A_306 = arith.constant 11 : i32
        %add3A_307 = arith.addi %mul3A_305, %add3A_306 : i32
        %mul3A_308 = arith.constant 16 : i32
        %mul3A_309 = arith.muli %add3A_307, %mul3A_308 : i32
        %get3A_310 = arith.index_cast %mul3A_309 : i32 to index
        %get3A_311 = tpu.vector_load %arg8[%get3A_310] {strides = array<i32>} : memref<16384xf32, #tpu.memory_space<vmem>>, vector<16xf32>,
        %bitcast3A_312 = vector.bitcast %get3A_311 : vector<16xf32> to vector<16xi32>
        %shift_right_logical3A_313 = arith.constant 16 : i32
        %shift_right_logical3A_314 = vector.broadcast %shift_right_logical3A_313 : i32 to vector<16xi32>
        %shift_right_logical3A_315 = arith.shrui %bitcast3A_312, %shift_right_logical3A_314 : vector<16xi32>
        %eq3A_316 = arith.cmpi eq, %shift_right_logical3A_315, %get3A_9 : vector<16xi32>
        %gt3A_317 = arith.cmpi sgt, %shift_right_logical3A_315, %get3A_9 : vector<16xi32>
        %and3A_318 = arith.constant 65535 : i32
        %and3A_319 = vector.broadcast %and3A_318 : i32 to vector<16xi32>
        %and3A_320 = arith.andi %bitcast3A_312, %and3A_319 : vector<16xi32>
        tpu.vector_store_idx %arg6[%and3A_320], %broadcast_in_dim3A_11 masked %eq3A_316 {add = true} : memref<65536xi32, #tpu.memory_space<vmem>>[vector<16xi32>], vector<16xi32>, vector<16xi1>
        %jit3A_321 = arith.constant 0.000000e+00 : f32
        %broadcast_in_dim3A_322 = vector.broadcast %jit3A_321 : f32 to vector<16xf32>
        %select_n3A_323 = arith.select %gt3A_317, %get3A_311, %broadcast_in_dim3A_322 : vector<16xi1>, vector<16xf32>
        %add3A_324 = arith.addf %add3A_303, %select_n3A_323 : vector<16xf32>
        %mul3A_325 = arith.constant 16 : i32
        %mul3A_326 = arith.muli %scan3A_76, %mul3A_325 : i32
        %add3A_327 = arith.constant 12 : i32
        %add3A_328 = arith.addi %mul3A_326, %add3A_327 : i32
        %mul3A_329 = arith.constant 16 : i32
        %mul3A_330 = arith.muli %add3A_328, %mul3A_329 : i32
        %get3A_331 = arith.index_cast %mul3A_330 : i32 to index
        %get3A_332 = tpu.vector_load %arg8[%get3A_331] {strides = array<i32>} : memref<16384xf32, #tpu.memory_space<vmem>>, vector<16xf32>,
        %bitcast3A_333 = vector.bitcast %get3A_332 : vector<16xf32> to vector<16xi32>
        %shift_right_logical3A_334 = arith.constant 16 : i32
        %shift_right_logical3A_335 = vector.broadcast %shift_right_logical3A_334 : i32 to vector<16xi32>
        %shift_right_logical3A_336 = arith.shrui %bitcast3A_333, %shift_right_logical3A_335 : vector<16xi32>
        %eq3A_337 = arith.cmpi eq, %shift_right_logical3A_336, %get3A_9 : vector<16xi32>
        %gt3A_338 = arith.cmpi sgt, %shift_right_logical3A_336, %get3A_9 : vector<16xi32>
        %and3A_339 = arith.constant 65535 : i32
        %and3A_340 = vector.broadcast %and3A_339 : i32 to vector<16xi32>
        %and3A_341 = arith.andi %bitcast3A_333, %and3A_340 : vector<16xi32>
        tpu.vector_store_idx %arg6[%and3A_341], %broadcast_in_dim3A_11 masked %eq3A_337 {add = true} : memref<65536xi32, #tpu.memory_space<vmem>>[vector<16xi32>], vector<16xi32>, vector<16xi1>
        %jit3A_342 = arith.constant 0.000000e+00 : f32
        %broadcast_in_dim3A_343 = vector.broadcast %jit3A_342 : f32 to vector<16xf32>
        %select_n3A_344 = arith.select %gt3A_338, %get3A_332, %broadcast_in_dim3A_343 : vector<16xi1>, vector<16xf32>
        %add3A_345 = arith.addf %add3A_324, %select_n3A_344 : vector<16xf32>
        %mul3A_346 = arith.constant 16 : i32
        %mul3A_347 = arith.muli %scan3A_76, %mul3A_346 : i32
        %add3A_348 = arith.constant 13 : i32
        %add3A_349 = arith.addi %mul3A_347, %add3A_348 : i32
        %mul3A_350 = arith.constant 16 : i32
        %mul3A_351 = arith.muli %add3A_349, %mul3A_350 : i32
        %get3A_352 = arith.index_cast %mul3A_351 : i32 to index
        %get3A_353 = tpu.vector_load %arg8[%get3A_352] {strides = array<i32>} : memref<16384xf32, #tpu.memory_space<vmem>>, vector<16xf32>,
        %bitcast3A_354 = vector.bitcast %get3A_353 : vector<16xf32> to vector<16xi32>
        %shift_right_logical3A_355 = arith.constant 16 : i32
        %shift_right_logical3A_356 = vector.broadcast %shift_right_logical3A_355 : i32 to vector<16xi32>
        %shift_right_logical3A_357 = arith.shrui %bitcast3A_354, %shift_right_logical3A_356 : vector<16xi32>
        %eq3A_358 = arith.cmpi eq, %shift_right_logical3A_357, %get3A_9 : vector<16xi32>
        %gt3A_359 = arith.cmpi sgt, %shift_right_logical3A_357, %get3A_9 : vector<16xi32>
        %and3A_360 = arith.constant 65535 : i32
        %and3A_361 = vector.broadcast %and3A_360 : i32 to vector<16xi32>
        %and3A_362 = arith.andi %bitcast3A_354, %and3A_361 : vector<16xi32>
        tpu.vector_store_idx %arg6[%and3A_362], %broadcast_in_dim3A_11 masked %eq3A_358 {add = true} : memref<65536xi32, #tpu.memory_space<vmem>>[vector<16xi32>], vector<16xi32>, vector<16xi1>
        %jit3A_363 = arith.constant 0.000000e+00 : f32
        %broadcast_in_dim3A_364 = vector.broadcast %jit3A_363 : f32 to vector<16xf32>
        %select_n3A_365 = arith.select %gt3A_359, %get3A_353, %broadcast_in_dim3A_364 : vector<16xi1>, vector<16xf32>
        %add3A_366 = arith.addf %add3A_345, %select_n3A_365 : vector<16xf32>
        %mul3A_367 = arith.constant 16 : i32
        %mul3A_368 = arith.muli %scan3A_76, %mul3A_367 : i32
        %add3A_369 = arith.constant 14 : i32
        %add3A_370 = arith.addi %mul3A_368, %add3A_369 : i32
        %mul3A_371 = arith.constant 16 : i32
        %mul3A_372 = arith.muli %add3A_370, %mul3A_371 : i32
        %get3A_373 = arith.index_cast %mul3A_372 : i32 to index
        %get3A_374 = tpu.vector_load %arg8[%get3A_373] {strides = array<i32>} : memref<16384xf32, #tpu.memory_space<vmem>>, vector<16xf32>,
        %bitcast3A_375 = vector.bitcast %get3A_374 : vector<16xf32> to vector<16xi32>
        %shift_right_logical3A_376 = arith.constant 16 : i32
        %shift_right_logical3A_377 = vector.broadcast %shift_right_logical3A_376 : i32 to vector<16xi32>
        %shift_right_logical3A_378 = arith.shrui %bitcast3A_375, %shift_right_logical3A_377 : vector<16xi32>
        %eq3A_379 = arith.cmpi eq, %shift_right_logical3A_378, %get3A_9 : vector<16xi32>
        %gt3A_380 = arith.cmpi sgt, %shift_right_logical3A_378, %get3A_9 : vector<16xi32>
        %and3A_381 = arith.constant 65535 : i32
        %and3A_382 = vector.broadcast %and3A_381 : i32 to vector<16xi32>
        %and3A_383 = arith.andi %bitcast3A_375, %and3A_382 : vector<16xi32>
        tpu.vector_store_idx %arg6[%and3A_383], %broadcast_in_dim3A_11 masked %eq3A_379 {add = true} : memref<65536xi32, #tpu.memory_space<vmem>>[vector<16xi32>], vector<16xi32>, vector<16xi1>
        %jit3A_384 = arith.constant 0.000000e+00 : f32
        %broadcast_in_dim3A_385 = vector.broadcast %jit3A_384 : f32 to vector<16xf32>
        %select_n3A_386 = arith.select %gt3A_380, %get3A_374, %broadcast_in_dim3A_385 : vector<16xi1>, vector<16xf32>
        %add3A_387 = arith.addf %add3A_366, %select_n3A_386 : vector<16xf32>
        %mul3A_388 = arith.constant 16 : i32
        %mul3A_389 = arith.muli %scan3A_76, %mul3A_388 : i32
        %add3A_390 = arith.constant 15 : i32
        %add3A_391 = arith.addi %mul3A_389, %add3A_390 : i32
        %mul3A_392 = arith.constant 16 : i32
        %mul3A_393 = arith.muli %add3A_391, %mul3A_392 : i32
        %get3A_394 = arith.index_cast %mul3A_393 : i32 to index
        %get3A_395 = tpu.vector_load %arg8[%get3A_394] {strides = array<i32>} : memref<16384xf32, #tpu.memory_space<vmem>>, vector<16xf32>,
        %bitcast3A_396 = vector.bitcast %get3A_395 : vector<16xf32> to vector<16xi32>
        %shift_right_logical3A_397 = arith.constant 16 : i32
        %shift_right_logical3A_398 = vector.broadcast %shift_right_logical3A_397 : i32 to vector<16xi32>
        %shift_right_logical3A_399 = arith.shrui %bitcast3A_396, %shift_right_logical3A_398 : vector<16xi32>
        %eq3A_400 = arith.cmpi eq, %shift_right_logical3A_399, %get3A_9 : vector<16xi32>
        %gt3A_401 = arith.cmpi sgt, %shift_right_logical3A_399, %get3A_9 : vector<16xi32>
        %and3A_402 = arith.constant 65535 : i32
        %and3A_403 = vector.broadcast %and3A_402 : i32 to vector<16xi32>
        %and3A_404 = arith.andi %bitcast3A_396, %and3A_403 : vector<16xi32>
        tpu.vector_store_idx %arg6[%and3A_404], %broadcast_in_dim3A_11 masked %eq3A_400 {add = true} : memref<65536xi32, #tpu.memory_space<vmem>>[vector<16xi32>], vector<16xi32>, vector<16xi1>
        %jit3A_405 = arith.constant 0.000000e+00 : f32
        %broadcast_in_dim3A_406 = vector.broadcast %jit3A_405 : f32 to vector<16xf32>
        %select_n3A_407 = arith.select %gt3A_401, %get3A_395, %broadcast_in_dim3A_406 : vector<16xi1>, vector<16xf32>
        %add3A_408 = arith.addf %add3A_387, %select_n3A_407 : vector<16xf32>
        scf.yield %add3A_408 : vector<16xf32>
      }
      %scan3A_75 = arith.constant 64 : i32
      scf.yield %scan3A_74 : vector<16xf32>
    }
    %scan3A_22 = arith.constant 4 : i32
    %add3A_23 = arith.constant 0 : i32
    %add3A_24 = arith.addi %mul3A_2, %add3A_23 : i32
    %dma_wait3A = tpu.memref_slice %arg2[%add3A_24] : memref<4194304xf32, #tpu.memory_space<hbm>> -> memref<16384xf32, #tpu.memory_space<hbm>>
    %dma_wait3A_25 = tpu.memref_slice %arg2[%add3A_24] : memref<4194304xf32, #tpu.memory_space<hbm>> -> memref<16384xf32, #tpu.memory_space<hbm>>
    tpu.wait_dma2 semaphore(%arg11 : memref<!tpu.dma_semaphore, #tpu.memory_space<semaphore_mem>>) src(%dma_wait3A_25 : memref<16384xf32, #tpu.memory_space<hbm>>) dst(%arg7 : memref<16384xf32, #tpu.memory_space<vmem>>)
    %mul3A_26 = arith.constant 65536 : i32
    %mul3A_27 = arith.muli %add3A, %mul3A_26 : i32
    "tpu.region"() ({
      %run_scoped3A = tpu.sem_alloc : memref<!tpu.dma_semaphore, #tpu.memory_space<semaphore_mem>>
      %dma_start3A_31 = arith.constant 0 : i32
      %dma_start3A_32 = tpu.memref_slice %arg6[%dma_start3A_31] : memref<65536xi32, #tpu.memory_space<vmem>> -> memref<65536xi32, #tpu.memory_space<vmem>>
      %dma_start3A_33 = tpu.memref_slice %arg4[%mul3A_27] : memref<2097152xi32, #tpu.memory_space<hbm>> -> memref<65536xi32, #tpu.memory_space<hbm>>
      %dma_start3A_34 = tpu.memref_slice %arg4[%mul3A_27] : memref<2097152xi32, #tpu.memory_space<hbm>> -> memref<65536xi32, #tpu.memory_space<hbm>>
      %dma_start3A_35 = arith.constant 0 : i32
      %dma_start3A_36 = tpu.memref_slice %arg6[%dma_start3A_35] : memref<65536xi32, #tpu.memory_space<vmem>> -> memref<65536xi32, #tpu.memory_space<vmem>>
      tpu.enqueue_dma source(%dma_start3A_36 : memref<65536xi32, #tpu.memory_space<vmem>>) target(%dma_start3A_34 : memref<65536xi32, #tpu.memory_space<hbm>>) target_semaphore(%run_scoped3A : memref<!tpu.dma_semaphore, #tpu.memory_space<semaphore_mem>>)
      %dma_wait3A_37 = arith.constant 0 : i32
      %dma_wait3A_38 = tpu.memref_slice %arg6[%dma_wait3A_37] : memref<65536xi32, #tpu.memory_space<vmem>> -> memref<65536xi32, #tpu.memory_space<vmem>>
      %dma_wait3A_39 = tpu.memref_slice %arg4[%mul3A_27] : memref<2097152xi32, #tpu.memory_space<hbm>> -> memref<65536xi32, #tpu.memory_space<hbm>>
      %dma_wait3A_40 = tpu.memref_slice %arg4[%mul3A_27] : memref<2097152xi32, #tpu.memory_space<hbm>> -> memref<65536xi32, #tpu.memory_space<hbm>>
      %dma_wait3A_41 = arith.constant 0 : i32
      %dma_wait3A_42 = tpu.memref_slice %arg6[%dma_wait3A_41] : memref<65536xi32, #tpu.memory_space<vmem>> -> memref<65536xi32, #tpu.memory_space<vmem>>
      tpu.wait_dma2 semaphore(%run_scoped3A : memref<!tpu.dma_semaphore, #tpu.memory_space<semaphore_mem>>) src(%dma_wait3A_42 : memref<65536xi32, #tpu.memory_space<vmem>>) dst(%dma_wait3A_40 : memref<65536xi32, #tpu.memory_space<hbm>>)
      tpu.yield
    }) : () -> ()
    %swap3A = arith.constant 0 : index
    %swap3A_28 = tpu.vector_load %arg9[%swap3A] {strides = array<i32>} : memref<16xf32, #tpu.memory_space<vmem>>, vector<16xf32>,
    tpu.vector_store %arg9[%swap3A], %scan3A_21 {strides = array<i32>} : memref<16xf32, #tpu.memory_space<vmem>>, vector<16xf32>,
    %mul3A_29 = arith.constant 16 : i32
    %mul3A_30 = arith.muli %add3A, %mul3A_29 : i32
    "tpu.region"() ({
      %run_scoped3A = tpu.sem_alloc : memref<!tpu.dma_semaphore, #tpu.memory_space<semaphore_mem>>
      %dma_start3A_31 = tpu.memref_slice %arg5[%mul3A_30] : memref<512xf32, #tpu.memory_space<hbm>> -> memref<16xf32, #tpu.memory_space<hbm>>
      %dma_start3A_32 = tpu.memref_slice %arg5[%mul3A_30] : memref<512xf32, #tpu.memory_space<hbm>> -> memref<16xf32, #tpu.memory_space<hbm>>
      tpu.enqueue_dma source(%arg9 : memref<16xf32, #tpu.memory_space<vmem>>) target(%dma_start3A_32 : memref<16xf32, #tpu.memory_space<hbm>>) target_semaphore(%run_scoped3A : memref<!tpu.dma_semaphore, #tpu.memory_space<semaphore_mem>>)
      %dma_wait3A_33 = tpu.memref_slice %arg5[%mul3A_30] : memref<512xf32, #tpu.memory_space<hbm>> -> memref<16xf32, #tpu.memory_space<hbm>>
      %dma_wait3A_34 = tpu.memref_slice %arg5[%mul3A_30] : memref<512xf32, #tpu.memory_space<hbm>> -> memref<16xf32, #tpu.memory_space<hbm>>
      tpu.wait_dma2 semaphore(%run_scoped3A : memref<!tpu.dma_semaphore, #tpu.memory_space<semaphore_mem>>) src(%arg9 : memref<16xf32, #tpu.memory_space<vmem>>) dst(%dma_wait3A_34 : memref<16xf32, #tpu.memory_space<hbm>>)
      tpu.yield
    }) : () -> ()
    return
  }
}

module attributes {stable_mosaic.version = 14 : i64} {
  func.func @_bce_body(%arg0: i32, %arg1: memref<512x1024xf32, #tpu.memory_space<vmem>>, %arg2: memref<512x1024xf32, #tpu.memory_space<vmem>>, %arg3: memref<512x1024xf32, #tpu.memory_space<vmem>>, %arg4: memref<8xf32, #tpu.memory_space<smem>>) attributes {dimension_semantics = [#tpu.dimension_semantics<arbitrary>], iteration_bounds = array<i64: 8>, scalar_prefetch = 0 : i64, scratch_operands = 0 : i64, tpu.core_type = #tpu.core_type<tc>, window_params = [{transform_indices = @transform_0, window_bounds = array<i64: 512, 1024>}, {transform_indices = @transform_1, window_bounds = array<i64: 512, 1024>}, {transform_indices = @transform_2, window_bounds = array<i64: 512, 1024>}, {transform_indices = @transform_3, window_bounds = array<i64: 8>}]} {
    %get3A = arith.constant 0 : index
    %get3A_0 = arith.constant 0 : index
    %get3A_1 = vector.load %arg1[%get3A, %get3A_0] : memref<512x1024xf32, #tpu.memory_space<vmem>>, vector<512x1024xf32>
    %get3A_2 = arith.constant 0 : index
    %get3A_3 = arith.constant 0 : index
    %get3A_4 = vector.load %arg2[%get3A_2, %get3A_3] : memref<512x1024xf32, #tpu.memory_space<vmem>>, vector<512x1024xf32>
    %max3A = arith.constant 0.000000e+00 : f32
    %max3A_5 = vector.broadcast %max3A : f32 to vector<512x1024xf32>
    %max3A_6 = arith.maximumf %get3A_1, %max3A_5 : vector<512x1024xf32>
    %mul3A = arith.mulf %get3A_1, %get3A_4 : vector<512x1024xf32>
    %sub3A = arith.subf %max3A_6, %mul3A : vector<512x1024xf32>
    %abs3A = math.absf %get3A_1 : vector<512x1024xf32>
    %neg3A = arith.constant 0.000000e+00 : f32
    %neg3A_7 = vector.broadcast %neg3A : f32 to vector<512x1024xf32>
    %neg3A_8 = arith.subf %neg3A_7, %abs3A : vector<512x1024xf32>
    %exp3A = math.exp %neg3A_8 : vector<512x1024xf32>
    %log1p3A = math.log1p %exp3A : vector<512x1024xf32>
    %add3A = arith.addf %sub3A, %log1p3A : vector<512x1024xf32>
    %swap3A = arith.constant 0 : index
    %swap3A_9 = arith.constant 0 : index
    %swap3A_10 = vector.load %arg3[%swap3A, %swap3A_9] : memref<512x1024xf32, #tpu.memory_space<vmem>>, vector<512x1024xf32>
    tpu.vector_store %arg3[%swap3A, %swap3A_9], %add3A {strides = array<i32>} : memref<512x1024xf32, #tpu.memory_space<vmem>>, vector<512x1024xf32>,
    %reduce_sum3A = vector.shape_cast %add3A : vector<512x1024xf32> to vector<1x512x1024xf32>
    %reduce_sum3A_11 = arith.constant dense<0.000000e+00> : vector<1xf32>
    %reduce_sum3A_12 = vector.multi_reduction <add>, %reduce_sum3A, %reduce_sum3A_11 [1, 2] : vector<1x512x1024xf32> to vector<1xf32>
    %reduce_sum3A_13 = vector.shape_cast %reduce_sum3A_12 : vector<1xf32> to vector<1x1x1xf32>
    %reduce_sum3A_14 = vector.extract %reduce_sum3A_13[0, 0, 0] : f32 from vector<1x1x1xf32>
    %swap3A_15 = arith.index_cast %arg0 : i32 to index
    %swap3A_16 = memref.load %arg4[%swap3A_15] : memref<8xf32, #tpu.memory_space<smem>>
    memref.store %reduce_sum3A_14, %arg4[%swap3A_15] : memref<8xf32, #tpu.memory_space<smem>>
    return
  }
  func.func @transform_0(%arg0: i32) -> (i32, i32) {
    %c0_i32 = arith.constant 0 : i32
    %c0_i32_0 = arith.constant 0 : i32
    return %arg0, %c0_i32 : i32, i32
  }
  func.func @transform_1(%arg0: i32) -> (i32, i32) {
    %c0_i32 = arith.constant 0 : i32
    %c0_i32_0 = arith.constant 0 : i32
    return %arg0, %c0_i32 : i32, i32
  }
  func.func @transform_2(%arg0: i32) -> (i32, i32) {
    %c0_i32 = arith.constant 0 : i32
    %c0_i32_0 = arith.constant 0 : i32
    return %arg0, %c0_i32 : i32, i32
  }
  func.func @transform_3(%arg0: i32) -> i32 {
    %c0_i32 = arith.constant 0 : i32
    %c0_i32_0 = arith.constant 0 : i32
    return %c0_i32 : i32
  }
}

module attributes {stable_mosaic.version = 14 : i64} {
  func.func @_sel1_body(%arg0: memref<32x256x128xi32, #tpu.memory_space<vmem>>, %arg1: memref<32xi32, #tpu.memory_space<smem>>, %arg2: memref<2xf32, #tpu.memory_space<smem>>) attributes {dimension_semantics = [], scalar_prefetch = 0 : i64, scratch_operands = 0 : i64, tpu.core_type = #tpu.core_type<tc>} {
    %get3A = arith.constant 0 : index
    %get3A_0 = arith.constant 0 : index
    %get3A_1 = arith.constant 0 : index
    %get3A_2 = vector.load %arg0[%get3A, %get3A_0, %get3A_1] : memref<32x256x128xi32, #tpu.memory_space<vmem>>, vector<32x256x128xi32>
    %convert_element_type3A = arith.sitofp %get3A_2 : vector<32x256x128xi32> to vector<32x256x128xf32>
    %reduce_sum3A = arith.constant dense<0.000000e+00> : vector<256x128xf32>
    %reduce_sum3A_3 = vector.multi_reduction <add>, %convert_element_type3A, %reduce_sum3A [0] : vector<32x256x128xf32> to vector<256x128xf32>
    %iota3A = tpu.iota {dimensions = array<i32: 0>} : vector<128x128xi32>
    %iota3A_4 = tpu.iota {dimensions = array<i32: 1>} : vector<128x128xi32>
    %le3A = arith.cmpi sle, %iota3A, %iota3A_4 : vector<128x128xi32>
    %convert_element_type3A_5 = arith.extui %le3A : vector<128x128xi1> to vector<128x128xi32>
    %convert_element_type3A_6 = arith.sitofp %convert_element_type3A_5 : vector<128x128xi32> to vector<128x128xf32>
    %dot_general3A = arith.constant dense<0.000000e+00> : vector<256x128xf32>
    %dot_general3A_7 = tpu.matmul %reduce_sum3A_3, %convert_element_type3A_6, %dot_general3A {dimension_numbers = #tpu.dot_dimension_numbers<[1], [0], [0], [1], [0, 0, 1, 1], [], []>, precision = #tpu.contract_precision<fp32>, transpose_lhs_hint = false} : vector<256x128xf32>, vector<128x128xf32>, vector<256x128xf32> -> vector<256x128xf32>
    %slice3A = vector.extract_strided_slice %dot_general3A_7 {offsets = [0, 127], sizes = [256, 1], strides = [1, 1]} : vector<256x128xf32> to vector<256x1xf32>
    %iota3A_8 = tpu.iota {dimensions = array<i32: 0>} : vector<256x256xi32>
    %iota3A_9 = tpu.iota {dimensions = array<i32: 1>} : vector<256x256xi32>
    %lt3A = arith.cmpi slt, %iota3A_9, %iota3A_8 : vector<256x256xi32>
    %convert_element_type3A_10 = arith.extui %lt3A : vector<256x256xi1> to vector<256x256xi32>
    %convert_element_type3A_11 = arith.sitofp %convert_element_type3A_10 : vector<256x256xi32> to vector<256x256xf32>
    %dot_general3A_12 = arith.constant dense<0.000000e+00> : vector<256x1xf32>
    %dot_general3A_13 = tpu.matmul %convert_element_type3A_11, %slice3A, %dot_general3A_12 {dimension_numbers = #tpu.dot_dimension_numbers<[1], [0], [0], [1], [0, 0, 1, 1], [], []>, precision = #tpu.contract_precision<fp32>, transpose_lhs_hint = false} : vector<256x256xf32>, vector<256x1xf32>, vector<256x1xf32> -> vector<256x1xf32>
    %add3A = vector.broadcast %dot_general3A_13 : vector<256x1xf32> to vector<256x128xf32>
    %add3A_14 = arith.addf %dot_general3A_7, %add3A : vector<256x128xf32>
    %reduce_sum3A_15 = vector.shape_cast %reduce_sum3A_3 : vector<256x128xf32> to vector<1x256x128xf32>
    %reduce_sum3A_16 = arith.constant dense<0.000000e+00> : vector<1xf32>
    %reduce_sum3A_17 = vector.multi_reduction <add>, %reduce_sum3A_15, %reduce_sum3A_16 [1, 2] : vector<1x256x128xf32> to vector<1xf32>
    %reduce_sum3A_18 = vector.shape_cast %reduce_sum3A_17 : vector<1xf32> to vector<1x1x1xf32>
    %reduce_sum3A_19 = vector.extract %reduce_sum3A_18[0, 0, 0] : f32 from vector<1x1x1xf32>
    %sub3A = vector.broadcast %reduce_sum3A_19 : f32 to vector<256x128xf32>
    %sub3A_20 = arith.subf %sub3A, %add3A_14 : vector<256x128xf32>
    %lt3A_21 = arith.constant 0x4A133330 : f32
    %lt3A_22 = vector.broadcast %lt3A_21 : f32 to vector<256x128xf32>
    %lt3A_23 = arith.cmpf olt, %sub3A_20, %lt3A_22 : vector<256x128xf32>
    %add3A_24 = arith.addf %sub3A_20, %reduce_sum3A_3 : vector<256x128xf32>
    %ge3A = arith.constant 0x4A133330 : f32
    %ge3A_25 = vector.broadcast %ge3A : f32 to vector<256x128xf32>
    %ge3A_26 = arith.cmpf oge, %add3A_24, %ge3A_25 : vector<256x128xf32>
    %and3A = arith.andi %lt3A_23, %ge3A_26 : vector<256x128xi1>
    %iota3A_27 = tpu.iota {dimensions = array<i32: 0>} : vector<256x128xi32>
    %mul3A = arith.constant 128 : i32
    %mul3A_28 = vector.broadcast %mul3A : i32 to vector<256x128xi32>
    %mul3A_29 = arith.muli %iota3A_27, %mul3A_28 : vector<256x128xi32>
    %iota3A_30 = tpu.iota {dimensions = array<i32: 1>} : vector<256x128xi32>
    %add3A_31 = arith.addi %mul3A_29, %iota3A_30 : vector<256x128xi32>
    %convert_element_type3A_32 = arith.sitofp %add3A_31 : vector<256x128xi32> to vector<256x128xf32>
    %jit3A = arith.constant 0.000000e+00 : f32
    %broadcast_in_dim3A = vector.broadcast %jit3A : f32 to vector<256x128xf32>
    %select_n3A = arith.select %and3A, %convert_element_type3A_32, %broadcast_in_dim3A : vector<256x128xi1>, vector<256x128xf32>
    %reduce_sum3A_33 = vector.shape_cast %select_n3A : vector<256x128xf32> to vector<1x256x128xf32>
    %reduce_sum3A_34 = arith.constant dense<0.000000e+00> : vector<1xf32>
    %reduce_sum3A_35 = vector.multi_reduction <add>, %reduce_sum3A_33, %reduce_sum3A_34 [1, 2] : vector<1x256x128xf32> to vector<1xf32>
    %reduce_sum3A_36 = vector.shape_cast %reduce_sum3A_35 : vector<1xf32> to vector<1x1x1xf32>
    %reduce_sum3A_37 = vector.extract %reduce_sum3A_36[0, 0, 0] : f32 from vector<1x1x1xf32>
    %jit3A_38 = arith.constant 0.000000e+00 : f32
    %broadcast_in_dim3A_39 = vector.broadcast %jit3A_38 : f32 to vector<256x128xf32>
    %select_n3A_40 = arith.select %and3A, %sub3A_20, %broadcast_in_dim3A_39 : vector<256x128xi1>, vector<256x128xf32>
    %reduce_sum3A_41 = vector.shape_cast %select_n3A_40 : vector<256x128xf32> to vector<1x256x128xf32>
    %reduce_sum3A_42 = arith.constant dense<0.000000e+00> : vector<1xf32>
    %reduce_sum3A_43 = vector.multi_reduction <add>, %reduce_sum3A_41, %reduce_sum3A_42 [1, 2] : vector<1x256x128xf32> to vector<1xf32>
    %reduce_sum3A_44 = vector.shape_cast %reduce_sum3A_43 : vector<1xf32> to vector<1x1x1xf32>
    %reduce_sum3A_45 = vector.extract %reduce_sum3A_44[0, 0, 0] : f32 from vector<1x1x1xf32>
    %convert_element_type3A_46 = arith.fptosi %reduce_sum3A_37 : f32 to i32
    %swap3A = arith.constant 0 : index
    %swap3A_47 = memref.load %arg1[%swap3A] : memref<32xi32, #tpu.memory_space<smem>>
    memref.store %convert_element_type3A_46, %arg1[%swap3A] : memref<32xi32, #tpu.memory_space<smem>>
    %swap3A_48 = arith.constant 1 : index
    %swap3A_49 = memref.load %arg1[%swap3A_48] : memref<32xi32, #tpu.memory_space<smem>>
    memref.store %convert_element_type3A_46, %arg1[%swap3A_48] : memref<32xi32, #tpu.memory_space<smem>>
    %swap3A_50 = arith.constant 2 : index
    %swap3A_51 = memref.load %arg1[%swap3A_50] : memref<32xi32, #tpu.memory_space<smem>>
    memref.store %convert_element_type3A_46, %arg1[%swap3A_50] : memref<32xi32, #tpu.memory_space<smem>>
    %swap3A_52 = arith.constant 3 : index
    %swap3A_53 = memref.load %arg1[%swap3A_52] : memref<32xi32, #tpu.memory_space<smem>>
    memref.store %convert_element_type3A_46, %arg1[%swap3A_52] : memref<32xi32, #tpu.memory_space<smem>>
    %swap3A_54 = arith.constant 4 : index
    %swap3A_55 = memref.load %arg1[%swap3A_54] : memref<32xi32, #tpu.memory_space<smem>>
    memref.store %convert_element_type3A_46, %arg1[%swap3A_54] : memref<32xi32, #tpu.memory_space<smem>>
    %swap3A_56 = arith.constant 5 : index
    %swap3A_57 = memref.load %arg1[%swap3A_56] : memref<32xi32, #tpu.memory_space<smem>>
    memref.store %convert_element_type3A_46, %arg1[%swap3A_56] : memref<32xi32, #tpu.memory_space<smem>>
    %swap3A_58 = arith.constant 6 : index
    %swap3A_59 = memref.load %arg1[%swap3A_58] : memref<32xi32, #tpu.memory_space<smem>>
    memref.store %convert_element_type3A_46, %arg1[%swap3A_58] : memref<32xi32, #tpu.memory_space<smem>>
    %swap3A_60 = arith.constant 7 : index
    %swap3A_61 = memref.load %arg1[%swap3A_60] : memref<32xi32, #tpu.memory_space<smem>>
    memref.store %convert_element_type3A_46, %arg1[%swap3A_60] : memref<32xi32, #tpu.memory_space<smem>>
    %swap3A_62 = arith.constant 8 : index
    %swap3A_63 = memref.load %arg1[%swap3A_62] : memref<32xi32, #tpu.memory_space<smem>>
    memref.store %convert_element_type3A_46, %arg1[%swap3A_62] : memref<32xi32, #tpu.memory_space<smem>>
    %swap3A_64 = arith.constant 9 : index
    %swap3A_65 = memref.load %arg1[%swap3A_64] : memref<32xi32, #tpu.memory_space<smem>>
    memref.store %convert_element_type3A_46, %arg1[%swap3A_64] : memref<32xi32, #tpu.memory_space<smem>>
    %swap3A_66 = arith.constant 10 : index
    %swap3A_67 = memref.load %arg1[%swap3A_66] : memref<32xi32, #tpu.memory_space<smem>>
    memref.store %convert_element_type3A_46, %arg1[%swap3A_66] : memref<32xi32, #tpu.memory_space<smem>>
    %swap3A_68 = arith.constant 11 : index
    %swap3A_69 = memref.load %arg1[%swap3A_68] : memref<32xi32, #tpu.memory_space<smem>>
    memref.store %convert_element_type3A_46, %arg1[%swap3A_68] : memref<32xi32, #tpu.memory_space<smem>>
    %swap3A_70 = arith.constant 12 : index
    %swap3A_71 = memref.load %arg1[%swap3A_70] : memref<32xi32, #tpu.memory_space<smem>>
    memref.store %convert_element_type3A_46, %arg1[%swap3A_70] : memref<32xi32, #tpu.memory_space<smem>>
    %swap3A_72 = arith.constant 13 : index
    %swap3A_73 = memref.load %arg1[%swap3A_72] : memref<32xi32, #tpu.memory_space<smem>>
    memref.store %convert_element_type3A_46, %arg1[%swap3A_72] : memref<32xi32, #tpu.memory_space<smem>>
    %swap3A_74 = arith.constant 14 : index
    %swap3A_75 = memref.load %arg1[%swap3A_74] : memref<32xi32, #tpu.memory_space<smem>>
    memref.store %convert_element_type3A_46, %arg1[%swap3A_74] : memref<32xi32, #tpu.memory_space<smem>>
    %swap3A_76 = arith.constant 15 : index
    %swap3A_77 = memref.load %arg1[%swap3A_76] : memref<32xi32, #tpu.memory_space<smem>>
    memref.store %convert_element_type3A_46, %arg1[%swap3A_76] : memref<32xi32, #tpu.memory_space<smem>>
    %swap3A_78 = arith.constant 16 : index
    %swap3A_79 = memref.load %arg1[%swap3A_78] : memref<32xi32, #tpu.memory_space<smem>>
    memref.store %convert_element_type3A_46, %arg1[%swap3A_78] : memref<32xi32, #tpu.memory_space<smem>>
    %swap3A_80 = arith.constant 17 : index
    %swap3A_81 = memref.load %arg1[%swap3A_80] : memref<32xi32, #tpu.memory_space<smem>>
    memref.store %convert_element_type3A_46, %arg1[%swap3A_80] : memref<32xi32, #tpu.memory_space<smem>>
    %swap3A_82 = arith.constant 18 : index
    %swap3A_83 = memref.load %arg1[%swap3A_82] : memref<32xi32, #tpu.memory_space<smem>>
    memref.store %convert_element_type3A_46, %arg1[%swap3A_82] : memref<32xi32, #tpu.memory_space<smem>>
    %swap3A_84 = arith.constant 19 : index
    %swap3A_85 = memref.load %arg1[%swap3A_84] : memref<32xi32, #tpu.memory_space<smem>>
    memref.store %convert_element_type3A_46, %arg1[%swap3A_84] : memref<32xi32, #tpu.memory_space<smem>>
    %swap3A_86 = arith.constant 20 : index
    %swap3A_87 = memref.load %arg1[%swap3A_86] : memref<32xi32, #tpu.memory_space<smem>>
    memref.store %convert_element_type3A_46, %arg1[%swap3A_86] : memref<32xi32, #tpu.memory_space<smem>>
    %swap3A_88 = arith.constant 21 : index
    %swap3A_89 = memref.load %arg1[%swap3A_88] : memref<32xi32, #tpu.memory_space<smem>>
    memref.store %convert_element_type3A_46, %arg1[%swap3A_88] : memref<32xi32, #tpu.memory_space<smem>>
    %swap3A_90 = arith.constant 22 : index
    %swap3A_91 = memref.load %arg1[%swap3A_90] : memref<32xi32, #tpu.memory_space<smem>>
    memref.store %convert_element_type3A_46, %arg1[%swap3A_90] : memref<32xi32, #tpu.memory_space<smem>>
    %swap3A_92 = arith.constant 23 : index
    %swap3A_93 = memref.load %arg1[%swap3A_92] : memref<32xi32, #tpu.memory_space<smem>>
    memref.store %convert_element_type3A_46, %arg1[%swap3A_92] : memref<32xi32, #tpu.memory_space<smem>>
    %swap3A_94 = arith.constant 24 : index
    %swap3A_95 = memref.load %arg1[%swap3A_94] : memref<32xi32, #tpu.memory_space<smem>>
    memref.store %convert_element_type3A_46, %arg1[%swap3A_94] : memref<32xi32, #tpu.memory_space<smem>>
    %swap3A_96 = arith.constant 25 : index
    %swap3A_97 = memref.load %arg1[%swap3A_96] : memref<32xi32, #tpu.memory_space<smem>>
    memref.store %convert_element_type3A_46, %arg1[%swap3A_96] : memref<32xi32, #tpu.memory_space<smem>>
    %swap3A_98 = arith.constant 26 : index
    %swap3A_99 = memref.load %arg1[%swap3A_98] : memref<32xi32, #tpu.memory_space<smem>>
    memref.store %convert_element_type3A_46, %arg1[%swap3A_98] : memref<32xi32, #tpu.memory_space<smem>>
    %swap3A_100 = arith.constant 27 : index
    %swap3A_101 = memref.load %arg1[%swap3A_100] : memref<32xi32, #tpu.memory_space<smem>>
    memref.store %convert_element_type3A_46, %arg1[%swap3A_100] : memref<32xi32, #tpu.memory_space<smem>>
    %swap3A_102 = arith.constant 28 : index
    %swap3A_103 = memref.load %arg1[%swap3A_102] : memref<32xi32, #tpu.memory_space<smem>>
    memref.store %convert_element_type3A_46, %arg1[%swap3A_102] : memref<32xi32, #tpu.memory_space<smem>>
    %swap3A_104 = arith.constant 29 : index
    %swap3A_105 = memref.load %arg1[%swap3A_104] : memref<32xi32, #tpu.memory_space<smem>>
    memref.store %convert_element_type3A_46, %arg1[%swap3A_104] : memref<32xi32, #tpu.memory_space<smem>>
    %swap3A_106 = arith.constant 30 : index
    %swap3A_107 = memref.load %arg1[%swap3A_106] : memref<32xi32, #tpu.memory_space<smem>>
    memref.store %convert_element_type3A_46, %arg1[%swap3A_106] : memref<32xi32, #tpu.memory_space<smem>>
    %swap3A_108 = arith.constant 31 : index
    %swap3A_109 = memref.load %arg1[%swap3A_108] : memref<32xi32, #tpu.memory_space<smem>>
    memref.store %convert_element_type3A_46, %arg1[%swap3A_108] : memref<32xi32, #tpu.memory_space<smem>>
    %swap3A_110 = arith.constant 0 : index
    %swap3A_111 = memref.load %arg2[%swap3A_110] : memref<2xf32, #tpu.memory_space<smem>>
    memref.store %reduce_sum3A_37, %arg2[%swap3A_110] : memref<2xf32, #tpu.memory_space<smem>>
    %swap3A_112 = arith.constant 1 : index
    %swap3A_113 = memref.load %arg2[%swap3A_112] : memref<2xf32, #tpu.memory_space<smem>>
    memref.store %reduce_sum3A_45, %arg2[%swap3A_112] : memref<2xf32, #tpu.memory_space<smem>>
    return
  }
}

module attributes {stable_mosaic.version = 14 : i64} {
  func.func @_sel2_body(%arg0: memref<32x512x128xi32, #tpu.memory_space<vmem>>, %arg1: memref<4x128xf32, #tpu.memory_space<vmem>>, %arg2: memref<2xf32, #tpu.memory_space<smem>>, %arg3: memref<8xf32, #tpu.memory_space<smem>>, %arg4: memref<1xi32, #tpu.memory_space<smem>>, %arg5: memref<1xf32, #tpu.memory_space<smem>>) attributes {dimension_semantics = [], scalar_prefetch = 0 : i64, scratch_operands = 0 : i64, tpu.core_type = #tpu.core_type<tc>} {
    %get3A = arith.constant 0 : index
    %get3A_0 = arith.constant 0 : index
    %get3A_1 = arith.constant 0 : index
    %get3A_2 = vector.load %arg0[%get3A, %get3A_0, %get3A_1] : memref<32x512x128xi32, #tpu.memory_space<vmem>>, vector<32x512x128xi32>
    %convert_element_type3A = arith.sitofp %get3A_2 : vector<32x512x128xi32> to vector<32x512x128xf32>
    %reduce_sum3A = arith.constant dense<0.000000e+00> : vector<512x128xf32>
    %reduce_sum3A_3 = vector.multi_reduction <add>, %convert_element_type3A, %reduce_sum3A [0] : vector<32x512x128xf32> to vector<512x128xf32>
    %iota3A = tpu.iota {dimensions = array<i32: 0>} : vector<128x128xi32>
    %iota3A_4 = tpu.iota {dimensions = array<i32: 1>} : vector<128x128xi32>
    %le3A = arith.cmpi sle, %iota3A, %iota3A_4 : vector<128x128xi32>
    %convert_element_type3A_5 = arith.extui %le3A : vector<128x128xi1> to vector<128x128xi32>
    %convert_element_type3A_6 = arith.sitofp %convert_element_type3A_5 : vector<128x128xi32> to vector<128x128xf32>
    %dot_general3A = arith.constant dense<0.000000e+00> : vector<512x128xf32>
    %dot_general3A_7 = tpu.matmul %reduce_sum3A_3, %convert_element_type3A_6, %dot_general3A {dimension_numbers = #tpu.dot_dimension_numbers<[1], [0], [0], [1], [0, 0, 1, 1], [], []>, precision = #tpu.contract_precision<fp32>, transpose_lhs_hint = false} : vector<512x128xf32>, vector<128x128xf32>, vector<512x128xf32> -> vector<512x128xf32>
    %slice3A = vector.extract_strided_slice %dot_general3A_7 {offsets = [0, 127], sizes = [512, 1], strides = [1, 1]} : vector<512x128xf32> to vector<512x1xf32>
    %iota3A_8 = tpu.iota {dimensions = array<i32: 0>} : vector<512x512xi32>
    %iota3A_9 = tpu.iota {dimensions = array<i32: 1>} : vector<512x512xi32>
    %lt3A = arith.cmpi slt, %iota3A_9, %iota3A_8 : vector<512x512xi32>
    %convert_element_type3A_10 = arith.extui %lt3A : vector<512x512xi1> to vector<512x512xi32>
    %convert_element_type3A_11 = arith.sitofp %convert_element_type3A_10 : vector<512x512xi32> to vector<512x512xf32>
    %dot_general3A_12 = arith.constant dense<0.000000e+00> : vector<512x1xf32>
    %dot_general3A_13 = tpu.matmul %convert_element_type3A_11, %slice3A, %dot_general3A_12 {dimension_numbers = #tpu.dot_dimension_numbers<[1], [0], [0], [1], [0, 0, 1, 1], [], []>, precision = #tpu.contract_precision<fp32>, transpose_lhs_hint = false} : vector<512x512xf32>, vector<512x1xf32>, vector<512x1xf32> -> vector<512x1xf32>
    %add3A = vector.broadcast %dot_general3A_13 : vector<512x1xf32> to vector<512x128xf32>
    %add3A_14 = arith.addf %dot_general3A_7, %add3A : vector<512x128xf32>
    %reduce_sum3A_15 = vector.shape_cast %reduce_sum3A_3 : vector<512x128xf32> to vector<1x512x128xf32>
    %reduce_sum3A_16 = arith.constant dense<0.000000e+00> : vector<1xf32>
    %reduce_sum3A_17 = vector.multi_reduction <add>, %reduce_sum3A_15, %reduce_sum3A_16 [1, 2] : vector<1x512x128xf32> to vector<1xf32>
    %reduce_sum3A_18 = vector.shape_cast %reduce_sum3A_17 : vector<1xf32> to vector<1x1x1xf32>
    %reduce_sum3A_19 = vector.extract %reduce_sum3A_18[0, 0, 0] : f32 from vector<1x1x1xf32>
    %sub3A = vector.broadcast %reduce_sum3A_19 : f32 to vector<512x128xf32>
    %sub3A_20 = arith.subf %sub3A, %add3A_14 : vector<512x128xf32>
    %get3A_21 = arith.constant 0 : index
    %get3A_22 = memref.load %arg2[%get3A_21] : memref<2xf32, #tpu.memory_space<smem>>
    %get3A_23 = arith.constant 1 : index
    %get3A_24 = memref.load %arg2[%get3A_23] : memref<2xf32, #tpu.memory_space<smem>>
    %sub3A_25 = arith.constant 0x4A133330 : f32
    %sub3A_26 = arith.subf %sub3A_25, %get3A_24 : f32
    %lt3A_27 = vector.broadcast %sub3A_26 : f32 to vector<512x128xf32>
    %lt3A_28 = arith.cmpf olt, %sub3A_20, %lt3A_27 : vector<512x128xf32>
    %add3A_29 = arith.addf %sub3A_20, %reduce_sum3A_3 : vector<512x128xf32>
    %ge3A = vector.broadcast %sub3A_26 : f32 to vector<512x128xf32>
    %ge3A_30 = arith.cmpf oge, %add3A_29, %ge3A : vector<512x128xf32>
    %and3A = arith.andi %lt3A_28, %ge3A_30 : vector<512x128xi1>
    %iota3A_31 = tpu.iota {dimensions = array<i32: 0>} : vector<512x128xi32>
    %mul3A = arith.constant 128 : i32
    %mul3A_32 = vector.broadcast %mul3A : i32 to vector<512x128xi32>
    %mul3A_33 = arith.muli %iota3A_31, %mul3A_32 : vector<512x128xi32>
    %iota3A_34 = tpu.iota {dimensions = array<i32: 1>} : vector<512x128xi32>
    %add3A_35 = arith.addi %mul3A_33, %iota3A_34 : vector<512x128xi32>
    %iota3A_36 = tpu.iota {dimensions = array<i32: 0>} : vector<512x128xi32>
    %mul3A_37 = arith.constant 128 : i32
    %mul3A_38 = vector.broadcast %mul3A_37 : i32 to vector<512x128xi32>
    %mul3A_39 = arith.muli %iota3A_36, %mul3A_38 : vector<512x128xi32>
    %iota3A_40 = tpu.iota {dimensions = array<i32: 1>} : vector<512x128xi32>
    %add3A_41 = arith.addi %mul3A_39, %iota3A_40 : vector<512x128xi32>
    %convert_element_type3A_42 = arith.sitofp %add3A_41 : vector<512x128xi32> to vector<512x128xf32>
    %jit3A = arith.constant 0.000000e+00 : f32
    %broadcast_in_dim3A = vector.broadcast %jit3A : f32 to vector<512x128xf32>
    %select_n3A = arith.select %and3A, %convert_element_type3A_42, %broadcast_in_dim3A : vector<512x128xi1>, vector<512x128xf32>
    %reduce_sum3A_43 = vector.shape_cast %select_n3A : vector<512x128xf32> to vector<1x512x128xf32>
    %reduce_sum3A_44 = arith.constant dense<0.000000e+00> : vector<1xf32>
    %reduce_sum3A_45 = vector.multi_reduction <add>, %reduce_sum3A_43, %reduce_sum3A_44 [1, 2] : vector<1x512x128xf32> to vector<1xf32>
    %reduce_sum3A_46 = vector.shape_cast %reduce_sum3A_45 : vector<1xf32> to vector<1x1x1xf32>
    %reduce_sum3A_47 = vector.extract %reduce_sum3A_46[0, 0, 0] : f32 from vector<1x1x1xf32>
    %jit3A_48 = arith.constant 0.000000e+00 : f32
    %broadcast_in_dim3A_49 = vector.broadcast %jit3A_48 : f32 to vector<512x128xf32>
    %select_n3A_50 = arith.select %and3A, %sub3A_20, %broadcast_in_dim3A_49 : vector<512x128xi1>, vector<512x128xf32>
    %reduce_sum3A_51 = vector.shape_cast %select_n3A_50 : vector<512x128xf32> to vector<1x512x128xf32>
    %reduce_sum3A_52 = arith.constant dense<0.000000e+00> : vector<1xf32>
    %reduce_sum3A_53 = vector.multi_reduction <add>, %reduce_sum3A_51, %reduce_sum3A_52 [1, 2] : vector<1x512x128xf32> to vector<1xf32>
    %reduce_sum3A_54 = vector.shape_cast %reduce_sum3A_53 : vector<1xf32> to vector<1x1x1xf32>
    %reduce_sum3A_55 = vector.extract %reduce_sum3A_54[0, 0, 0] : f32 from vector<1x1x1xf32>
    %convert_element_type3A_56 = arith.fptosi %get3A_22 : f32 to i32
    %mul3A_57 = arith.constant 65536 : i32
    %mul3A_58 = arith.muli %convert_element_type3A_56, %mul3A_57 : i32
    %add3A_59 = vector.broadcast %mul3A_58 : i32 to vector<512x128xi32>
    %add3A_60 = arith.addi %add3A_59, %add3A_35 : vector<512x128xi32>
    %bitcast_convert_type3A = tpu.bitcast %add3A_60 : vector<512x128xi32> -> vector<512x128xf32>
    %gt3A = vector.broadcast %reduce_sum3A_47 : f32 to vector<512x128xf32>
    %gt3A_61 = arith.cmpf ogt, %convert_element_type3A_42, %gt3A : vector<512x128xf32>
    %mul3A_62 = arith.mulf %reduce_sum3A_3, %bitcast_convert_type3A : vector<512x128xf32>
    %jit3A_63 = arith.constant 0.000000e+00 : f32
    %broadcast_in_dim3A_64 = vector.broadcast %jit3A_63 : f32 to vector<512x128xf32>
    %select_n3A_65 = arith.select %gt3A_61, %mul3A_62, %broadcast_in_dim3A_64 : vector<512x128xi1>, vector<512x128xf32>
    %reduce_sum3A_66 = vector.shape_cast %select_n3A_65 : vector<512x128xf32> to vector<1x512x128xf32>
    %reduce_sum3A_67 = arith.constant dense<0.000000e+00> : vector<1xf32>
    %reduce_sum3A_68 = vector.multi_reduction <add>, %reduce_sum3A_66, %reduce_sum3A_67 [1, 2] : vector<1x512x128xf32> to vector<1xf32>
    %reduce_sum3A_69 = vector.shape_cast %reduce_sum3A_68 : vector<1xf32> to vector<1x1x1xf32>
    %reduce_sum3A_70 = vector.extract %reduce_sum3A_69[0, 0, 0] : f32 from vector<1x1x1xf32>
    %eq3A = vector.broadcast %reduce_sum3A_47 : f32 to vector<512x128xf32>
    %eq3A_71 = arith.cmpf oeq, %convert_element_type3A_42, %eq3A : vector<512x128xf32>
    %jit3A_72 = arith.constant 0.000000e+00 : f32
    %broadcast_in_dim3A_73 = vector.broadcast %jit3A_72 : f32 to vector<512x128xf32>
    %select_n3A_74 = arith.select %eq3A_71, %bitcast_convert_type3A, %broadcast_in_dim3A_73 : vector<512x128xi1>, vector<512x128xf32>
    %reduce_sum3A_75 = vector.shape_cast %select_n3A_74 : vector<512x128xf32> to vector<1x512x128xf32>
    %reduce_sum3A_76 = arith.constant dense<0.000000e+00> : vector<1xf32>
    %reduce_sum3A_77 = vector.multi_reduction <add>, %reduce_sum3A_75, %reduce_sum3A_76 [1, 2] : vector<1x512x128xf32> to vector<1xf32>
    %reduce_sum3A_78 = vector.shape_cast %reduce_sum3A_77 : vector<1xf32> to vector<1x1x1xf32>
    %reduce_sum3A_79 = vector.extract %reduce_sum3A_78[0, 0, 0] : f32 from vector<1x1x1xf32>
    %get3A_80 = arith.constant 0 : index
    %get3A_81 = arith.constant 0 : index
    %get3A_82 = vector.load %arg1[%get3A_80, %get3A_81] : memref<4x128xf32, #tpu.memory_space<vmem>>, vector<4x128xf32>
    %reduce_sum3A_83 = vector.shape_cast %get3A_82 : vector<4x128xf32> to vector<1x4x128xf32>
    %reduce_sum3A_84 = arith.constant dense<0.000000e+00> : vector<1xf32>
    %reduce_sum3A_85 = vector.multi_reduction <add>, %reduce_sum3A_83, %reduce_sum3A_84 [1, 2] : vector<1x4x128xf32> to vector<1xf32>
    %reduce_sum3A_86 = vector.shape_cast %reduce_sum3A_85 : vector<1xf32> to vector<1x1x1xf32>
    %reduce_sum3A_87 = vector.extract %reduce_sum3A_86[0, 0, 0] : f32 from vector<1x1x1xf32>
    %add3A_88 = arith.addf %get3A_24, %reduce_sum3A_55 : f32
    %sub3A_89 = arith.constant 0x4A133330 : f32
    %sub3A_90 = arith.subf %sub3A_89, %add3A_88 : f32
    %add3A_91 = arith.addf %reduce_sum3A_87, %reduce_sum3A_70 : f32
    %mul3A_92 = arith.mulf %sub3A_90, %reduce_sum3A_79 : f32
    %add3A_93 = arith.addf %add3A_91, %mul3A_92 : f32
    %div3A = arith.constant 0x4A133330 : f32
    %div3A_94 = arith.divf %add3A_93, %div3A : f32
    %get3A_95 = arith.constant 0 : index
    %get3A_96 = memref.load %arg3[%get3A_95] : memref<8xf32, #tpu.memory_space<smem>>
    %add3A_97 = arith.constant 0.000000e+00 : f32
    %add3A_98 = arith.addf %add3A_97, %get3A_96 : f32
    %get3A_99 = arith.constant 1 : index
    %get3A_100 = memref.load %arg3[%get3A_99] : memref<8xf32, #tpu.memory_space<smem>>
    %add3A_101 = arith.addf %add3A_98, %get3A_100 : f32
    %get3A_102 = arith.constant 2 : index
    %get3A_103 = memref.load %arg3[%get3A_102] : memref<8xf32, #tpu.memory_space<smem>>
    %add3A_104 = arith.addf %add3A_101, %get3A_103 : f32
    %get3A_105 = arith.constant 3 : index
    %get3A_106 = memref.load %arg3[%get3A_105] : memref<8xf32, #tpu.memory_space<smem>>
    %add3A_107 = arith.addf %add3A_104, %get3A_106 : f32
    %get3A_108 = arith.constant 4 : index
    %get3A_109 = memref.load %arg3[%get3A_108] : memref<8xf32, #tpu.memory_space<smem>>
    %add3A_110 = arith.addf %add3A_107, %get3A_109 : f32
    %get3A_111 = arith.constant 5 : index
    %get3A_112 = memref.load %arg3[%get3A_111] : memref<8xf32, #tpu.memory_space<smem>>
    %add3A_113 = arith.addf %add3A_110, %get3A_112 : f32
    %get3A_114 = arith.constant 6 : index
    %get3A_115 = memref.load %arg3[%get3A_114] : memref<8xf32, #tpu.memory_space<smem>>
    %add3A_116 = arith.addf %add3A_113, %get3A_115 : f32
    %get3A_117 = arith.constant 7 : index
    %get3A_118 = memref.load %arg3[%get3A_117] : memref<8xf32, #tpu.memory_space<smem>>
    %add3A_119 = arith.addf %add3A_116, %get3A_118 : f32
    %div3A_120 = arith.constant 0x4A800000 : f32
    %div3A_121 = arith.divf %add3A_119, %div3A_120 : f32
    %get3A_122 = arith.constant 0 : index
    %get3A_123 = memref.load %arg4[%get3A_122] : memref<1xi32, #tpu.memory_space<smem>>
    %lt3A_124 = arith.constant 5000 : i32
    %lt3A_125 = arith.cmpi slt, %get3A_123, %lt3A_124 : i32
    %select_n3A_126 = arith.select %lt3A_125, %div3A_121, %div3A_94 : f32
    %swap3A = arith.constant 0 : index
    %swap3A_127 = memref.load %arg5[%swap3A] : memref<1xf32, #tpu.memory_space<smem>>
    memref.store %select_n3A_126, %arg5[%swap3A] : memref<1xf32, #tpu.memory_space<smem>>
    return
  }
}

</mosaic_0001>

<sc_bundles>
// kernel: kernel.10.cloned.1.call-start
scs
__scs_entry_jumppad:
0x0: {  	(pc) =	sbr.rel $0x88, $3  }
0x1: {  	(tag) =	ssettag $0x0;
	lr =	simm.s32 $0x1  }
0x2: {  	[smem:$0x3F9E] =	sst lr;
	_ =	strace $0xD0000000  }
0x3: {  	_ = 	snop  }
0x4: {  	_ = 	snop  }
0x5: {  	_ = 	snop  }
0x6: {  	_ = 	snop  }
0x7: {  	_ = 	snop  }
__scs_overlays_trampoline_lowered:
0x8: {  	[smem:$0x3FAD] =	sst s0  }
0x9: {  	[smem:$0x3FAE] =	sst s1  }
0xa: {  	[smem:$0x3FAF] =	sst s2  }
0xb: {  	[smem:$0x3FB0] =	sst s3  }
0xc: {  	[smem:$0x3FB1] =	sst s4  }
0xd: {  	[smem:$0x3FB2] =	sst s5  }
0xe: {  	[smem:$0x3FB3] =	sst s6  }
0xf: {  	[smem:$0x3FB4] =	sst s7  }
0x10: {  	[smem:$0x3FB5] =	sst s8  }
0x11: {  	[smem:$0x3FB6] =	sst s9;
	s0 =	simm.s32 @!p0 $0x0  }
0x12: {  	s1 =	sld [smem:$0x3F9C];
	s0 =	simm.s32 @p0 $0x1  }
0x13: {  	[smem:$0x3FB7] =	sst s0;
	s0 =	simm.s32 @!p1 $0x0  }
0x14: {  	s2 =	sld [smem:$0x3F9B];
	s0 =	simm.s32 @p1 $0x1  }
0x15: {  	[smem:$0x3FB8] =	sst s0;
	s0 =	simm.s32 @!p2 $0x0  }
0x16: {  	s3 =	sld [smem:$0x3FDB];
	s0 =	simm.s32 @p2 $0x1  }
0x17: {  	s4 =	simm.s32 $0x1BF5;
	[smem:$0x3FBA] =	sst s0  }
0x18: {  	s0 =	sld [smem:$0x3F9D];
	_ =	swait.ge [sflag:s4], $0x0  }
0x19: {  	s7 =	sld [smem:$0x3F9E]  }
0x1a: {  	s8 =	sadd.s32 $0xFFFFE003, lr  }
0x1b: {  	s9 =	sadd.s32 $0xFFFFFEF7, lr;
	s5 =	simm.s32 $0xFFFFFFFF;
	p2 =	slt.u32 s8, $0xFFFFF086  }
0x1c: {  	p1 =	slt.u32 s9, $0xF7A;
	s5 =	simm.s32 @!p2 $0x0  }
0x1d: {  	s5 =	simm.s32 @p1 $0x1;
	p0 =	seq.s32 s7, s2  }
0x1e: {  	s7 =	smul.u32 @!p0 $0xF7A, s2;
	p2 =	seq.s32 @!p0 s5, $0x0  }
0x1f: {  	s9 =	smul.u32 $0xF7A, s1;
	s8 =	simm.s32 @!p0 $0x1BF5;
	p2 =	por !p2, p0  }
0x20: {  	[sflag:s8] =	ssyncset.s32 @!p0 $0xFFFFF086;
	s6 =	sadd.s32 @!p0 s3, s7;
	s7 =	simm.s32 @!p0 $0x108  }
0x21: {  	s3 =	sadd.s32 s3, s9;
	s6 =	sadd.s32 @!p0 $0x88, s6;
	s7 =	simm.s32 @p2 $0x1082  }
0x22: {  	[simem:s7], [sflag:s8] =	dma.local @!p0 [hbm:s6], $0xF7A  }
0x23: {  	s9 =	sor.u32 $0xD0000000, s2;
	s6 =	simm.s32 $0x108;
	_ =	swait.ge @!p0 [sflag:s8], $0x0  }
0x24: {  	s3 =	sadd.s32 $0x88, s3;
	s6 =	simm.s32 @!p1 $0x1082;
	[sflag:s4] =	ssyncset.s32 $0xFFFFF086  }
0x25: {  	[simem:s6], [sflag:s4] =	dma.local [hbm:s3], $0xF7A  }
0x26: {  	[smem:$0x3F9E] =	sst s1;
	(tag) =	ssettag s2;
	_ =	strace s9  }
0x27: {  	s1 =	sld [smem:$0x3FAE]  }
0x28: {  	s2 =	sld [smem:$0x3FAF]  }
0x29: {  	s4 =	sld [smem:$0x3FB1]  }
0x2a: {  	p0 =	seq.s32 s5, $0x0;
	s5 =	sld [smem:$0x3FB2]  }
0x2b: {  	s6 =	sld [smem:$0x3FB3]  }
0x2c: {  	s7 =	sld [smem:$0x3FB4]  }
0x2d: {  	s3 =	simm.s32 $0x108;
	s8 =	sld [smem:$0x3FB5]  }
0x2e: {  	s3 =	simm.s32 @!p0 $0x1082;
	s9 =	sld [smem:$0x3FB6]  }
0x2f: {  	lr =	sadd.s32 s0, s3;
	s0 =	sld [smem:$0x3FAD]  }
0x30: {  	s3 =	sld [smem:$0x3FB0]  }
0x31: {  	[smem:$0x3FB9] =	sst s10  }
0x32: {  	s10 =	sld [smem:$0x3FB7];
	_ =	sdelay $0x3  }
0x33: {  	p0 =	seq.s32 s10, $0x1;
	s10 =	sld [smem:$0x3FB9];
	_ =	sdelay $0x3  }
0x34: {  	[smem:$0x3FB9] =	sst s10  }
0x35: {  	s10 =	sld [smem:$0x3FB8];
	_ =	sdelay $0x3  }
0x36: {  	p1 =	seq.s32 s10, $0x1;
	s10 =	sld [smem:$0x3FB9];
	_ =	sdelay $0x3  }
0x37: {  	[smem:$0x3FB9] =	sst s10  }
0x38: {  	s10 =	sld [smem:$0x3FBA]  }
0x39: {  	_ = 	snop;
	(pc) =	sbr.ind lr, $3  }
0x3a: {  	_ = 	snop  }
0x3b: {  	_ = 	snop  }
0x3c: {  	p2 =	seq.s32 s10, $0x1;
	s10 =	sld [smem:$0x3FB9]  }
0x3d: {  	_ =	shalt  }
0x3e: {  	_ =	shalt  }
0x3f: {  	_ =	shalt  }
0x40: {  	_ =	shalt  }
0x41: {  	_ =	shalt  }
0x42: {  	_ =	shalt  }
0x43: {  	_ =	shalt  }
0x44: {  	_ =	shalt  }
0x45: {  	_ =	shalt  }
0x46: {  	_ =	shalt  }
0x47: {  	_ =	shalt  }
0x48: {  	_ =	shalt  }
0x49: {  	_ =	shalt  }
0x4a: {  	_ =	shalt  }
0x4b: {  	_ =	shalt  }
0x4c: {  	_ =	shalt  }
0x4d: {  	_ =	shalt  }
0x4e: {  	_ =	shalt  }
0x4f: {  	_ =	shalt  }
0x50: {  	_ =	shalt  }
0x51: {  	_ =	shalt  }
0x52: {  	_ =	shalt  }
0x53: {  	_ =	shalt  }
0x54: {  	_ =	shalt  }
0x55: {  	_ =	shalt  }
0x56: {  	_ =	shalt  }
0x57: {  	_ =	shalt  }
0x58: {  	_ =	shalt  }
0x59: {  	_ =	shalt  }
0x5a: {  	_ =	shalt  }
0x5b: {  	_ =	shalt  }
0x5c: {  	_ =	shalt  }
0x5d: {  	_ =	shalt  }
0x5e: {  	_ =	shalt  }
0x5f: {  	_ =	shalt  }
0x60: {  	_ =	shalt  }
0x61: {  	_ =	shalt  }
0x62: {  	_ =	shalt  }
0x63: {  	_ =	shalt  }
0x64: {  	_ =	shalt  }
0x65: {  	_ =	shalt  }
0x66: {  	_ =	shalt  }
0x67: {  	_ =	shalt  }
0x68: {  	_ =	shalt  }
0x69: {  	_ =	shalt  }
0x6a: {  	_ =	shalt  }
0x6b: {  	_ =	shalt  }
0x6c: {  	_ =	shalt  }
0x6d: {  	_ =	shalt  }
0x6e: {  	_ =	shalt  }
0x6f: {  	_ =	shalt  }
0x70: {  	_ =	shalt  }
0x71: {  	_ =	shalt  }
0x72: {  	_ =	shalt  }
0x73: {  	_ =	shalt  }
0x74: {  	_ =	shalt  }
0x75: {  	_ =	shalt  }
0x76: {  	_ =	shalt  }
0x77: {  	_ =	shalt  }
0x78: {  	_ =	shalt  }
0x79: {  	_ =	shalt  }
0x7a: {  	_ =	shalt  }
0x7b: {  	_ =	shalt  }
0x7c: {  	_ =	shalt  }
0x7d: {  	_ =	shalt  }
0x7e: {  	_ =	shalt  }
0x7f: {  	_ =	shalt  }
0x80: {  	_ =	shalt  }
0x81: {  	_ =	shalt  }
0x82: {  	_ =	shalt  }
0x83: {  	_ =	shalt  }
0x84: {  	_ =	shalt  }
0x85: {  	_ =	shalt  }
0x86: {  	_ =	shalt  }
0x87: {  	_ =	shalt  }
.Lfunc_end0:
.L_simem_size_0:
called_computation.1_lowered:
.L_overlay_start_0:
0x88: {  	s2 =	sld [smem:$0x3FD9]  }
0x89: {  	s3 =	sld [smem:$0x3FFE];
	_ =	sdelay $0x1  }
0x8a: {  	s1 =	srdreg.scid  }
0x8b: {  	s0 =	sand.u32 $0x1, s1  }
0x8c: {  	s17 =	sshll.u32 s0, $0xA;
	s2 =	sadd.s32 s3, s2  }
0x8d: {  	s2 =	sadd.s32 s2, s17  }
0x8e: {  	[smem:$0x3FC5] =	sst s2  }
0x8f: {  	_ = 	snop  }
0x90: {  	s2 =	sld [smem:$0x3FD0];
	(tm) =	ssettm $0x1  }
0x91: {  	s18 =	sld [smem:$0x3FFB];
	_ =	sdelay $0x3  }
0x92: {  	_ =	strace s18  }
0x93: {  	s3 =	sld [smem:$0x3FFC];
	_ =	sdelay $0x3  }
0x94: {  	_ =	strace s3  }
0x95: {  	s3 =	sld [smem:$0x3FFD];
	_ =	sdelay $0x3  }
0x96: {  	_ =	strace s3  }
0x97: {  	_ =	strace $0x8FFFFFFF  }
0x98: {  	s19 =	sld [smem:$0x3FDB];
	_ =	sdelay $0x1  }
0x99: {  	s4 =	simm.s32 $_scs_section_size  }
0x9a: {  	s5 =	simm.s32 $_size__tile_overlayer_lowered;
	s6 =	simm.s32 $_tile_overlayer_lowered  }
0x9b: {  	s22 =	simm.s32 $0x1BFF;
	s21 =	sshll.u32 s6, $0x1;
	s3 =	sadd.s32 s4, s19  }
0x9c: {  	s7 =	simm.s32 $0x0;
	s20 =	sshll.u32 s5, $0x1;
	s5 =	sadd.s32 s21, s3  }
0x9d: {  	[timem:s7], [sflag:s22] =	dma.local [hbm:s5], s20  }
0x9e: {  	_ =	swait.ge [sflag:s22], s20  }
0x9f: {  	s4 =	ssub.s32 $0x0, s20;
	[sflag:s22] =	ssyncset.done $0x0  }
0xa0: {  	[sflag:s22] =	ssyncadd.s32 s4;
	_ =	sdelay $0x1  }
0xa1: {  	s23 =	simm.s32 $0x1B8B  }
0xa2: {  	_ =	swait.ge [sflag:s23], $0x1  }
0xa3: {  	[sflag:s23] =	ssyncset.done $0x0  }
0xa4: {  	s25 =	simm.s32 $0x1B8E;
	s24 =	sld [smem:$0x3FFE];
	[sflag:s23] =	ssyncadd.s32 $0xFFFFFFFF  }
0xa5: {  	s26 =	simm.s32 $execute0_lowered;
	[smem:$0x3FD2] =	sst s25  }
0xa6: {  	s5 =	sshll.u32 s26, $0x1;
	_ =	strace $0x80000049;
	[dreg:$0x1] =	wrdreg $0xFFFFFFFF  }
0xa7: {  	s28 =	simm.s32 $_size_execute0_lowered;
	s3 =	sadd.s32 s3, s5;
	[dreg:$0x0] =	wrdreg $0x0  }
0xa8: {  	s5 =	sshll.u32 s28, $0x1;
	[dreg:$0x2] =	wrdreg s3  }
0xa9: {  	[dreg:$0x3] =	wrdreg s5  }
0xaa: {  	[dreg:$0x4] =	wrdreg $0xC0  }
0xab: {  	_ =	task [dreg:s7], $0x5FFFF  }
0xac: {  	[dreg:$0x1] =	wrdreg $0xFFFFFFFF  }
0xad: {  	[dreg:$0x0] =	wrdreg $0x60  }
0xae: {  	[dreg:$0x2] =	wrdreg s24  }
0xaf: {  	[dreg:$0x3] =	wrdreg s2  }
0xb0: {  	[dreg:$0x4] =	wrdreg $0x9  }
0xb1: {  	_ =	task.clear_ibuf [dreg:s7], $0x5FFFF;
	_ =	strace $0x90000049  }
0xb2: {  	s29 =	simm.s32 $0x9;
	_ =	strace $0x8000004B  }
0xb3: {  	_ =	swait.ge [sflag:s29], $0x1  }
0xb4: {  	[sflag:s29] =	ssyncadd.s32 $0xFFFFFFFF  }
0xb5: {  	_ =	strace $0x9000004B  }
0xb6: {  	_ =	sfence  }
0xb7: {  	s30 =	sld [smem:$0x0];
	_ =	sdelay $0x2  }
0xb8: {  	s31 =	sshll.u32 s1, $0xD;
	s1 =	sshrl.u32 s1, $0x2  }
0xb9: {  	s3 =	sand.u32 $0x4000, s31;
	s1 =	sadd.s32 s1, s30  }
0xba: {  	s0 =	sor.u32 s3, s0;
	s1 =	sshll.u32 s1, $0x11  }
0xbb: {  	s0 =	sor.u32 s1, s0  }
0xbc: {  	s0 =	sadd.s32 $0x8F2B, s0  }
0xbd: {  	[sflag:s0] =	ssyncadd.remote.s32 $0x1  }
0xbe: {  	_ =	sfence.sel $0xFFFF  }
0xbf: {  	[dreg:$0x0] =	wrdreg $0xFFFFFFFF;
	(pc) =	sbr.abs _section_cstart, $3  }
0xc0: {  	[dreg:$0x1] =	wrdreg $0xFFFFFFFF  }
0xc1: {  	_ =	task.clear_ibuf [dreg:s7], $0x2FFFF;
	_ =	strace $0x9FFFFFFF  }
0xc2: {  	(tm) =	ssettm $0x7FFFFFFF  }
0xc3: {  	_ =	shalt  }
tec
execute0_lowered:
.L_overlay_start_1:
0x0: {  	(tag) =	ssettag $0x1  }
0x1: {  	s5 =	rddreg [dreg:$0x0]  }
0x2: {  	s1 =	rddreg [dreg:$0x1];
	s2 =	srdreg.scid  }
0x3: {  	s0 =	rddreg [dreg:$0x2];
	s3 =	simm.s32 $0x0;
	s11 =	simm.s32 $0x3  }
0x4: {  	s12 =	simm.s32 $0x10000;
	s13 =	simm.s32 $0x14000;
	s14 =	simm.s32 $0x1  }
0x5: {  	s15 =	simm.s32 $0x2;
	s16 =	simm.s32 $0x18000;
	s17 =	simm.s32 $0x0  }
0x6: {  	s6 =	sand.u32 $0x1, s2;
	[smem:$0x7FF] =	sst s3;
	s2 =	stileid.u32  }
0x7: {  	s4 =	sadd.s32 $0x1E00, s5;
	s7 =	sshll.u32 s6, $0x4;
	s6 =	ssub.s32 $0x2, s6  }
0x8: {  	_ =	strace $0x8000004A;
	s7 =	sor.u32 s2, s7;
	s30 =	sshrl.u32 s6, $0x1  }
0x9: {  	s8 =	sshll.u32 s7, $0xD;
	s9 =	sshll.u32 s7, $0x1;
	s10 =	ssub.s32 s6, s30  }
0xa: {  	s31 =	sshll.u32 s7, $0xE;
	s8 =	sadd.s32 s8, s5;
	s9 =	sadd.s32 s9, s5  }
0xb: {  	s5 =	sshll.u32 s7, $0x11;
	s6 =	sadd.s32 s4, s31;
	s7 =	sadd.s32 $0x81E00, s8  }
0xc: {  	v0 =	vimm.s32 $0x0;
	v1 =	vimm.s32 $0x1;
	s8 =	sadd.s32 $0xC1E00, s9;
	s9 =	smax.u32 s10, $0x1;
	s10 =	simm.s32 $0x18080  }
.LBB2_1:
0xd: {  	s18 =	simm.s32 $0x0;
	s19 =	simm.s32 $0x200  }
.LBB2_2:
0xe: {  	p0 =	sne.s32 s19, $0x3FE00;
	[tilespmem:s18+$0x70] =	vst v0  }
0xf: {  	[tilespmem:s18+$0x0] =	vst v0  }
0x10: {  	[tilespmem:s18+$0x10] =	vst v0  }
.Ltmp0:
0x11: {  	[tilespmem:s18+$0x20] =	vst v0;
	(pc) =	sbr.rel @p0 .LBB2_2-.Ltmp0, $4  }
0x12: {  	[tilespmem:s18+$0x30] =	vst v0  }
0x13: {  	[tilespmem:s18+$0x40] =	vst v0  }
0x14: {  	[tilespmem:s18+$0x50] =	vst v0  }
0x15: {  	[tilespmem:s18+$0x60] =	vst v0;
	s18 =	sshra.s32 s19, $0x2;
	s19 =	sadd.s32 $0x200, s19  }
0x16: {  	[tilespmem:s18+$0x70] =	vst v0  }
0x17: {  	[tilespmem:s18+$0x0] =	vst v0  }
0x18: {  	[tilespmem:s18+$0x10] =	vst v0  }
0x19: {  	[tilespmem:s18+$0x20] =	vst v0  }
0x1a: {  	[tilespmem:s18+$0x30] =	vst v0  }
0x1b: {  	[tilespmem:s18+$0x40] =	vst v0  }
0x1c: {  	[tilespmem:s18+$0x50] =	vst v0  }
0x1d: {  	[tilespmem:s18+$0x60] =	vst v0;
	s18 =	simm.s32 $0x0  }
0x1e: {  	[tilespmem:s10], [sflag:$0x3] =	stream.linear.gather [hbm4b:s1+s18], $0x80, $0x38;
	[tilespmem:$0x18100] =	vst v63  }
0x1f: {  	_ =	swait.ge [sflag:s11], $0x80  }
0x20: {  	[sflag:s11] =	ssyncset.done $0x0  }
0x21: {  	s19 =	simm.s32 $0x0;
	[sflag:s11] =	ssyncadd.s32 $0xFFFFFF80  }
0x22: {  	v3 =	vimm.f32 $0.0e+00;
	v2 =	vld [tilespmem:$0x18080];
	[tilespmem:s12], [sflag:$0x1] =	stream.linear.gather [hbm4b:s6+s18], $0x4000, $0x38  }
.LBB2_4:
0x23: {  	s20 =	sshll.u32 s19, $0xF  }
0x24: {  	s21 =	sor.u32 s20, s5  }
0x25: {  	s21 =	sshrl.u32 s21, $0x3  }
0x26: {  	s21 =	sadd.s32 s21, s4  }
0x27: {  	s21 =	sadd.s32 $0x800, s21  }
0x28: {  	[tilespmem:s13], [sflag:$0x2] =	stream.linear.gather [hbm4b:s21+s18], $0x4000, $0x38;
	[tilespmem:$0x18100] =	vst v63  }
0x29: {  	_ =	swait.ge [sflag:s14], $0x4000  }
0x2a: {  	[sflag:s14] =	ssyncset.done $0x0  }
0x2b: {  	s21 =	simm.s32 $0x0;
	[sflag:s14] =	ssyncadd.s32 $0xFFFFC000  }
.LBB2_5:
0x2c: {  	s22 =	sshra.s32 s21, $0x2  }
0x2d: {  	v4 =	vld [tilespmem:s22+$0x10000];
	_ =	sdelay $0x4  }
0x2e: {  	v5 =	vshrl.u32 v4, $0x10  }
0x2f: {  	vm0 =	veq.s32 v5, v2  }
0x30: {  	v6 =	vand.u32 $0xFFFF, v4;
	_ =	sdelay $0x4  }
0x31: {  	[tilespmem:v6+s3+$0x0] =	vst.idx.add.s32.msk vm0, v1  }
0x32: {  	v6 =	vld [tilespmem:s22+$0x10010];
	_ =	sdelay $0x4  }
0x33: {  	v7 =	vshrl.u32 v6, $0x10  }
0x34: {  	vm10 =	veq.s32 v7, v2  }
0x35: {  	v8 =	vand.u32 $0xFFFF, v6;
	_ =	sdelay $0x4  }
0x36: {  	[tilespmem:v8+s3+$0x0] =	vst.idx.add.s32.msk vm10, v1  }
0x37: {  	v8 =	vld [tilespmem:s22+$0x10020];
	_ =	sdelay $0x4  }
0x38: {  	v9 =	vshrl.u32 v8, $0x10  }
0x39: {  	vm11 =	veq.s32 v9, v2  }
0x3a: {  	v10 =	vand.u32 $0xFFFF, v8;
	_ =	sdelay $0x4  }
0x3b: {  	[tilespmem:v10+s3+$0x0] =	vst.idx.add.s32.msk vm11, v1  }
0x3c: {  	v10 =	vld [tilespmem:s22+$0x10030];
	_ =	sdelay $0x4  }
0x3d: {  	v11 =	vshrl.u32 v10, $0x10  }
0x3e: {  	vm12 =	veq.s32 v11, v2  }
0x3f: {  	v12 =	vand.u32 $0xFFFF, v10;
	_ =	sdelay $0x4  }
0x40: {  	[tilespmem:v12+s3+$0x0] =	vst.idx.add.s32.msk vm12, v1  }
0x41: {  	v12 =	vld [tilespmem:s22+$0x10040];
	_ =	sdelay $0x4  }
0x42: {  	v13 =	vshrl.u32 v12, $0x10  }
0x43: {  	vm13 =	veq.s32 v13, v2  }
0x44: {  	v14 =	vand.u32 $0xFFFF, v12;
	_ =	sdelay $0x4  }
0x45: {  	[tilespmem:v14+s3+$0x0] =	vst.idx.add.s32.msk vm13, v1  }
0x46: {  	v14 =	vld [tilespmem:s22+$0x10050];
	_ =	sdelay $0x4  }
0x47: {  	v15 =	vshrl.u32 v14, $0x10  }
0x48: {  	vm14 =	veq.s32 v15, v2  }
0x49: {  	v16 =	vand.u32 $0xFFFF, v14;
	_ =	sdelay $0x4  }
0x4a: {  	[tilespmem:v16+s3+$0x0] =	vst.idx.add.s32.msk vm14, v1  }
0x4b: {  	v16 =	vld [tilespmem:s22+$0x10060];
	_ =	sdelay $0x4  }
0x4c: {  	v17 =	vshrl.u32 v16, $0x10  }
0x4d: {  	vm15 =	veq.s32 v17, v2  }
0x4e: {  	v18 =	vand.u32 $0xFFFF, v16;
	_ =	sdelay $0x4  }
0x4f: {  	[tilespmem:v18+s3+$0x0] =	vst.idx.add.s32.msk vm15, v1  }
0x50: {  	v18 =	vld [tilespmem:s22+$0x10070];
	_ =	sdelay $0x4  }
0x51: {  	v19 =	vshrl.u32 v18, $0x10  }
0x52: {  	vm4 =	veq.s32 v19, v2  }
0x53: {  	v20 =	vand.u32 $0xFFFF, v18;
	_ =	sdelay $0x4  }
0x54: {  	[tilespmem:v20+s3+$0x0] =	vst.idx.add.s32.msk vm4, v1  }
0x55: {  	v20 =	vld [tilespmem:s22+$0x10080];
	_ =	sdelay $0x4  }
0x56: {  	v21 =	vshrl.u32 v20, $0x10  }
0x57: {  	vm5 =	veq.s32 v21, v2  }
0x58: {  	v22 =	vand.u32 $0xFFFF, v20;
	_ =	sdelay $0x4  }
0x59: {  	[tilespmem:v22+s3+$0x0] =	vst.idx.add.s32.msk vm5, v1  }
0x5a: {  	v22 =	vld [tilespmem:s22+$0x10090];
	_ =	sdelay $0x4  }
0x5b: {  	v23 =	vshrl.u32 v22, $0x10  }
0x5c: {  	vm6 =	veq.s32 v23, v2  }
0x5d: {  	v24 =	vand.u32 $0xFFFF, v22;
	_ =	sdelay $0x4  }
0x5e: {  	[tilespmem:v24+s3+$0x0] =	vst.idx.add.s32.msk vm6, v1  }
0x5f: {  	v24 =	vld [tilespmem:s22+$0x100A0];
	_ =	sdelay $0x4  }
0x60: {  	v25 =	vshrl.u32 v24, $0x10  }
0x61: {  	vm7 =	veq.s32 v25, v2  }
0x62: {  	v26 =	vand.u32 $0xFFFF, v24;
	_ =	sdelay $0x4  }
0x63: {  	[tilespmem:v26+s3+$0x0] =	vst.idx.add.s32.msk vm7, v1  }
0x64: {  	v26 =	vld [tilespmem:s22+$0x100B0];
	_ =	sdelay $0x4  }
0x65: {  	v27 =	vshrl.u32 v26, $0x10  }
0x66: {  	vm8 =	veq.s32 v27, v2  }
0x67: {  	v28 =	vand.u32 $0xFFFF, v26;
	_ =	sdelay $0x4  }
0x68: {  	[tilespmem:v28+s3+$0x0] =	vst.idx.add.s32.msk vm8, v1  }
0x69: {  	v28 =	vld [tilespmem:s22+$0x100C0];
	_ =	sdelay $0x4  }
0x6a: {  	v29 =	vshrl.u32 v28, $0x10  }
0x6b: {  	vm9 =	veq.s32 v29, v2  }
0x6c: {  	v30 =	vand.u32 $0xFFFF, v28;
	_ =	sdelay $0x4  }
0x6d: {  	[tilespmem:v30+s3+$0x0] =	vst.idx.add.s32.msk vm9, v1  }
0x6e: {  	v30 =	vld [tilespmem:s22+$0x100D0];
	_ =	sdelay $0x4  }
0x6f: {  	v31 =	vshrl.u32 v30, $0x10  }
0x70: {  	vm10 =	vgt.s32 v5, v2;
	vm1 =	veq.s32 v31, v2  }
0x71: {  	v4 =	vnsel vm10, $0x0, v4;
	v5 =	vand.u32 $0xFFFF, v30  }
0x72: {  	v3 =	vadd.f32 v4, v3;
	vm11 =	vgt.s32 v7, v2  }
0x73: {  	v4 =	vnsel vm11, $0x0, v6  }
0x74: {  	v3 =	vadd.f32 v4, v3;
	vm12 =	vgt.s32 v9, v2  }
0x75: {  	v4 =	vnsel vm12, $0x0, v8  }
0x76: {  	v3 =	vadd.f32 v4, v3;
	vm13 =	vgt.s32 v11, v2;
	[tilespmem:v5+s3+$0x0] =	vst.idx.add.s32.msk vm1, v1  }
0x77: {  	v4 =	vnsel vm13, $0x0, v10;
	v5 =	vld [tilespmem:s22+$0x100E0]  }
0x78: {  	v3 =	vadd.f32 v4, v3;
	vm14 =	vgt.s32 v13, v2  }
0x79: {  	v4 =	vnsel vm14, $0x0, v12  }
0x7a: {  	v3 =	vadd.f32 v4, v3;
	vm15 =	vgt.s32 v15, v2  }
0x7b: {  	v4 =	vnsel vm15, $0x0, v14  }
0x7c: {  	v3 =	vadd.f32 v4, v3;
	vm4 =	vgt.s32 v17, v2;
	v4 =	vshrl.u32 v5, $0x10  }
0x7d: {  	v52 =	vnsel vm4, $0x0, v16;
	vm5 =	veq.s32 v4, v2  }
0x7e: {  	v3 =	vadd.f32 v52, v3;
	vm6 =	vgt.s32 v19, v2;
	v53 =	vand.u32 $0xFFFF, v5  }
0x7f: {  	v54 =	vnsel vm6, $0x0, v18  }
0x80: {  	v3 =	vadd.f32 v54, v3;
	vm7 =	vgt.s32 v21, v2  }
0x81: {  	v55 =	vnsel vm7, $0x0, v20  }
0x82: {  	v3 =	vadd.f32 v55, v3;
	vm8 =	vgt.s32 v23, v2  }
0x83: {  	v56 =	vnsel vm8, $0x0, v22;
	[tilespmem:v53+s3+$0x0] =	vst.idx.add.s32.msk vm5, v1  }
0x84: {  	v3 =	vadd.f32 v56, v3;
	vm9 =	vgt.s32 v25, v2;
	v57 =	vld [tilespmem:s22+$0x100F0]  }
0x85: {  	v58 =	vnsel vm9, $0x0, v24  }
0x86: {  	vm10 =	vgt.s32 v27, v2;
	v3 =	vadd.f32 v58, v3  }
0x87: {  	v59 =	vnsel vm10, $0x0, v26  }
0x88: {  	vm11 =	vgt.s32 v29, v2;
	v3 =	vadd.f32 v59, v3  }
0x89: {  	v60 =	vnsel vm11, $0x0, v28;
	v61 =	vshrl.u32 v57, $0x10  }
0x8a: {  	v3 =	vadd.f32 v60, v3;
	vm12 =	vgt.s32 v31, v2;
	vm13 =	veq.s32 v61, v2  }
0x8b: {  	p0 =	sne.s32 s21, $0xFC00;
	v62 =	vnsel vm12, $0x0, v30;
	v63 =	vand.u32 $0xFFFF, v57  }
.Ltmp1:
0x8c: {  	v3 =	vadd.f32 v62, v3;
	vm14 =	vgt.s32 v4, v2;
	(pc) =	sbr.rel @p0 .LBB2_5-.Ltmp1, $4  }
0x8d: {  	v4 =	vnsel vm14, $0x0, v5  }
0x8e: {  	v3 =	vadd.f32 v4, v3;
	vm15 =	vgt.s32 v61, v2  }
0x8f: {  	v4 =	vnsel vm15, $0x0, v57  }
0x90: {  	s21 =	sadd.s32 $0x400, s21;
	v3 =	vadd.f32 v4, v3;
	[tilespmem:v63+s3+$0x0] =	vst.idx.add.s32.msk vm13, v1  }
0x91: {  	p0 =	seq.s32 s19, $0x3;
	s20 =	sadd.s32 $0x8000, s20  }
0x92: {  	s20 =	simm.s32 @p0 $0x3  }
0x93: {  	s20 =	sadd.s32 s5, s20  }
0x94: {  	s20 =	sshrl.u32 s20, $0x3  }
0x95: {  	s21 =	sadd.s32 s4, s20;
	s20 =	simm.s32 $0x0  }
0x96: {  	[tilespmem:s12], [sflag:$0x1] =	stream.linear.gather [hbm4b:s21+s20], $0x4000, $0x38;
	[tilespmem:$0x18100] =	vst v63  }
0x97: {  	_ =	swait.ge [sflag:s15], $0x4000  }
0x98: {  	[sflag:s15] =	ssyncset.done $0x0  }
0x99: {  	[sflag:s15] =	ssyncadd.s32 $0xFFFFC000  }
.LBB2_7:
0x9a: {  	s21 =	sshra.s32 s20, $0x2  }
0x9b: {  	v4 =	vld [tilespmem:s21+$0x14000];
	_ =	sdelay $0x4  }
0x9c: {  	v5 =	vshrl.u32 v4, $0x10  }
0x9d: {  	vm0 =	veq.s32 v5, v2  }
0x9e: {  	v6 =	vand.u32 $0xFFFF, v4;
	_ =	sdelay $0x4  }
0x9f: {  	[tilespmem:v6+s3+$0x0] =	vst.idx.add.s32.msk vm0, v1  }
0xa0: {  	v6 =	vld [tilespmem:s21+$0x14010];
	_ =	sdelay $0x4  }
0xa1: {  	v7 =	vshrl.u32 v6, $0x10  }
0xa2: {  	vm10 =	veq.s32 v7, v2  }
0xa3: {  	v8 =	vand.u32 $0xFFFF, v6;
	_ =	sdelay $0x4  }
0xa4: {  	[tilespmem:v8+s3+$0x0] =	vst.idx.add.s32.msk vm10, v1  }
0xa5: {  	v8 =	vld [tilespmem:s21+$0x14020];
	_ =	sdelay $0x4  }
0xa6: {  	v9 =	vshrl.u32 v8, $0x10  }
0xa7: {  	vm11 =	veq.s32 v9, v2  }
0xa8: {  	v10 =	vand.u32 $0xFFFF, v8;
	_ =	sdelay $0x4  }
0xa9: {  	[tilespmem:v10+s3+$0x0] =	vst.idx.add.s32.msk vm11, v1  }
0xaa: {  	v10 =	vld [tilespmem:s21+$0x14030];
	_ =	sdelay $0x4  }
0xab: {  	v11 =	vshrl.u32 v10, $0x10  }
0xac: {  	vm12 =	veq.s32 v11, v2  }
0xad: {  	v12 =	vand.u32 $0xFFFF, v10;
	_ =	sdelay $0x4  }
0xae: {  	[tilespmem:v12+s3+$0x0] =	vst.idx.add.s32.msk vm12, v1  }
0xaf: {  	v12 =	vld [tilespmem:s21+$0x14040];
	_ =	sdelay $0x4  }
0xb0: {  	v13 =	vshrl.u32 v12, $0x10  }
0xb1: {  	vm13 =	veq.s32 v13, v2  }
0xb2: {  	v14 =	vand.u32 $0xFFFF, v12;
	_ =	sdelay $0x4  }
0xb3: {  	[tilespmem:v14+s3+$0x0] =	vst.idx.add.s32.msk vm13, v1  }
0xb4: {  	v14 =	vld [tilespmem:s21+$0x14050];
	_ =	sdelay $0x4  }
0xb5: {  	v15 =	vshrl.u32 v14, $0x10  }
0xb6: {  	vm14 =	veq.s32 v15, v2  }
0xb7: {  	v16 =	vand.u32 $0xFFFF, v14;
	_ =	sdelay $0x4  }
0xb8: {  	[tilespmem:v16+s3+$0x0] =	vst.idx.add.s32.msk vm14, v1  }
0xb9: {  	v16 =	vld [tilespmem:s21+$0x14060];
	_ =	sdelay $0x4  }
0xba: {  	v17 =	vshrl.u32 v16, $0x10  }
0xbb: {  	vm15 =	veq.s32 v17, v2  }
0xbc: {  	v18 =	vand.u32 $0xFFFF, v16;
	_ =	sdelay $0x4  }
0xbd: {  	[tilespmem:v18+s3+$0x0] =	vst.idx.add.s32.msk vm15, v1  }
0xbe: {  	v18 =	vld [tilespmem:s21+$0x14070];
	_ =	sdelay $0x4  }
0xbf: {  	v19 =	vshrl.u32 v18, $0x10  }
0xc0: {  	vm4 =	veq.s32 v19, v2  }
0xc1: {  	v20 =	vand.u32 $0xFFFF, v18;
	_ =	sdelay $0x4  }
0xc2: {  	[tilespmem:v20+s3+$0x0] =	vst.idx.add.s32.msk vm4, v1  }
0xc3: {  	v20 =	vld [tilespmem:s21+$0x14080];
	_ =	sdelay $0x4  }
0xc4: {  	v21 =	vshrl.u32 v20, $0x10  }
0xc5: {  	vm5 =	veq.s32 v21, v2  }
0xc6: {  	v22 =	vand.u32 $0xFFFF, v20;
	_ =	sdelay $0x4  }
0xc7: {  	[tilespmem:v22+s3+$0x0] =	vst.idx.add.s32.msk vm5, v1  }
0xc8: {  	v22 =	vld [tilespmem:s21+$0x14090];
	_ =	sdelay $0x4  }
0xc9: {  	v23 =	vshrl.u32 v22, $0x10  }
0xca: {  	vm6 =	veq.s32 v23, v2  }
0xcb: {  	v24 =	vand.u32 $0xFFFF, v22;
	_ =	sdelay $0x4  }
0xcc: {  	[tilespmem:v24+s3+$0x0] =	vst.idx.add.s32.msk vm6, v1  }
0xcd: {  	v24 =	vld [tilespmem:s21+$0x140A0];
	_ =	sdelay $0x4  }
0xce: {  	v25 =	vshrl.u32 v24, $0x10  }
0xcf: {  	vm7 =	veq.s32 v25, v2  }
0xd0: {  	v26 =	vand.u32 $0xFFFF, v24;
	_ =	sdelay $0x4  }
0xd1: {  	[tilespmem:v26+s3+$0x0] =	vst.idx.add.s32.msk vm7, v1  }
0xd2: {  	v26 =	vld [tilespmem:s21+$0x140B0];
	_ =	sdelay $0x4  }
0xd3: {  	v27 =	vshrl.u32 v26, $0x10  }
0xd4: {  	vm8 =	veq.s32 v27, v2  }
0xd5: {  	v28 =	vand.u32 $0xFFFF, v26;
	_ =	sdelay $0x4  }
0xd6: {  	[tilespmem:v28+s3+$0x0] =	vst.idx.add.s32.msk vm8, v1  }
0xd7: {  	v28 =	vld [tilespmem:s21+$0x140C0];
	_ =	sdelay $0x4  }
0xd8: {  	v29 =	vshrl.u32 v28, $0x10  }
0xd9: {  	vm9 =	veq.s32 v29, v2  }
0xda: {  	v30 =	vand.u32 $0xFFFF, v28;
	_ =	sdelay $0x4  }
0xdb: {  	[tilespmem:v30+s3+$0x0] =	vst.idx.add.s32.msk vm9, v1  }
0xdc: {  	v30 =	vld [tilespmem:s21+$0x140D0];
	_ =	sdelay $0x4  }
0xdd: {  	v31 =	vshrl.u32 v30, $0x10  }
0xde: {  	vm10 =	vgt.s32 v5, v2;
	vm1 =	veq.s32 v31, v2  }
0xdf: {  	v4 =	vnsel vm10, $0x0, v4;
	v5 =	vand.u32 $0xFFFF, v30  }
0xe0: {  	v3 =	vadd.f32 v4, v3;
	vm11 =	vgt.s32 v7, v2  }
0xe1: {  	v4 =	vnsel vm11, $0x0, v6  }
0xe2: {  	v3 =	vadd.f32 v4, v3;
	vm12 =	vgt.s32 v9, v2  }
0xe3: {  	v4 =	vnsel vm12, $0x0, v8  }
0xe4: {  	v3 =	vadd.f32 v4, v3;
	vm13 =	vgt.s32 v11, v2;
	[tilespmem:v5+s3+$0x0] =	vst.idx.add.s32.msk vm1, v1  }
0xe5: {  	v4 =	vnsel vm13, $0x0, v10;
	v5 =	vld [tilespmem:s21+$0x140E0]  }
0xe6: {  	v3 =	vadd.f32 v4, v3;
	vm14 =	vgt.s32 v13, v2  }
0xe7: {  	v4 =	vnsel vm14, $0x0, v12  }
0xe8: {  	v3 =	vadd.f32 v4, v3;
	vm15 =	vgt.s32 v15, v2  }
0xe9: {  	v4 =	vnsel vm15, $0x0, v14  }
0xea: {  	v3 =	vadd.f32 v4, v3;
	vm4 =	vgt.s32 v17, v2;
	v4 =	vshrl.u32 v5, $0x10  }
0xeb: {  	v52 =	vnsel vm4, $0x0, v16;
	vm5 =	veq.s32 v4, v2  }
0xec: {  	v3 =	vadd.f32 v52, v3;
	vm6 =	vgt.s32 v19, v2;
	v53 =	vand.u32 $0xFFFF, v5  }
0xed: {  	v54 =	vnsel vm6, $0x0, v18  }
0xee: {  	v3 =	vadd.f32 v54, v3;
	vm7 =	vgt.s32 v21, v2  }
0xef: {  	v55 =	vnsel vm7, $0x0, v20  }
0xf0: {  	v3 =	vadd.f32 v55, v3;
	vm8 =	vgt.s32 v23, v2  }
0xf1: {  	v56 =	vnsel vm8, $0x0, v22;
	[tilespmem:v53+s3+$0x0] =	vst.idx.add.s32.msk vm5, v1  }
0xf2: {  	v3 =	vadd.f32 v56, v3;
	vm9 =	vgt.s32 v25, v2;
	v57 =	vld [tilespmem:s21+$0x140F0]  }
0xf3: {  	v58 =	vnsel vm9, $0x0, v24  }
0xf4: {  	vm10 =	vgt.s32 v27, v2;
	v3 =	vadd.f32 v58, v3  }
0xf5: {  	v59 =	vnsel vm10, $0x0, v26  }
0xf6: {  	vm11 =	vgt.s32 v29, v2;
	v3 =	vadd.f32 v59, v3  }
0xf7: {  	v60 =	vnsel vm11, $0x0, v28;
	v61 =	vshrl.u32 v57, $0x10  }
0xf8: {  	v3 =	vadd.f32 v60, v3;
	vm12 =	vgt.s32 v31, v2;
	vm13 =	veq.s32 v61, v2  }
0xf9: {  	p0 =	sne.s32 s20, $0xFC00;
	v62 =	vnsel vm12, $0x0, v30;
	v63 =	vand.u32 $0xFFFF, v57  }
.Ltmp2:
0xfa: {  	v3 =	vadd.f32 v62, v3;
	vm14 =	vgt.s32 v4, v2;
	(pc) =	sbr.rel @p0 .LBB2_7-.Ltmp2, $4  }
0xfb: {  	v4 =	vnsel vm14, $0x0, v5  }
0xfc: {  	v3 =	vadd.f32 v4, v3;
	vm15 =	vgt.s32 v61, v2  }
0xfd: {  	v4 =	vnsel vm15, $0x0, v57  }
0xfe: {  	s20 =	sadd.s32 $0x400, s20;
	v3 =	vadd.f32 v4, v3;
	[tilespmem:v63+s3+$0x0] =	vst.idx.add.s32.msk vm13, v1  }
0xff: {  	s19 =	sadd.s32 $0x1, s19  }
0x100: {  	p0 =	sne.s32 s19, $0x4  }
.Ltmp3:
0x101: {  	_ = 	snop;
	(pc) =	sbr.rel @p0 .LBB2_4-.Ltmp3, $1  }
0x102: {  	_ =	sdelay $0x3  }
0x103: {  	_ =	swait.ge [sflag:s14], $0x4000  }
0x104: {  	[sflag:s14] =	ssyncset.done $0x0  }
0x105: {  	[sflag:s14] =	ssyncadd.s32 $0xFFFFC000  }
0x106: {  	[hbm4b:s7+s3] =	stream.linear.scatter [tilespmem:s3], [sflag:$0x3], $0x10000, $0x38;
	[tilespmem:$0x18100] =	vst v63  }
0x107: {  	_ =	swait.ge [sflag:s11], $0x10000  }
0x108: {  	s17 =	sadd.s32 $0x1, s17;
	[sflag:s11] =	ssyncset.done $0x0  }
0x109: {  	p0 =	sne.s32 s17, s9;
	[sflag:s11] =	ssyncadd.s32 $0xFFFF0000  }
.Ltmp4:
0x10a: {  	[tilespmem:$0x18000] =	vst v3;
	(pc) =	sbr.rel @p0 .LBB2_1-.Ltmp4, $4  }
0x10b: {  	[hbm4b:s8+s3] =	stream.linear.scatter [tilespmem:s16], [sflag:$0x3], $0x10, $0x38;
	[tilespmem:$0x18100] =	vst v63  }
0x10c: {  	_ =	swait.ge [sflag:s11], $0x10  }
0x10d: {  	[sflag:s11] =	ssyncset.done $0x0  }
0x10e: {  	[sflag:s11] =	ssyncadd.s32 $0xFFFFFFF0  }
0x10f: {  	_ =	sfence.sel $0x180000  }
0x110: {  	[bflag:$0x0] =	sbarrier.arrive $0xFFFF  }
0x111: {  	p0 =	sne.s32 s2, $0x0;
	_ =	strace $0x9000004A  }
0x112: {  	s0 =	sadd.s32 @!p0 $0x100000, s0;
	[bflag:$0x2] =	sbarrier.arrive $0xFFFF  }
0x113: {  	[sflag:s0] =	ssyncadd.tile.s32 @!p0 $0x1;
	_ =	shalt  }
.Lfunc_end2:
_tile_overlayer_lowered:
.L_overlay_start_2:
0x114: {  	(tag) =	ssettag $0x2  }
0x115: {  	s0 =	rddreg [dreg:$0x0];
	s2 =	stileid.u32  }
0x116: {  	s1 =	rddreg [dreg:$0x1];
	p0 =	sne.s32 s2, $0x0  }
0x117: {  	s3 =	rddreg [dreg:$0x2];
	[bflag:$0x3] =	sbarrier.arrive $0xFFFF;
	s2 =	simm.s32 @!p0 $0x1C03  }
0x118: {  	[timem:s3], [sflag:s2] =	dma.local @!p0 [hbm:s0], s1  }
0x119: {  	s0 =	simm.s32 @!p0 $0x3  }
0x11a: {  	_ =	swait.ge @!p0 [sflag:s0], s1  }
0x11b: {  	s1 =	ssub.s32 @!p0 $0x0, s1;
	[sflag:s0] =	ssyncset.done @!p0 $0x0  }
0x11c: {  	[sflag:s0] =	ssyncadd.s32 @!p0 s1  }
0x11d: {  	[bflag:$0x3] =	sbarrier.arrive $0xFFFF  }
0x11e: {  	_ =	shalt  }

// kernel: kernel.7.cloned.1.call-start
scs
__scs_entry_jumppad:
0x0: {  	(pc) =	sbr.rel $0x88, $3  }
0x1: {  	(tag) =	ssettag $0x0;
	lr =	simm.s32 $0x1  }
0x2: {  	[smem:$0x3F9E] =	sst lr;
	_ =	strace $0xD0000000  }
0x3: {  	_ = 	snop  }
0x4: {  	_ = 	snop  }
0x5: {  	_ = 	snop  }
0x6: {  	_ = 	snop  }
0x7: {  	_ = 	snop  }
__scs_overlays_trampoline_lowered:
0x8: {  	[smem:$0x3FAD] =	sst s0  }
0x9: {  	[smem:$0x3FAE] =	sst s1  }
0xa: {  	[smem:$0x3FAF] =	sst s2  }
0xb: {  	[smem:$0x3FB0] =	sst s3  }
0xc: {  	[smem:$0x3FB1] =	sst s4  }
0xd: {  	[smem:$0x3FB2] =	sst s5  }
0xe: {  	[smem:$0x3FB3] =	sst s6  }
0xf: {  	[smem:$0x3FB4] =	sst s7  }
0x10: {  	[smem:$0x3FB5] =	sst s8  }
0x11: {  	[smem:$0x3FB6] =	sst s9;
	s0 =	simm.s32 @!p0 $0x0  }
0x12: {  	s1 =	sld [smem:$0x3F9C];
	s0 =	simm.s32 @p0 $0x1  }
0x13: {  	[smem:$0x3FB7] =	sst s0;
	s0 =	simm.s32 @!p1 $0x0  }
0x14: {  	s2 =	sld [smem:$0x3F9B];
	s0 =	simm.s32 @p1 $0x1  }
0x15: {  	[smem:$0x3FB8] =	sst s0;
	s0 =	simm.s32 @!p2 $0x0  }
0x16: {  	s3 =	sld [smem:$0x3FDB];
	s0 =	simm.s32 @p2 $0x1  }
0x17: {  	s4 =	simm.s32 $0x1BF5;
	[smem:$0x3FBA] =	sst s0  }
0x18: {  	s0 =	sld [smem:$0x3F9D];
	_ =	swait.ge [sflag:s4], $0x0  }
0x19: {  	s7 =	sld [smem:$0x3F9E]  }
0x1a: {  	s8 =	sadd.s32 $0xFFFFE003, lr  }
0x1b: {  	s9 =	sadd.s32 $0xFFFFFEF7, lr;
	s5 =	simm.s32 $0xFFFFFFFF;
	p2 =	slt.u32 s8, $0xFFFFF086  }
0x1c: {  	p1 =	slt.u32 s9, $0xF7A;
	s5 =	simm.s32 @!p2 $0x0  }
0x1d: {  	s5 =	simm.s32 @p1 $0x1;
	p0 =	seq.s32 s7, s2  }
0x1e: {  	s7 =	smul.u32 @!p0 $0xF7A, s2;
	p2 =	seq.s32 @!p0 s5, $0x0  }
0x1f: {  	s9 =	smul.u32 $0xF7A, s1;
	s8 =	simm.s32 @!p0 $0x1BF5;
	p2 =	por !p2, p0  }
0x20: {  	[sflag:s8] =	ssyncset.s32 @!p0 $0xFFFFF086;
	s6 =	sadd.s32 @!p0 s3, s7;
	s7 =	simm.s32 @!p0 $0x108  }
0x21: {  	s3 =	sadd.s32 s3, s9;
	s6 =	sadd.s32 @!p0 $0x88, s6;
	s7 =	simm.s32 @p2 $0x1082  }
0x22: {  	[simem:s7], [sflag:s8] =	dma.local @!p0 [hbm:s6], $0xF7A  }
0x23: {  	s9 =	sor.u32 $0xD0000000, s2;
	s6 =	simm.s32 $0x108;
	_ =	swait.ge @!p0 [sflag:s8], $0x0  }
0x24: {  	s3 =	sadd.s32 $0x88, s3;
	s6 =	simm.s32 @!p1 $0x1082;
	[sflag:s4] =	ssyncset.s32 $0xFFFFF086  }
0x25: {  	[simem:s6], [sflag:s4] =	dma.local [hbm:s3], $0xF7A  }
0x26: {  	[smem:$0x3F9E] =	sst s1;
	(tag) =	ssettag s2;
	_ =	strace s9  }
0x27: {  	s1 =	sld [smem:$0x3FAE]  }
0x28: {  	s2 =	sld [smem:$0x3FAF]  }
0x29: {  	s4 =	sld [smem:$0x3FB1]  }
0x2a: {  	p0 =	seq.s32 s5, $0x0;
	s5 =	sld [smem:$0x3FB2]  }
0x2b: {  	s6 =	sld [smem:$0x3FB3]  }
0x2c: {  	s7 =	sld [smem:$0x3FB4]  }
0x2d: {  	s3 =	simm.s32 $0x108;
	s8 =	sld [smem:$0x3FB5]  }
0x2e: {  	s3 =	simm.s32 @!p0 $0x1082;
	s9 =	sld [smem:$0x3FB6]  }
0x2f: {  	lr =	sadd.s32 s0, s3;
	s0 =	sld [smem:$0x3FAD]  }
0x30: {  	s3 =	sld [smem:$0x3FB0]  }
0x31: {  	[smem:$0x3FB9] =	sst s10  }
0x32: {  	s10 =	sld [smem:$0x3FB7];
	_ =	sdelay $0x3  }
0x33: {  	p0 =	seq.s32 s10, $0x1;
	s10 =	sld [smem:$0x3FB9];
	_ =	sdelay $0x3  }
0x34: {  	[smem:$0x3FB9] =	sst s10  }
0x35: {  	s10 =	sld [smem:$0x3FB8];
	_ =	sdelay $0x3  }
0x36: {  	p1 =	seq.s32 s10, $0x1;
	s10 =	sld [smem:$0x3FB9];
	_ =	sdelay $0x3  }
0x37: {  	[smem:$0x3FB9] =	sst s10  }
0x38: {  	s10 =	sld [smem:$0x3FBA]  }
0x39: {  	_ = 	snop;
	(pc) =	sbr.ind lr, $3  }
0x3a: {  	_ = 	snop  }
0x3b: {  	_ = 	snop  }
0x3c: {  	p2 =	seq.s32 s10, $0x1;
	s10 =	sld [smem:$0x3FB9]  }
0x3d: {  	_ =	shalt  }
0x3e: {  	_ =	shalt  }
0x3f: {  	_ =	shalt  }
0x40: {  	_ =	shalt  }
0x41: {  	_ =	shalt  }
0x42: {  	_ =	shalt  }
0x43: {  	_ =	shalt  }
0x44: {  	_ =	shalt  }
0x45: {  	_ =	shalt  }
0x46: {  	_ =	shalt  }
0x47: {  	_ =	shalt  }
0x48: {  	_ =	shalt  }
0x49: {  	_ =	shalt  }
0x4a: {  	_ =	shalt  }
0x4b: {  	_ =	shalt  }
0x4c: {  	_ =	shalt  }
0x4d: {  	_ =	shalt  }
0x4e: {  	_ =	shalt  }
0x4f: {  	_ =	shalt  }
0x50: {  	_ =	shalt  }
0x51: {  	_ =	shalt  }
0x52: {  	_ =	shalt  }
0x53: {  	_ =	shalt  }
0x54: {  	_ =	shalt  }
0x55: {  	_ =	shalt  }
0x56: {  	_ =	shalt  }
0x57: {  	_ =	shalt  }
0x58: {  	_ =	shalt  }
0x59: {  	_ =	shalt  }
0x5a: {  	_ =	shalt  }
0x5b: {  	_ =	shalt  }
0x5c: {  	_ =	shalt  }
0x5d: {  	_ =	shalt  }
0x5e: {  	_ =	shalt  }
0x5f: {  	_ =	shalt  }
0x60: {  	_ =	shalt  }
0x61: {  	_ =	shalt  }
0x62: {  	_ =	shalt  }
0x63: {  	_ =	shalt  }
0x64: {  	_ =	shalt  }
0x65: {  	_ =	shalt  }
0x66: {  	_ =	shalt  }
0x67: {  	_ =	shalt  }
0x68: {  	_ =	shalt  }
0x69: {  	_ =	shalt  }
0x6a: {  	_ =	shalt  }
0x6b: {  	_ =	shalt  }
0x6c: {  	_ =	shalt  }
0x6d: {  	_ =	shalt  }
0x6e: {  	_ =	shalt  }
0x6f: {  	_ =	shalt  }
0x70: {  	_ =	shalt  }
0x71: {  	_ =	shalt  }
0x72: {  	_ =	shalt  }
0x73: {  	_ =	shalt  }
0x74: {  	_ =	shalt  }
0x75: {  	_ =	shalt  }
0x76: {  	_ =	shalt  }
0x77: {  	_ =	shalt  }
0x78: {  	_ =	shalt  }
0x79: {  	_ =	shalt  }
0x7a: {  	_ =	shalt  }
0x7b: {  	_ =	shalt  }
0x7c: {  	_ =	shalt  }
0x7d: {  	_ =	shalt  }
0x7e: {  	_ =	shalt  }
0x7f: {  	_ =	shalt  }
0x80: {  	_ =	shalt  }
0x81: {  	_ =	shalt  }
0x82: {  	_ =	shalt  }
0x83: {  	_ =	shalt  }
0x84: {  	_ =	shalt  }
0x85: {  	_ =	shalt  }
0x86: {  	_ =	shalt  }
0x87: {  	_ =	shalt  }
.Lfunc_end0:
.L_simem_size_0:
called_computation_lowered:
.L_overlay_start_0:
0x88: {  	s2 =	sld [smem:$0x3FD9]  }
0x89: {  	s3 =	sld [smem:$0x3FFE];
	_ =	sdelay $0x1  }
0x8a: {  	s1 =	srdreg.scid  }
0x8b: {  	s0 =	sand.u32 $0x1, s1  }
0x8c: {  	s17 =	sshll.u32 s0, $0xA;
	s2 =	sadd.s32 s3, s2  }
0x8d: {  	s2 =	sadd.s32 s2, s17  }
0x8e: {  	[smem:$0x3FC5] =	sst s2  }
0x8f: {  	_ = 	snop  }
0x90: {  	s2 =	sld [smem:$0x3FD0];
	(tm) =	ssettm $0x1  }
0x91: {  	s18 =	sld [smem:$0x3FFB];
	_ =	sdelay $0x3  }
0x92: {  	_ =	strace s18  }
0x93: {  	s3 =	sld [smem:$0x3FFC];
	_ =	sdelay $0x3  }
0x94: {  	_ =	strace s3  }
0x95: {  	s3 =	sld [smem:$0x3FFD];
	_ =	sdelay $0x3  }
0x96: {  	_ =	strace s3  }
0x97: {  	_ =	strace $0x8FFFFFFF  }
0x98: {  	s19 =	sld [smem:$0x3FDB];
	_ =	sdelay $0x1  }
0x99: {  	s4 =	simm.s32 $_scs_section_size  }
0x9a: {  	s5 =	simm.s32 $_size__tile_overlayer_lowered;
	s6 =	simm.s32 $_tile_overlayer_lowered  }
0x9b: {  	s22 =	simm.s32 $0x1BFF;
	s21 =	sshll.u32 s6, $0x1;
	s3 =	sadd.s32 s4, s19  }
0x9c: {  	s7 =	simm.s32 $0x0;
	s20 =	sshll.u32 s5, $0x1;
	s5 =	sadd.s32 s21, s3  }
0x9d: {  	[timem:s7], [sflag:s22] =	dma.local [hbm:s5], s20  }
0x9e: {  	_ =	swait.ge [sflag:s22], s20  }
0x9f: {  	s4 =	ssub.s32 $0x0, s20;
	[sflag:s22] =	ssyncset.done $0x0  }
0xa0: {  	[sflag:s22] =	ssyncadd.s32 s4;
	_ =	sdelay $0x1  }
0xa1: {  	s23 =	simm.s32 $0x1B8B  }
0xa2: {  	_ =	swait.ge [sflag:s23], $0x1  }
0xa3: {  	[sflag:s23] =	ssyncset.done $0x0  }
0xa4: {  	s25 =	simm.s32 $0x1B8E;
	s24 =	sld [smem:$0x3FFE];
	[sflag:s23] =	ssyncadd.s32 $0xFFFFFFFF  }
0xa5: {  	s26 =	simm.s32 $execute0_lowered;
	[smem:$0x3FD2] =	sst s25  }
0xa6: {  	s5 =	sshll.u32 s26, $0x1;
	_ =	strace $0x80000046;
	[dreg:$0x1] =	wrdreg $0xFFFFFFFF  }
0xa7: {  	s28 =	simm.s32 $_size_execute0_lowered;
	s3 =	sadd.s32 s3, s5;
	[dreg:$0x0] =	wrdreg $0x0  }
0xa8: {  	s5 =	sshll.u32 s28, $0x1;
	[dreg:$0x2] =	wrdreg s3  }
0xa9: {  	[dreg:$0x3] =	wrdreg s5  }
0xaa: {  	[dreg:$0x4] =	wrdreg $0xC0  }
0xab: {  	_ =	task [dreg:s7], $0x5FFFF  }
0xac: {  	[dreg:$0x1] =	wrdreg $0xFFFFFFFF  }
0xad: {  	[dreg:$0x0] =	wrdreg $0x60  }
0xae: {  	[dreg:$0x2] =	wrdreg s24  }
0xaf: {  	[dreg:$0x3] =	wrdreg s2  }
0xb0: {  	[dreg:$0x4] =	wrdreg $0x9  }
0xb1: {  	_ =	task.clear_ibuf [dreg:s7], $0x5FFFF;
	_ =	strace $0x90000046  }
0xb2: {  	s29 =	simm.s32 $0x9;
	_ =	strace $0x80000048  }
0xb3: {  	_ =	swait.ge [sflag:s29], $0x1  }
0xb4: {  	[sflag:s29] =	ssyncadd.s32 $0xFFFFFFFF  }
0xb5: {  	_ =	strace $0x90000048  }
0xb6: {  	_ =	sfence  }
0xb7: {  	s30 =	sld [smem:$0x0];
	_ =	sdelay $0x2  }
0xb8: {  	s31 =	sshll.u32 s1, $0xD;
	s1 =	sshrl.u32 s1, $0x2  }
0xb9: {  	s3 =	sand.u32 $0x4000, s31;
	s1 =	sadd.s32 s1, s30  }
0xba: {  	s0 =	sor.u32 s3, s0;
	s1 =	sshll.u32 s1, $0x11  }
0xbb: {  	s0 =	sor.u32 s1, s0  }
0xbc: {  	s0 =	sadd.s32 $0x8F2B, s0  }
0xbd: {  	[sflag:s0] =	ssyncadd.remote.s32 $0x1  }
0xbe: {  	_ =	sfence.sel $0xFFFF  }
0xbf: {  	[dreg:$0x0] =	wrdreg $0xFFFFFFFF;
	(pc) =	sbr.abs _section_cstart, $3  }
0xc0: {  	[dreg:$0x1] =	wrdreg $0xFFFFFFFF  }
0xc1: {  	_ =	task.clear_ibuf [dreg:s7], $0x2FFFF;
	_ =	strace $0x9FFFFFFF  }
0xc2: {  	(tm) =	ssettm $0x7FFFFFFF  }
0xc3: {  	_ =	shalt  }
tec
execute0_lowered:
.L_overlay_start_1:
0x0: {  	(tag) =	ssettag $0x1  }
0x1: {  	s5 =	rddreg [dreg:$0x0]  }
0x2: {  	s1 =	rddreg [dreg:$0x1];
	s2 =	srdreg.scid  }
0x3: {  	s0 =	rddreg [dreg:$0x2];
	s3 =	simm.s32 $0x0;
	s11 =	simm.s32 $0x3  }
0x4: {  	s12 =	simm.s32 $0x8000;
	s13 =	simm.s32 $0xC000;
	s14 =	simm.s32 $0x1  }
0x5: {  	s15 =	simm.s32 $0x2;
	s16 =	simm.s32 $0x10000;
	s17 =	simm.s32 $0x0  }
0x6: {  	s6 =	sand.u32 $0x1, s2;
	[smem:$0x7FF] =	sst s3;
	s2 =	stileid.u32  }
0x7: {  	s4 =	sadd.s32 $0x1E00, s5;
	s7 =	sshll.u32 s6, $0x4;
	s6 =	ssub.s32 $0x2, s6  }
0x8: {  	_ =	strace $0x80000047;
	s7 =	sor.u32 s2, s7;
	s30 =	sshrl.u32 s6, $0x1  }
0x9: {  	s8 =	sshll.u32 s7, $0xC;
	s9 =	sshll.u32 s7, $0x1;
	s10 =	ssub.s32 s6, s30  }
0xa: {  	s31 =	sshll.u32 s7, $0xE;
	s8 =	sadd.s32 s8, s5;
	s9 =	sadd.s32 s9, s5  }
0xb: {  	s5 =	sshll.u32 s7, $0x11;
	s6 =	sadd.s32 s4, s31;
	s7 =	sadd.s32 $0x82000, s8  }
0xc: {  	v0 =	vimm.s32 $0x0;
	v1 =	vimm.s32 $0x1;
	v2 =	vimm.f32 $0.0e+00;
	s8 =	sadd.s32 $0x81E00, s9;
	s9 =	smax.u32 s10, $0x1;
	s10 =	simm.s32 $0x10080  }
.LBB2_1:
0xd: {  	s18 =	simm.s32 $0x0;
	s19 =	simm.s32 $0x200  }
.LBB2_2:
0xe: {  	p0 =	sne.s32 s19, $0x1FE00;
	[tilespmem:s18+$0x70] =	vst v0  }
0xf: {  	[tilespmem:s18+$0x0] =	vst v0  }
0x10: {  	[tilespmem:s18+$0x10] =	vst v0  }
.Ltmp0:
0x11: {  	[tilespmem:s18+$0x20] =	vst v0;
	(pc) =	sbr.rel @p0 .LBB2_2-.Ltmp0, $4  }
0x12: {  	[tilespmem:s18+$0x30] =	vst v0  }
0x13: {  	[tilespmem:s18+$0x40] =	vst v0  }
0x14: {  	[tilespmem:s18+$0x50] =	vst v0  }
0x15: {  	[tilespmem:s18+$0x60] =	vst v0;
	s18 =	sshra.s32 s19, $0x2;
	s19 =	sadd.s32 $0x200, s19  }
0x16: {  	[tilespmem:s18+$0x70] =	vst v0  }
0x17: {  	[tilespmem:s18+$0x0] =	vst v0  }
0x18: {  	[tilespmem:s18+$0x10] =	vst v0  }
0x19: {  	[tilespmem:s18+$0x20] =	vst v0  }
0x1a: {  	[tilespmem:s18+$0x30] =	vst v0  }
0x1b: {  	[tilespmem:s18+$0x40] =	vst v0  }
0x1c: {  	[tilespmem:s18+$0x50] =	vst v0  }
0x1d: {  	[tilespmem:s18+$0x60] =	vst v0;
	s18 =	simm.s32 $0x0  }
0x1e: {  	[tilespmem:s10], [sflag:$0x3] =	stream.linear.gather [hbm4b:s1+s18], $0x80, $0x38;
	[tilespmem:$0x10100] =	vst v63  }
0x1f: {  	_ =	swait.ge [sflag:s11], $0x80  }
0x20: {  	[sflag:s11] =	ssyncset.done $0x0  }
0x21: {  	s19 =	simm.s32 $0x0;
	[sflag:s11] =	ssyncadd.s32 $0xFFFFFF80  }
0x22: {  	[tilespmem:s12], [sflag:$0x1] =	stream.linear.gather [hbm4b:s6+s18], $0x4000, $0x38;
	[tilespmem:$0x10100] =	vst v63  }
.LBB2_4:
0x23: {  	s20 =	sshll.u32 s19, $0xF  }
0x24: {  	s21 =	sor.u32 s20, s5  }
0x25: {  	s21 =	sshrl.u32 s21, $0x3  }
0x26: {  	s21 =	sadd.s32 s21, s4  }
0x27: {  	s21 =	sadd.s32 $0x800, s21  }
0x28: {  	[tilespmem:s13], [sflag:$0x2] =	stream.linear.gather [hbm4b:s21+s18], $0x4000, $0x38;
	[tilespmem:$0x10100] =	vst v63  }
0x29: {  	_ =	swait.ge [sflag:s14], $0x4000  }
0x2a: {  	[sflag:s14] =	ssyncset.done $0x0  }
0x2b: {  	s21 =	simm.s32 $0x0;
	[sflag:s14] =	ssyncadd.s32 $0xFFFFC000  }
.LBB2_5:
0x2c: {  	s22 =	sshra.s32 s21, $0x2  }
0x2d: {  	v3 =	vld [tilespmem:s22+$0x8000];
	_ =	sdelay $0x4  }
0x2e: {  	v3 =	vshrl.u32 v3, $0x10;
	_ =	sdelay $0x4  }
0x2f: {  	[tilespmem:v3+s3+$0x0] =	vst.idx.add.s32.msk $0xffff, v1  }
0x30: {  	v3 =	vld [tilespmem:s22+$0x8010];
	_ =	sdelay $0x4  }
0x31: {  	v3 =	vshrl.u32 v3, $0x10;
	_ =	sdelay $0x4  }
0x32: {  	[tilespmem:v3+s3+$0x0] =	vst.idx.add.s32.msk $0xffff, v1  }
0x33: {  	v3 =	vld [tilespmem:s22+$0x8020];
	_ =	sdelay $0x4  }
0x34: {  	v3 =	vshrl.u32 v3, $0x10;
	_ =	sdelay $0x4  }
0x35: {  	[tilespmem:v3+s3+$0x0] =	vst.idx.add.s32.msk $0xffff, v1  }
0x36: {  	v3 =	vld [tilespmem:s22+$0x8030];
	_ =	sdelay $0x4  }
0x37: {  	v3 =	vshrl.u32 v3, $0x10;
	_ =	sdelay $0x4  }
0x38: {  	[tilespmem:v3+s3+$0x0] =	vst.idx.add.s32.msk $0xffff, v1  }
0x39: {  	v3 =	vld [tilespmem:s22+$0x8040];
	_ =	sdelay $0x4  }
0x3a: {  	v3 =	vshrl.u32 v3, $0x10;
	_ =	sdelay $0x4  }
0x3b: {  	[tilespmem:v3+s3+$0x0] =	vst.idx.add.s32.msk $0xffff, v1  }
0x3c: {  	v3 =	vld [tilespmem:s22+$0x8050];
	_ =	sdelay $0x4  }
0x3d: {  	v3 =	vshrl.u32 v3, $0x10;
	_ =	sdelay $0x4  }
0x3e: {  	[tilespmem:v3+s3+$0x0] =	vst.idx.add.s32.msk $0xffff, v1  }
0x3f: {  	v3 =	vld [tilespmem:s22+$0x8060];
	_ =	sdelay $0x4  }
0x40: {  	v3 =	vshrl.u32 v3, $0x10;
	_ =	sdelay $0x4  }
0x41: {  	[tilespmem:v3+s3+$0x0] =	vst.idx.add.s32.msk $0xffff, v1  }
0x42: {  	v3 =	vld [tilespmem:s22+$0x8070];
	_ =	sdelay $0x4  }
0x43: {  	v3 =	vshrl.u32 v3, $0x10;
	_ =	sdelay $0x4  }
0x44: {  	[tilespmem:v3+s3+$0x0] =	vst.idx.add.s32.msk $0xffff, v1  }
0x45: {  	v3 =	vld [tilespmem:s22+$0x8080];
	_ =	sdelay $0x4  }
0x46: {  	v3 =	vshrl.u32 v3, $0x10;
	_ =	sdelay $0x4  }
0x47: {  	[tilespmem:v3+s3+$0x0] =	vst.idx.add.s32.msk $0xffff, v1  }
0x48: {  	v3 =	vld [tilespmem:s22+$0x8090];
	_ =	sdelay $0x4  }
0x49: {  	v3 =	vshrl.u32 v3, $0x10;
	_ =	sdelay $0x4  }
0x4a: {  	[tilespmem:v3+s3+$0x0] =	vst.idx.add.s32.msk $0xffff, v1  }
0x4b: {  	v3 =	vld [tilespmem:s22+$0x80A0];
	_ =	sdelay $0x4  }
0x4c: {  	v3 =	vshrl.u32 v3, $0x10;
	_ =	sdelay $0x4  }
0x4d: {  	[tilespmem:v3+s3+$0x0] =	vst.idx.add.s32.msk $0xffff, v1  }
0x4e: {  	v3 =	vld [tilespmem:s22+$0x80B0];
	_ =	sdelay $0x4  }
0x4f: {  	v3 =	vshrl.u32 v3, $0x10;
	_ =	sdelay $0x4  }
0x50: {  	[tilespmem:v3+s3+$0x0] =	vst.idx.add.s32.msk $0xffff, v1  }
0x51: {  	v3 =	vld [tilespmem:s22+$0x80C0];
	_ =	sdelay $0x4  }
0x52: {  	v3 =	vshrl.u32 v3, $0x10;
	_ =	sdelay $0x4  }
0x53: {  	[tilespmem:v3+s3+$0x0] =	vst.idx.add.s32.msk $0xffff, v1  }
0x54: {  	v3 =	vld [tilespmem:s22+$0x80D0];
	_ =	sdelay $0x4  }
0x55: {  	v3 =	vshrl.u32 v3, $0x10;
	_ =	sdelay $0x4  }
0x56: {  	[tilespmem:v3+s3+$0x0] =	vst.idx.add.s32.msk $0xffff, v1  }
0x57: {  	v3 =	vld [tilespmem:s22+$0x80E0];
	_ =	sdelay $0x4  }
0x58: {  	v3 =	vshrl.u32 v3, $0x10;
	_ =	sdelay $0x4  }
0x59: {  	[tilespmem:v3+s3+$0x0] =	vst.idx.add.s32.msk $0xffff, v1  }
0x5a: {  	v3 =	vld [tilespmem:s22+$0x80F0];
	_ =	sdelay $0x4  }
0x5b: {  	p0 =	sne.s32 s21, $0xFC00;
	v3 =	vshrl.u32 v3, $0x10  }
.Ltmp1:
0x5c: {  	_ = 	snop;
	(pc) =	sbr.rel @p0 .LBB2_5-.Ltmp1, $2  }
0x5d: {  	_ =	sdelay $0x2  }
0x5e: {  	s21 =	sadd.s32 $0x400, s21;
	[tilespmem:v3+s3+$0x0] =	vst.idx.add.s32.msk $0xffff, v1  }
0x5f: {  	p0 =	seq.s32 s19, $0x3;
	s20 =	sadd.s32 $0x8000, s20  }
0x60: {  	s20 =	simm.s32 @p0 $0x3  }
0x61: {  	s20 =	sadd.s32 s5, s20  }
0x62: {  	s20 =	sshrl.u32 s20, $0x3  }
0x63: {  	s21 =	sadd.s32 s4, s20;
	s20 =	simm.s32 $0x0  }
0x64: {  	[tilespmem:s12], [sflag:$0x1] =	stream.linear.gather [hbm4b:s21+s20], $0x4000, $0x38;
	[tilespmem:$0x10100] =	vst v63  }
0x65: {  	_ =	swait.ge [sflag:s15], $0x4000  }
0x66: {  	[sflag:s15] =	ssyncset.done $0x0  }
0x67: {  	[sflag:s15] =	ssyncadd.s32 $0xFFFFC000  }
.LBB2_7:
0x68: {  	s21 =	sshra.s32 s20, $0x2  }
0x69: {  	v3 =	vld [tilespmem:s21+$0xC000];
	_ =	sdelay $0x4  }
0x6a: {  	v3 =	vshrl.u32 v3, $0x10;
	_ =	sdelay $0x4  }
0x6b: {  	[tilespmem:v3+s3+$0x0] =	vst.idx.add.s32.msk $0xffff, v1  }
0x6c: {  	v3 =	vld [tilespmem:s21+$0xC010];
	_ =	sdelay $0x4  }
0x6d: {  	v3 =	vshrl.u32 v3, $0x10;
	_ =	sdelay $0x4  }
0x6e: {  	[tilespmem:v3+s3+$0x0] =	vst.idx.add.s32.msk $0xffff, v1  }
0x6f: {  	v3 =	vld [tilespmem:s21+$0xC020];
	_ =	sdelay $0x4  }
0x70: {  	v3 =	vshrl.u32 v3, $0x10;
	_ =	sdelay $0x4  }
0x71: {  	[tilespmem:v3+s3+$0x0] =	vst.idx.add.s32.msk $0xffff, v1  }
0x72: {  	v3 =	vld [tilespmem:s21+$0xC030];
	_ =	sdelay $0x4  }
0x73: {  	v3 =	vshrl.u32 v3, $0x10;
	_ =	sdelay $0x4  }
0x74: {  	[tilespmem:v3+s3+$0x0] =	vst.idx.add.s32.msk $0xffff, v1  }
0x75: {  	v3 =	vld [tilespmem:s21+$0xC040];
	_ =	sdelay $0x4  }
0x76: {  	v3 =	vshrl.u32 v3, $0x10;
	_ =	sdelay $0x4  }
0x77: {  	[tilespmem:v3+s3+$0x0] =	vst.idx.add.s32.msk $0xffff, v1  }
0x78: {  	v3 =	vld [tilespmem:s21+$0xC050];
	_ =	sdelay $0x4  }
0x79: {  	v3 =	vshrl.u32 v3, $0x10;
	_ =	sdelay $0x4  }
0x7a: {  	[tilespmem:v3+s3+$0x0] =	vst.idx.add.s32.msk $0xffff, v1  }
0x7b: {  	v3 =	vld [tilespmem:s21+$0xC060];
	_ =	sdelay $0x4  }
0x7c: {  	v3 =	vshrl.u32 v3, $0x10;
	_ =	sdelay $0x4  }
0x7d: {  	[tilespmem:v3+s3+$0x0] =	vst.idx.add.s32.msk $0xffff, v1  }
0x7e: {  	v3 =	vld [tilespmem:s21+$0xC070];
	_ =	sdelay $0x4  }
0x7f: {  	v3 =	vshrl.u32 v3, $0x10;
	_ =	sdelay $0x4  }
0x80: {  	[tilespmem:v3+s3+$0x0] =	vst.idx.add.s32.msk $0xffff, v1  }
0x81: {  	v3 =	vld [tilespmem:s21+$0xC080];
	_ =	sdelay $0x4  }
0x82: {  	v3 =	vshrl.u32 v3, $0x10;
	_ =	sdelay $0x4  }
0x83: {  	[tilespmem:v3+s3+$0x0] =	vst.idx.add.s32.msk $0xffff, v1  }
0x84: {  	v3 =	vld [tilespmem:s21+$0xC090];
	_ =	sdelay $0x4  }
0x85: {  	v3 =	vshrl.u32 v3, $0x10;
	_ =	sdelay $0x4  }
0x86: {  	[tilespmem:v3+s3+$0x0] =	vst.idx.add.s32.msk $0xffff, v1  }
0x87: {  	v3 =	vld [tilespmem:s21+$0xC0A0];
	_ =	sdelay $0x4  }
0x88: {  	v3 =	vshrl.u32 v3, $0x10;
	_ =	sdelay $0x4  }
0x89: {  	[tilespmem:v3+s3+$0x0] =	vst.idx.add.s32.msk $0xffff, v1  }
0x8a: {  	v3 =	vld [tilespmem:s21+$0xC0B0];
	_ =	sdelay $0x4  }
0x8b: {  	v3 =	vshrl.u32 v3, $0x10;
	_ =	sdelay $0x4  }
0x8c: {  	[tilespmem:v3+s3+$0x0] =	vst.idx.add.s32.msk $0xffff, v1  }
0x8d: {  	v3 =	vld [tilespmem:s21+$0xC0C0];
	_ =	sdelay $0x4  }
0x8e: {  	v3 =	vshrl.u32 v3, $0x10;
	_ =	sdelay $0x4  }
0x8f: {  	[tilespmem:v3+s3+$0x0] =	vst.idx.add.s32.msk $0xffff, v1  }
0x90: {  	v3 =	vld [tilespmem:s21+$0xC0D0];
	_ =	sdelay $0x4  }
0x91: {  	v3 =	vshrl.u32 v3, $0x10;
	_ =	sdelay $0x4  }
0x92: {  	[tilespmem:v3+s3+$0x0] =	vst.idx.add.s32.msk $0xffff, v1  }
0x93: {  	v3 =	vld [tilespmem:s21+$0xC0E0];
	_ =	sdelay $0x4  }
0x94: {  	v3 =	vshrl.u32 v3, $0x10;
	_ =	sdelay $0x4  }
0x95: {  	[tilespmem:v3+s3+$0x0] =	vst.idx.add.s32.msk $0xffff, v1  }
0x96: {  	v3 =	vld [tilespmem:s21+$0xC0F0];
	_ =	sdelay $0x4  }
0x97: {  	p0 =	sne.s32 s20, $0xFC00;
	v3 =	vshrl.u32 v3, $0x10  }
.Ltmp2:
0x98: {  	_ = 	snop;
	(pc) =	sbr.rel @p0 .LBB2_7-.Ltmp2, $2  }
0x99: {  	_ =	sdelay $0x2  }
0x9a: {  	s20 =	sadd.s32 $0x400, s20;
	[tilespmem:v3+s3+$0x0] =	vst.idx.add.s32.msk $0xffff, v1  }
0x9b: {  	s19 =	sadd.s32 $0x1, s19  }
0x9c: {  	p0 =	sne.s32 s19, $0x4  }
.Ltmp3:
0x9d: {  	_ = 	snop;
	(pc) =	sbr.rel @p0 .LBB2_4-.Ltmp3, $1  }
0x9e: {  	_ =	sdelay $0x3  }
0x9f: {  	_ =	swait.ge [sflag:s14], $0x4000  }
0xa0: {  	[sflag:s14] =	ssyncset.done $0x0  }
0xa1: {  	[sflag:s14] =	ssyncadd.s32 $0xFFFFC000  }
0xa2: {  	[hbm4b:s7+s3] =	stream.linear.scatter [tilespmem:s3], [sflag:$0x3], $0x8000, $0x38;
	[tilespmem:$0x10100] =	vst v63  }
0xa3: {  	_ =	swait.ge [sflag:s11], $0x8000  }
0xa4: {  	s17 =	sadd.s32 $0x1, s17;
	[sflag:s11] =	ssyncset.done $0x0  }
0xa5: {  	p0 =	sne.s32 s17, s9;
	[sflag:s11] =	ssyncadd.s32 $0xFFFF8000  }
.Ltmp4:
0xa6: {  	[tilespmem:$0x10000] =	vst v2;
	(pc) =	sbr.rel @p0 .LBB2_1-.Ltmp4, $4  }
0xa7: {  	[hbm4b:s8+s3] =	stream.linear.scatter [tilespmem:s16], [sflag:$0x3], $0x10, $0x38;
	[tilespmem:$0x10100] =	vst v63  }
0xa8: {  	_ =	swait.ge [sflag:s11], $0x10  }
0xa9: {  	[sflag:s11] =	ssyncset.done $0x0  }
0xaa: {  	[sflag:s11] =	ssyncadd.s32 $0xFFFFFFF0  }
0xab: {  	_ =	sfence.sel $0x180000  }
0xac: {  	[bflag:$0x0] =	sbarrier.arrive $0xFFFF  }
0xad: {  	p0 =	sne.s32 s2, $0x0;
	_ =	strace $0x90000047  }
0xae: {  	s0 =	sadd.s32 @!p0 $0x100000, s0;
	[bflag:$0x2] =	sbarrier.arrive $0xFFFF  }
0xaf: {  	[sflag:s0] =	ssyncadd.tile.s32 @!p0 $0x1;
	_ =	shalt  }
.Lfunc_end2:
_tile_overlayer_lowered:
.L_overlay_start_2:
0xb0: {  	(tag) =	ssettag $0x2  }
0xb1: {  	s0 =	rddreg [dreg:$0x0];
	s2 =	stileid.u32  }
0xb2: {  	s1 =	rddreg [dreg:$0x1];
	p0 =	sne.s32 s2, $0x0  }
0xb3: {  	s3 =	rddreg [dreg:$0x2];
	[bflag:$0x3] =	sbarrier.arrive $0xFFFF;
	s2 =	simm.s32 @!p0 $0x1C03  }
0xb4: {  	[timem:s3], [sflag:s2] =	dma.local @!p0 [hbm:s0], s1  }
0xb5: {  	s0 =	simm.s32 @!p0 $0x3  }
0xb6: {  	_ =	swait.ge @!p0 [sflag:s0], s1  }
0xb7: {  	s1 =	ssub.s32 @!p0 $0x0, s1;
	[sflag:s0] =	ssyncset.done @!p0 $0x0  }
0xb8: {  	[sflag:s0] =	ssyncadd.s32 @!p0 s1  }
0xb9: {  	[bflag:$0x3] =	sbarrier.arrive $0xFFFF  }
0xba: {  	_ =	shalt  }

</sc_bundles>
